<compile_context>
chip_gen: v7x
topology: tpu7x:2x2x1
jax: 0.10.2.dev20260603
libtpu: 0.0.44.dev20260713+nightly
codegen_flags: <defaults>
</compile_context>

<pallas_src>
import functools

import jax
import jax.numpy as jnp
from jax import lax
from jax.experimental import pallas as pl
from jax.experimental.pallas import tpu as pltpu
from jax.experimental.pallas import tpu_sc as plsc

_NC = 2
_NS = 16
_NW = _NC * _NS
_L = 16
_D = 128
_KPR = _D // _L
_NLEV = 8

_OFF_C = 0
_OFF_G = 128
_OFF_MEAN = 256
_OFF_BVEC = 384
_OFF_LVEC = 400
_OFF_B3 = 416
_OFF_B1 = 432
_OFF_B5 = 448
_PREP_LEN = 464


def _lane_gather(v, idx):
    return lax.gather(
        v, idx[:, None],
        lax.GatherDimensionNumbers(
            offset_dims=(), collapsed_slice_dims=(0,), start_index_map=(0,)),
        (1,), mode=lax.GatherScatterMode.PROMISE_IN_BOUNDS)


def _lane_perm(v, xor_mask):
    return _lane_gather(v, lax.iota(jnp.int32, _L) ^ xor_mask)


def _swap_pairs(v):
    return _lane_perm(v, 1)


def _lane_sum_splat(v):
    for step in (1, 2, 4, 8):
        v = v + _lane_perm(v, step)
    return v


def _rsqrt_newton(x):
    i = plsc.bitcast(x, jnp.int32)
    i = 0x5F3759DF - (i >> 1)
    y = plsc.bitcast(i, jnp.float32)
    xh = x * 0.5
    for _ in range(2):
        y = y * (1.5 - xh * y * y)
    return y


def _build_prep(rotation_angles, mean_correction, centroids, running_mean):
    c = jnp.cos(rotation_angles)
    s = jnp.sin(rotation_angles)
    cfull = jnp.repeat(c, 2)
    gfull = jnp.stack([-s, s], axis=-1).reshape(-1)
    mean = running_mean + mean_correction
    bounds = (centroids[:-1] + centroids[1:]) * 0.5
    bvec = jnp.concatenate([bounds, jnp.zeros((_L - _NLEV + 1,))])
    lvec = jnp.concatenate([centroids, jnp.zeros((_L - _NLEV,))])
    b3 = jnp.full((_L,), bounds[_NLEV // 2 - 1])
    b1 = jnp.full((_L,), bounds[1])
    b5 = jnp.full((_L,), bounds[5])
    return jnp.concatenate(
        [cfull, gfull, mean, bvec, lvec, b3, b1, b5]).astype(jnp.float32)


def _make_sc_kernel(n_tokens, block_rows):
    rows_per_w = n_tokens // _NW
    n_blocks = rows_per_w // block_rows

    @functools.partial(
        pl.kernel,
        out_type=jax.ShapeDtypeStruct((n_tokens, _D), jnp.float32),
        mesh=plsc.VectorSubcoreMesh(core_axis_name="c", subcore_axis_name="s"),
        compiler_params=pltpu.CompilerParams(needs_layout_passes=False),
        scratch_types=[
            pltpu.VMEM((block_rows, _D), jnp.float32),
            pltpu.VMEM((block_rows, _D), jnp.float32),
            pltpu.VMEM((block_rows, _D), jnp.float32),
            pltpu.VMEM((block_rows, _D), jnp.float32),
            pltpu.VMEM((_PREP_LEN,), jnp.float32),
            pltpu.SemaphoreType.DMA,
            pltpu.SemaphoreType.DMA,
            pltpu.SemaphoreType.DMA,
            pltpu.SemaphoreType.DMA,
        ],
    )
    def sc_kernel(x_hbm, prep_hbm, out_hbm, in0_v, in1_v, out0_v, out1_v,
                  prep_v, in0_s, in1_s, out0_s, out1_s):
        wid = lax.axis_index("s") * _NC + lax.axis_index("c")
        base = wid * rows_per_w
        pltpu.sync_copy(prep_hbm, prep_v)

        K = range(_KPR)

        def make_row_body(in_v, out_v):
            return lambda r: row_calc(in_v, out_v, r)

        def row_calc(in_v, out_v, r):
            mks = [prep_v[pl.ds(_OFF_MEAN + _L * k, _L)] for k in K]
            raw = [in_v[r, pl.ds(_L * k, _L)] for k in K]
            xs = [raw[k] - mks[k] for k in K]
            sq = [x * x for x in xs]
            s4 = [sq[2 * i] + sq[2 * i + 1] for i in range(4)]
            acc = (s4[0] + s4[1]) + (s4[2] + s4[3])
            totv = jnp.maximum(_lane_sum_splat(acc), 1e-16)
            inv = _rsqrt_newton(totv)
            norm = totv * inv
            bvec = prep_v[pl.ds(_OFF_BVEC, _L)]
            lvec = prep_v[pl.ds(_OFF_LVEC, _L)]
            b3 = prep_v[pl.ds(_OFF_B3, _L)]
            zero = jnp.zeros((_L,), jnp.int32)
            four = jnp.full((_L,), 4, jnp.int32)
            two = jnp.full((_L,), 2, jnp.int32)
            one = jnp.full((_L,), 1, jnp.int32)
            cks = [prep_v[pl.ds(_OFF_C + _L * k, _L)] for k in K]
            gks = [prep_v[pl.ds(_OFF_G + _L * k, _L)] for k in K]
            vs = [xs[k] * inv for k in K]
            ws = [_swap_pairs(v) for v in vs]
            ra = [cks[k] * vs[k] for k in K]
            rb = [gks[k] * ws[k] for k in K]
            rot = [ra[k] + rb[k] for k in K]
            i0 = [jnp.where(rot[k] > b3, four, zero) for k in K]
            b1 = [_lane_gather(bvec, i0[k] | 1) for k in K]
            i1 = [i0[k] | jnp.where(rot[k] > b1[k], two, zero) for k in K]
            b2 = [_lane_gather(bvec, i1[k]) for k in K]
            i2 = [i1[k] | jnp.where(rot[k] > b2[k], one, zero) for k in K]
            qs = [_lane_gather(lvec, i2[k]) for k in K]
            sqs = [_swap_pairs(q) for q in qs]
            ua = [cks[k] * qs[k] for k in K]
            ub = [gks[k] * sqs[k] for k in K]
            recon = [ua[k] - ub[k] for k in K]
            outs = [recon[k] * norm + mks[k] for k in K]
            for k in K:
                out_v[r, pl.ds(_L * k, _L)] = outs[k]

        def compute_block(in_v, out_v):
            plsc.parallel_loop(0, block_rows, unroll=2)(make_row_body(in_v, out_v))

        def in_dma(b, buf, sem):
            pltpu.async_copy(
                x_hbm.at[pl.ds(base + b * block_rows, block_rows)], buf, sem)

        def out_dma(b, buf, sem):
            pltpu.async_copy(
                buf, out_hbm.at[pl.ds(base + b * block_rows, block_rows)], sem)

        def wait_in(buf, sem):
            pltpu.make_async_copy(
                x_hbm.at[pl.ds(base, block_rows)], buf, sem).wait()

        def wait_out(buf, sem):
            pltpu.make_async_copy(
                buf, out_hbm.at[pl.ds(base, block_rows)], sem).wait()

        half = n_blocks // 2
        in_dma(0, in0_v, in0_s)
        in_dma(1, in1_v, in1_s)

        def blk_body(j, carry):
            b0 = 2 * j

            wait_in(in0_v, in0_s)

            @pl.when(j > 0)
            def _():
                wait_out(out0_v, out0_s)

            compute_block(in0_v, out0_v)
            out_dma(b0, out0_v, out0_s)

            @pl.when(j < half - 1)
            def _():
                in_dma(b0 + 2, in0_v, in0_s)

            wait_in(in1_v, in1_s)

            @pl.when(j > 0)
            def _():
                wait_out(out1_v, out1_s)

            compute_block(in1_v, out1_v)
            out_dma(b0 + 1, out1_v, out1_s)

            @pl.when(j < half - 1)
            def _():
                in_dma(b0 + 3, in1_v, in1_s)

            return carry

        lax.fori_loop(0, half, blk_body, 0)
        wait_out(out0_v, out0_s)
        wait_out(out1_v, out1_s)

    return sc_kernel


def kernel(x, rotation_angles, mean_correction, centroids, running_mean):
    x = x.astype(jnp.float32)
    n_tokens = x.shape[0]
    prep = _build_prep(rotation_angles, mean_correction, centroids, running_mean)
    return _make_sc_kernel(n_tokens, 128)(x, prep)

# --- scband reference (transcript-rebuilt; emitter-appended) ---
"""Pipeline reference for scband-learned-quantizer-69758858822320 (READ-ONLY COPY).

The authoritative reference and input builder live on the scoring server;
editing this copy changes nothing except your own understanding.
"""

import jax, jax.numpy as jnp
import numpy as np
import math

D = 128
BITS = 3
N_LEVELS = 1 << BITS
N_TOKENS = 65536


def solve_lloyd_max(d, bits, iters=200):
    """Lloyd-Max optimal scalar quantizer levels for a standard Gaussian."""
    n = 1 << bits
    xs = np.linspace(-5.0, 5.0, 8001)
    pdf = np.exp(-0.5 * xs ** 2)
    c = np.linspace(-2.0, 2.0, n)
    for _ in range(iters):
        bounds = (c[:-1] + c[1:]) / 2.0
        idx = np.searchsorted(bounds, xs)
        wsum = np.bincount(idx, weights=pdf, minlength=n)
        xsum = np.bincount(idx, weights=pdf * xs, minlength=n)
        c = np.where(wsum > 1e-12, xsum / np.maximum(wsum, 1e-12), c)
    return np.sort(c).astype(np.float32)


def givens_rotate(x, angles):
    d = x.shape[-1]
    n_pairs = d // 2
    n_paired = n_pairs * 2
    paired = x[..., :n_paired]
    pairs = paired.reshape(paired.shape[:-1] + (n_pairs, 2))
    c = jnp.cos(angles)
    s = jnp.sin(angles)
    v0 = pairs[..., 0]
    v1 = pairs[..., 1]
    r0 = c * v0 - s * v1
    r1 = s * v0 + c * v1
    result = jnp.stack([r0, r1], axis=-1).reshape(paired.shape)
    if n_paired < d:
        result = jnp.concatenate([result, x[..., n_paired:]], axis=-1)
    return result


def givens_unrotate(y, angles):
    d = y.shape[-1]
    n_pairs = d // 2
    n_paired = n_pairs * 2
    paired = y[..., :n_paired]
    pairs = paired.reshape(paired.shape[:-1] + (n_pairs, 2))
    c = jnp.cos(angles)
    s = jnp.sin(angles)
    v0 = pairs[..., 0]
    v1 = pairs[..., 1]
    r0 = c * v0 + s * v1
    r1 = -s * v0 + c * v1
    result = jnp.stack([r0, r1], axis=-1).reshape(paired.shape)
    if n_paired < d:
        result = jnp.concatenate([result, y[..., n_paired:]], axis=-1)
    return result


def straight_through_quantize(x, centroids):
    dists = jnp.abs(x[..., None] - centroids)
    indices = jnp.argmin(dists, axis=-1)
    one_hot = jax.nn.one_hot(indices, centroids.shape[0], dtype=jnp.float32)
    x_quant = one_hot @ centroids
    return x - jax.lax.stop_gradient(x) + x_quant


def setup_inputs(seed: int = 0) -> dict:
    key = jax.random.key(seed)
    kx, ka = jax.random.split(key)
    x = jax.random.normal(kx, (N_TOKENS, D), dtype=jnp.float32)
    rotation_angles = jax.random.uniform(ka, (D // 2,), dtype=jnp.float32) * 2.0 * math.pi
    centroids = jnp.asarray(solve_lloyd_max(D, BITS))
    mean_correction = jnp.zeros((D,), dtype=jnp.float32)
    running_mean = jnp.zeros((D,), dtype=jnp.float32)
    return {
        "x": x,
        "rotation_angles": rotation_angles,
        "mean_correction": mean_correction,
        "centroids": centroids,
        "running_mean": running_mean,
    }


def reference(x, rotation_angles, mean_correction, centroids, running_mean):
    """Differentiable quantise + dequantise (forward of LearnedQuantizer)."""
    x = x.astype(jnp.float32)
    mean = running_mean + mean_correction  # center=True path
    x_c = x - mean
    norms = jnp.clip(jnp.linalg.norm(x_c, axis=-1, keepdims=True), 1e-08, None)
    x_unit = x_c / norms
    x_rot = givens_rotate(x_unit, rotation_angles)
    x_q = straight_through_quantize(x_rot, centroids)
    x_recon = givens_unrotate(x_q, rotation_angles)
    x_recon = x_recon * norms + mean
    return x_recon

if __name__ == "__main__":
    import jax
    _d = setup_inputs()
    print(jax.jit(kernel)(*tuple(_d.values())))

</pallas_src>

<mosaic_0001>
#map = affine_map<(d0, d1) -> (0, 0)>
#map1 = affine_map<(d0, d1) -> (0)>
module attributes {stable_mosaic.version = 14 : i64} {
  func.func @sc_kernel(%arg0: i32, %arg1: i32, %arg2: memref<65536x128xf32, #tpu.memory_space<hbm>>, %arg3: memref<464xf32, #tpu.memory_space<hbm>>, %arg4: memref<65536x128xf32, #tpu.memory_space<hbm>>, %arg5: memref<128x128xf32, #tpu.memory_space<vmem>>, %arg6: memref<128x128xf32, #tpu.memory_space<vmem>>, %arg7: memref<128x128xf32, #tpu.memory_space<vmem>>, %arg8: memref<128x128xf32, #tpu.memory_space<vmem>>, %arg9: memref<464xf32, #tpu.memory_space<vmem>>, %arg10: memref<!tpu.dma_semaphore, #tpu.memory_space<semaphore_mem>>, %arg11: memref<!tpu.dma_semaphore, #tpu.memory_space<semaphore_mem>>, %arg12: memref<!tpu.dma_semaphore, #tpu.memory_space<semaphore_mem>>, %arg13: memref<!tpu.dma_semaphore, #tpu.memory_space<semaphore_mem>>) attributes {dimension_semantics = [#tpu.dimension_semantics<core_parallel>, #tpu.dimension_semantics<subcore_parallel>], iteration_bounds = array<i64: 2, 16>, scalar_prefetch = 0 : i64, scratch_operands = 9 : i64, tpu.core_type = #tpu.core_type<sc_vector_subcore>, window_params = [{transform_indices = #map}, {transform_indices = #map1}, {transform_indices = #map}]} {
    %mul3A = arith.constant 2 : i32
    %mul3A_0 = arith.muli %arg1, %mul3A : i32
    %add3A = arith.addi %mul3A_0, %arg0 : i32
    %mul3A_1 = arith.constant 2048 : i32
    %mul3A_2 = arith.muli %add3A, %mul3A_1 : i32
    "tpu.region"() ({
      %run_scoped3A = tpu.sem_alloc : memref<!tpu.dma_semaphore, #tpu.memory_space<semaphore_mem>>
      tpu.enqueue_dma source(%arg3 : memref<464xf32, #tpu.memory_space<hbm>>) target(%arg9 : memref<464xf32, #tpu.memory_space<vmem>>) target_semaphore(%run_scoped3A : memref<!tpu.dma_semaphore, #tpu.memory_space<semaphore_mem>>)
      tpu.wait_dma2 semaphore(%run_scoped3A : memref<!tpu.dma_semaphore, #tpu.memory_space<semaphore_mem>>) src(%arg3 : memref<464xf32, #tpu.memory_space<hbm>>) dst(%arg9 : memref<464xf32, #tpu.memory_space<vmem>>)
      tpu.yield
    }) : () -> ()
    %add3A_3 = arith.constant 0 : i32
    %add3A_4 = arith.addi %mul3A_2, %add3A_3 : i32
    %dma_start3A = arith.constant 0 : i32
    %dma_start3A_5 = tpu.memref_slice %arg2[%add3A_4, %dma_start3A] : memref<65536x128xf32, #tpu.memory_space<hbm>> -> memref<128x128xf32, #tpu.memory_space<hbm>>
    %dma_start3A_6 = arith.constant 0 : i32
    %dma_start3A_7 = tpu.memref_slice %arg2[%add3A_4, %dma_start3A_6] : memref<65536x128xf32, #tpu.memory_space<hbm>> -> memref<128x128xf32, #tpu.memory_space<hbm>>
    tpu.enqueue_dma source(%dma_start3A_7 : memref<128x128xf32, #tpu.memory_space<hbm>>) target(%arg5 : memref<128x128xf32, #tpu.memory_space<vmem>>) target_semaphore(%arg10 : memref<!tpu.dma_semaphore, #tpu.memory_space<semaphore_mem>>)
    %add3A_8 = arith.constant 128 : i32
    %add3A_9 = arith.addi %mul3A_2, %add3A_8 : i32
    %dma_start3A_10 = arith.constant 0 : i32
    %dma_start3A_11 = tpu.memref_slice %arg2[%add3A_9, %dma_start3A_10] : memref<65536x128xf32, #tpu.memory_space<hbm>> -> memref<128x128xf32, #tpu.memory_space<hbm>>
    %dma_start3A_12 = arith.constant 0 : i32
    %dma_start3A_13 = tpu.memref_slice %arg2[%add3A_9, %dma_start3A_12] : memref<65536x128xf32, #tpu.memory_space<hbm>> -> memref<128x128xf32, #tpu.memory_space<hbm>>
    tpu.enqueue_dma source(%dma_start3A_13 : memref<128x128xf32, #tpu.memory_space<hbm>>) target(%arg6 : memref<128x128xf32, #tpu.memory_space<vmem>>) target_semaphore(%arg11 : memref<!tpu.dma_semaphore, #tpu.memory_space<semaphore_mem>>)
    %scan3A = arith.constant 0 : i32
    %scan3A_14 = arith.constant 0 : i32
    %scan3A_15 = arith.constant 8 : i32
    %scan3A_16 = arith.addi %scan3A_14, %scan3A_15 : i32
    %scan3A_17 = arith.constant 1 : i32
    scf.for %scan3A_26 = %scan3A_14 to %scan3A_16 step %scan3A_17  : i32 {
      %mul3A_27 = arith.constant 2 : i32
      %mul3A_28 = arith.muli %mul3A_27, %scan3A_26 : i32
      %dma_wait3A_29 = arith.constant 0 : i32
      %dma_wait3A_30 = tpu.memref_slice %arg2[%mul3A_2, %dma_wait3A_29] : memref<65536x128xf32, #tpu.memory_space<hbm>> -> memref<128x128xf32, #tpu.memory_space<hbm>>
      %dma_wait3A_31 = arith.constant 0 : i32
      %dma_wait3A_32 = tpu.memref_slice %arg2[%mul3A_2, %dma_wait3A_31] : memref<65536x128xf32, #tpu.memory_space<hbm>> -> memref<128x128xf32, #tpu.memory_space<hbm>>
      tpu.wait_dma2 semaphore(%arg10 : memref<!tpu.dma_semaphore, #tpu.memory_space<semaphore_mem>>) src(%dma_wait3A_32 : memref<128x128xf32, #tpu.memory_space<hbm>>) dst(%arg5 : memref<128x128xf32, #tpu.memory_space<vmem>>)
      %gt3A = arith.constant 0 : i32
      %gt3A_33 = arith.cmpi sgt, %scan3A_26, %gt3A : i32
      %convert_element_type3A = arith.extui %gt3A_33 : i1 to i32
      %cond3A = arith.constant 0 : i32
      %cond3A_34 = arith.cmpi ne, %convert_element_type3A, %cond3A : i32
      scf.if %cond3A_34 {
        %dma_wait3A_74 = arith.constant 0 : i32
        %dma_wait3A_75 = tpu.memref_slice %arg4[%mul3A_2, %dma_wait3A_74] : memref<65536x128xf32, #tpu.memory_space<hbm>> -> memref<128x128xf32, #tpu.memory_space<hbm>>
        %dma_wait3A_76 = arith.constant 0 : i32
        %dma_wait3A_77 = tpu.memref_slice %arg4[%mul3A_2, %dma_wait3A_76] : memref<65536x128xf32, #tpu.memory_space<hbm>> -> memref<128x128xf32, #tpu.memory_space<hbm>>
        tpu.wait_dma2 semaphore(%arg12 : memref<!tpu.dma_semaphore, #tpu.memory_space<semaphore_mem>>) src(%arg7 : memref<128x128xf32, #tpu.memory_space<vmem>>) dst(%dma_wait3A_77 : memref<128x128xf32, #tpu.memory_space<hbm>>)
      } else {
      }
      %parallel_loop3A = arith.constant 0 : i32
      %parallel_loop3A_35 = arith.constant 128 : i32
      %parallel_loop3A_36 = arith.constant 1 : i32
      scf.for %parallel_loop3A_74 = %parallel_loop3A to %parallel_loop3A_35 step %parallel_loop3A_36  : i32 {
        %parallel_loop3A_75 = arith.constant 256 : index
        %parallel_loop3A_76 = tpu.vector_load %arg9[%parallel_loop3A_75] {strides = array<i32>} : memref<464xf32, #tpu.memory_space<vmem>>, vector<16xf32>,
        %parallel_loop3A_77 = arith.constant 272 : index
        %parallel_loop3A_78 = tpu.vector_load %arg9[%parallel_loop3A_77] {strides = array<i32>} : memref<464xf32, #tpu.memory_space<vmem>>, vector<16xf32>,
        %parallel_loop3A_79 = arith.constant 288 : index
        %parallel_loop3A_80 = tpu.vector_load %arg9[%parallel_loop3A_79] {strides = array<i32>} : memref<464xf32, #tpu.memory_space<vmem>>, vector<16xf32>,
        %parallel_loop3A_81 = arith.constant 304 : index
        %parallel_loop3A_82 = tpu.vector_load %arg9[%parallel_loop3A_81] {strides = array<i32>} : memref<464xf32, #tpu.memory_space<vmem>>, vector<16xf32>,
        %parallel_loop3A_83 = arith.constant 320 : index
        %parallel_loop3A_84 = tpu.vector_load %arg9[%parallel_loop3A_83] {strides = array<i32>} : memref<464xf32, #tpu.memory_space<vmem>>, vector<16xf32>,
        %parallel_loop3A_85 = arith.constant 336 : index
        %parallel_loop3A_86 = tpu.vector_load %arg9[%parallel_loop3A_85] {strides = array<i32>} : memref<464xf32, #tpu.memory_space<vmem>>, vector<16xf32>,
        %parallel_loop3A_87 = arith.constant 352 : index
        %parallel_loop3A_88 = tpu.vector_load %arg9[%parallel_loop3A_87] {strides = array<i32>} : memref<464xf32, #tpu.memory_space<vmem>>, vector<16xf32>,
        %parallel_loop3A_89 = arith.constant 368 : index
        %parallel_loop3A_90 = tpu.vector_load %arg9[%parallel_loop3A_89] {strides = array<i32>} : memref<464xf32, #tpu.memory_space<vmem>>, vector<16xf32>,
        %parallel_loop3A_91 = arith.index_cast %parallel_loop3A_74 : i32 to index
        %parallel_loop3A_92 = arith.constant 0 : index
        %parallel_loop3A_93 = tpu.vector_load %arg5[%parallel_loop3A_91, %parallel_loop3A_92] {strides = array<i32>} : memref<128x128xf32, #tpu.memory_space<vmem>>, vector<16xf32>,
        %parallel_loop3A_94 = arith.index_cast %parallel_loop3A_74 : i32 to index
        %parallel_loop3A_95 = arith.constant 16 : index
        %parallel_loop3A_96 = tpu.vector_load %arg5[%parallel_loop3A_94, %parallel_loop3A_95] {strides = array<i32>} : memref<128x128xf32, #tpu.memory_space<vmem>>, vector<16xf32>,
        %parallel_loop3A_97 = arith.index_cast %parallel_loop3A_74 : i32 to index
        %parallel_loop3A_98 = arith.constant 32 : index
        %parallel_loop3A_99 = tpu.vector_load %arg5[%parallel_loop3A_97, %parallel_loop3A_98] {strides = array<i32>} : memref<128x128xf32, #tpu.memory_space<vmem>>, vector<16xf32>,
        %parallel_loop3A_100 = arith.index_cast %parallel_loop3A_74 : i32 to index
        %parallel_loop3A_101 = arith.constant 48 : index
        %parallel_loop3A_102 = tpu.vector_load %arg5[%parallel_loop3A_100, %parallel_loop3A_101] {strides = array<i32>} : memref<128x128xf32, #tpu.memory_space<vmem>>, vector<16xf32>,
        %parallel_loop3A_103 = arith.index_cast %parallel_loop3A_74 : i32 to index
        %parallel_loop3A_104 = arith.constant 64 : index
        %parallel_loop3A_105 = tpu.vector_load %arg5[%parallel_loop3A_103, %parallel_loop3A_104] {strides = array<i32>} : memref<128x128xf32, #tpu.memory_space<vmem>>, vector<16xf32>,
        %parallel_loop3A_106 = arith.index_cast %parallel_loop3A_74 : i32 to index
        %parallel_loop3A_107 = arith.constant 80 : index
        %parallel_loop3A_108 = tpu.vector_load %arg5[%parallel_loop3A_106, %parallel_loop3A_107] {strides = array<i32>} : memref<128x128xf32, #tpu.memory_space<vmem>>, vector<16xf32>,
        %parallel_loop3A_109 = arith.index_cast %parallel_loop3A_74 : i32 to index
        %parallel_loop3A_110 = arith.constant 96 : index
        %parallel_loop3A_111 = tpu.vector_load %arg5[%parallel_loop3A_109, %parallel_loop3A_110] {strides = array<i32>} : memref<128x128xf32, #tpu.memory_space<vmem>>, vector<16xf32>,
        %parallel_loop3A_112 = arith.index_cast %parallel_loop3A_74 : i32 to index
        %parallel_loop3A_113 = arith.constant 112 : index
        %parallel_loop3A_114 = tpu.vector_load %arg5[%parallel_loop3A_112, %parallel_loop3A_113] {strides = array<i32>} : memref<128x128xf32, #tpu.memory_space<vmem>>, vector<16xf32>,
        %parallel_loop3A_115 = arith.subf %parallel_loop3A_93, %parallel_loop3A_76 : vector<16xf32>
        %parallel_loop3A_116 = arith.subf %parallel_loop3A_96, %parallel_loop3A_78 : vector<16xf32>
        %parallel_loop3A_117 = arith.subf %parallel_loop3A_99, %parallel_loop3A_80 : vector<16xf32>
        %parallel_loop3A_118 = arith.subf %parallel_loop3A_102, %parallel_loop3A_82 : vector<16xf32>
        %parallel_loop3A_119 = arith.subf %parallel_loop3A_105, %parallel_loop3A_84 : vector<16xf32>
        %parallel_loop3A_120 = arith.subf %parallel_loop3A_108, %parallel_loop3A_86 : vector<16xf32>
        %parallel_loop3A_121 = arith.subf %parallel_loop3A_111, %parallel_loop3A_88 : vector<16xf32>
        %parallel_loop3A_122 = arith.subf %parallel_loop3A_114, %parallel_loop3A_90 : vector<16xf32>
        %parallel_loop3A_123 = arith.mulf %parallel_loop3A_115, %parallel_loop3A_115 : vector<16xf32>
        %parallel_loop3A_124 = arith.mulf %parallel_loop3A_116, %parallel_loop3A_116 : vector<16xf32>
        %parallel_loop3A_125 = arith.mulf %parallel_loop3A_117, %parallel_loop3A_117 : vector<16xf32>
        %parallel_loop3A_126 = arith.mulf %parallel_loop3A_118, %parallel_loop3A_118 : vector<16xf32>
        %parallel_loop3A_127 = arith.mulf %parallel_loop3A_119, %parallel_loop3A_119 : vector<16xf32>
        %parallel_loop3A_128 = arith.mulf %parallel_loop3A_120, %parallel_loop3A_120 : vector<16xf32>
        %parallel_loop3A_129 = arith.mulf %parallel_loop3A_121, %parallel_loop3A_121 : vector<16xf32>
        %parallel_loop3A_130 = arith.mulf %parallel_loop3A_122, %parallel_loop3A_122 : vector<16xf32>
        %parallel_loop3A_131 = arith.addf %parallel_loop3A_123, %parallel_loop3A_124 : vector<16xf32>
        %parallel_loop3A_132 = arith.addf %parallel_loop3A_125, %parallel_loop3A_126 : vector<16xf32>
        %parallel_loop3A_133 = arith.addf %parallel_loop3A_127, %parallel_loop3A_128 : vector<16xf32>
        %parallel_loop3A_134 = arith.addf %parallel_loop3A_129, %parallel_loop3A_130 : vector<16xf32>
        %parallel_loop3A_135 = arith.addf %parallel_loop3A_131, %parallel_loop3A_132 : vector<16xf32>
        %parallel_loop3A_136 = arith.addf %parallel_loop3A_133, %parallel_loop3A_134 : vector<16xf32>
        %parallel_loop3A_137 = arith.addf %parallel_loop3A_135, %parallel_loop3A_136 : vector<16xf32>
        %parallel_loop3A_138 = tpu.iota {dimensions = array<i32: 0>} : vector<16xi32>
        %parallel_loop3A_139 = arith.constant 1 : i32
        %parallel_loop3A_140 = vector.broadcast %parallel_loop3A_139 : i32 to vector<16xi32>
        %parallel_loop3A_141 = arith.xori %parallel_loop3A_138, %parallel_loop3A_140 : vector<16xi32>
        %parallel_loop3A_142 = vector.shape_cast %parallel_loop3A_141 : vector<16xi32> to vector<16x1xi32>
        %parallel_loop3A_143 = vector.shape_cast %parallel_loop3A_142 : vector<16x1xi32> to vector<16xi32>
        %parallel_loop3A_144 = tpu.dynamic_gather %parallel_loop3A_137[%parallel_loop3A_143] in [0] : vector<16xf32>, vector<16xi32> -> vector<16xf32>
        %parallel_loop3A_145 = arith.addf %parallel_loop3A_137, %parallel_loop3A_144 : vector<16xf32>
        %parallel_loop3A_146 = tpu.iota {dimensions = array<i32: 0>} : vector<16xi32>
        %parallel_loop3A_147 = arith.constant 2 : i32
        %parallel_loop3A_148 = vector.broadcast %parallel_loop3A_147 : i32 to vector<16xi32>
        %parallel_loop3A_149 = arith.xori %parallel_loop3A_146, %parallel_loop3A_148 : vector<16xi32>
        %parallel_loop3A_150 = vector.shape_cast %parallel_loop3A_149 : vector<16xi32> to vector<16x1xi32>
        %parallel_loop3A_151 = vector.shape_cast %parallel_loop3A_150 : vector<16x1xi32> to vector<16xi32>
        %parallel_loop3A_152 = tpu.dynamic_gather %parallel_loop3A_145[%parallel_loop3A_151] in [0] : vector<16xf32>, vector<16xi32> -> vector<16xf32>
        %parallel_loop3A_153 = arith.addf %parallel_loop3A_145, %parallel_loop3A_152 : vector<16xf32>
        %parallel_loop3A_154 = tpu.iota {dimensions = array<i32: 0>} : vector<16xi32>
        %parallel_loop3A_155 = arith.constant 4 : i32
        %parallel_loop3A_156 = vector.broadcast %parallel_loop3A_155 : i32 to vector<16xi32>
        %parallel_loop3A_157 = arith.xori %parallel_loop3A_154, %parallel_loop3A_156 : vector<16xi32>
        %parallel_loop3A_158 = vector.shape_cast %parallel_loop3A_157 : vector<16xi32> to vector<16x1xi32>
        %parallel_loop3A_159 = vector.shape_cast %parallel_loop3A_158 : vector<16x1xi32> to vector<16xi32>
        %parallel_loop3A_160 = tpu.dynamic_gather %parallel_loop3A_153[%parallel_loop3A_159] in [0] : vector<16xf32>, vector<16xi32> -> vector<16xf32>
        %parallel_loop3A_161 = arith.addf %parallel_loop3A_153, %parallel_loop3A_160 : vector<16xf32>
        %parallel_loop3A_162 = tpu.iota {dimensions = array<i32: 0>} : vector<16xi32>
        %parallel_loop3A_163 = arith.constant 8 : i32
        %parallel_loop3A_164 = vector.broadcast %parallel_loop3A_163 : i32 to vector<16xi32>
        %parallel_loop3A_165 = arith.xori %parallel_loop3A_162, %parallel_loop3A_164 : vector<16xi32>
        %parallel_loop3A_166 = vector.shape_cast %parallel_loop3A_165 : vector<16xi32> to vector<16x1xi32>
        %parallel_loop3A_167 = vector.shape_cast %parallel_loop3A_166 : vector<16x1xi32> to vector<16xi32>
        %parallel_loop3A_168 = tpu.dynamic_gather %parallel_loop3A_161[%parallel_loop3A_167] in [0] : vector<16xf32>, vector<16xi32> -> vector<16xf32>
        %parallel_loop3A_169 = arith.addf %parallel_loop3A_161, %parallel_loop3A_168 : vector<16xf32>
        %parallel_loop3A_170 = arith.constant 1.000000e-16 : f32
        %parallel_loop3A_171 = vector.broadcast %parallel_loop3A_170 : f32 to vector<16xf32>
        %parallel_loop3A_172 = arith.maximumf %parallel_loop3A_169, %parallel_loop3A_171 : vector<16xf32>
        %parallel_loop3A_173 = vector.bitcast %parallel_loop3A_172 : vector<16xf32> to vector<16xi32>
        %parallel_loop3A_174 = arith.constant 1 : i32
        %parallel_loop3A_175 = vector.broadcast %parallel_loop3A_174 : i32 to vector<16xi32>
        %parallel_loop3A_176 = arith.shrsi %parallel_loop3A_173, %parallel_loop3A_175 : vector<16xi32>
        %parallel_loop3A_177 = arith.constant 1597463007 : i32
        %parallel_loop3A_178 = vector.broadcast %parallel_loop3A_177 : i32 to vector<16xi32>
        %parallel_loop3A_179 = arith.subi %parallel_loop3A_178, %parallel_loop3A_176 : vector<16xi32>
        %parallel_loop3A_180 = vector.bitcast %parallel_loop3A_179 : vector<16xi32> to vector<16xf32>
        %parallel_loop3A_181 = arith.constant 5.000000e-01 : f32
        %parallel_loop3A_182 = vector.broadcast %parallel_loop3A_181 : f32 to vector<16xf32>
        %parallel_loop3A_183 = arith.mulf %parallel_loop3A_172, %parallel_loop3A_182 : vector<16xf32>
        %parallel_loop3A_184 = arith.mulf %parallel_loop3A_183, %parallel_loop3A_180 : vector<16xf32>
        %parallel_loop3A_185 = arith.mulf %parallel_loop3A_184, %parallel_loop3A_180 : vector<16xf32>
        %parallel_loop3A_186 = arith.constant 1.500000e+00 : f32
        %parallel_loop3A_187 = vector.broadcast %parallel_loop3A_186 : f32 to vector<16xf32>
        %parallel_loop3A_188 = arith.subf %parallel_loop3A_187, %parallel_loop3A_185 : vector<16xf32>
        %parallel_loop3A_189 = arith.mulf %parallel_loop3A_180, %parallel_loop3A_188 : vector<16xf32>
        %parallel_loop3A_190 = arith.mulf %parallel_loop3A_183, %parallel_loop3A_189 : vector<16xf32>
        %parallel_loop3A_191 = arith.mulf %parallel_loop3A_190, %parallel_loop3A_189 : vector<16xf32>
        %parallel_loop3A_192 = arith.constant 1.500000e+00 : f32
        %parallel_loop3A_193 = vector.broadcast %parallel_loop3A_192 : f32 to vector<16xf32>
        %parallel_loop3A_194 = arith.subf %parallel_loop3A_193, %parallel_loop3A_191 : vector<16xf32>
        %parallel_loop3A_195 = arith.mulf %parallel_loop3A_189, %parallel_loop3A_194 : vector<16xf32>
        %parallel_loop3A_196 = arith.mulf %parallel_loop3A_172, %parallel_loop3A_195 : vector<16xf32>
        %parallel_loop3A_197 = arith.constant 384 : index
        %parallel_loop3A_198 = tpu.vector_load %arg9[%parallel_loop3A_197] {strides = array<i32>} : memref<464xf32, #tpu.memory_space<vmem>>, vector<16xf32>,
        %parallel_loop3A_199 = arith.constant 400 : index
        %parallel_loop3A_200 = tpu.vector_load %arg9[%parallel_loop3A_199] {strides = array<i32>} : memref<464xf32, #tpu.memory_space<vmem>>, vector<16xf32>,
        %parallel_loop3A_201 = arith.constant 416 : index
        %parallel_loop3A_202 = tpu.vector_load %arg9[%parallel_loop3A_201] {strides = array<i32>} : memref<464xf32, #tpu.memory_space<vmem>>, vector<16xf32>,
        %parallel_loop3A_203 = arith.constant 0 : i32
        %parallel_loop3A_204 = vector.broadcast %parallel_loop3A_203 : i32 to vector<16xi32>
        %parallel_loop3A_205 = arith.constant 4 : i32
        %parallel_loop3A_206 = vector.broadcast %parallel_loop3A_205 : i32 to vector<16xi32>
        %parallel_loop3A_207 = arith.constant 2 : i32
        %parallel_loop3A_208 = vector.broadcast %parallel_loop3A_207 : i32 to vector<16xi32>
        %parallel_loop3A_209 = arith.constant 1 : i32
        %parallel_loop3A_210 = vector.broadcast %parallel_loop3A_209 : i32 to vector<16xi32>
        %parallel_loop3A_211 = arith.constant 0 : index
        %parallel_loop3A_212 = tpu.vector_load %arg9[%parallel_loop3A_211] {strides = array<i32>} : memref<464xf32, #tpu.memory_space<vmem>>, vector<16xf32>,
        %parallel_loop3A_213 = arith.constant 16 : index
        %parallel_loop3A_214 = tpu.vector_load %arg9[%parallel_loop3A_213] {strides = array<i32>} : memref<464xf32, #tpu.memory_space<vmem>>, vector<16xf32>,
        %parallel_loop3A_215 = arith.constant 32 : index
        %parallel_loop3A_216 = tpu.vector_load %arg9[%parallel_loop3A_215] {strides = array<i32>} : memref<464xf32, #tpu.memory_space<vmem>>, vector<16xf32>,
        %parallel_loop3A_217 = arith.constant 48 : index
        %parallel_loop3A_218 = tpu.vector_load %arg9[%parallel_loop3A_217] {strides = array<i32>} : memref<464xf32, #tpu.memory_space<vmem>>, vector<16xf32>,
        %parallel_loop3A_219 = arith.constant 64 : index
        %parallel_loop3A_220 = tpu.vector_load %arg9[%parallel_loop3A_219] {strides = array<i32>} : memref<464xf32, #tpu.memory_space<vmem>>, vector<16xf32>,
        %parallel_loop3A_221 = arith.constant 80 : index
        %parallel_loop3A_222 = tpu.vector_load %arg9[%parallel_loop3A_221] {strides = array<i32>} : memref<464xf32, #tpu.memory_space<vmem>>, vector<16xf32>,
        %parallel_loop3A_223 = arith.constant 96 : index
        %parallel_loop3A_224 = tpu.vector_load %arg9[%parallel_loop3A_223] {strides = array<i32>} : memref<464xf32, #tpu.memory_space<vmem>>, vector<16xf32>,
        %parallel_loop3A_225 = arith.constant 112 : index
        %parallel_loop3A_226 = tpu.vector_load %arg9[%parallel_loop3A_225] {strides = array<i32>} : memref<464xf32, #tpu.memory_space<vmem>>, vector<16xf32>,
        %parallel_loop3A_227 = arith.constant 128 : index
        %parallel_loop3A_228 = tpu.vector_load %arg9[%parallel_loop3A_227] {strides = array<i32>} : memref<464xf32, #tpu.memory_space<vmem>>, vector<16xf32>,
        %parallel_loop3A_229 = arith.constant 144 : index
        %parallel_loop3A_230 = tpu.vector_load %arg9[%parallel_loop3A_229] {strides = array<i32>} : memref<464xf32, #tpu.memory_space<vmem>>, vector<16xf32>,
        %parallel_loop3A_231 = arith.constant 160 : index
        %parallel_loop3A_232 = tpu.vector_load %arg9[%parallel_loop3A_231] {strides = array<i32>} : memref<464xf32, #tpu.memory_space<vmem>>, vector<16xf32>,
        %parallel_loop3A_233 = arith.constant 176 : index
        %parallel_loop3A_234 = tpu.vector_load %arg9[%parallel_loop3A_233] {strides = array<i32>} : memref<464xf32, #tpu.memory_space<vmem>>, vector<16xf32>,
        %parallel_loop3A_235 = arith.constant 192 : index
        %parallel_loop3A_236 = tpu.vector_load %arg9[%parallel_loop3A_235] {strides = array<i32>} : memref<464xf32, #tpu.memory_space<vmem>>, vector<16xf32>,
        %parallel_loop3A_237 = arith.constant 208 : index
        %parallel_loop3A_238 = tpu.vector_load %arg9[%parallel_loop3A_237] {strides = array<i32>} : memref<464xf32, #tpu.memory_space<vmem>>, vector<16xf32>,
        %parallel_loop3A_239 = arith.constant 224 : index
        %parallel_loop3A_240 = tpu.vector_load %arg9[%parallel_loop3A_239] {strides = array<i32>} : memref<464xf32, #tpu.memory_space<vmem>>, vector<16xf32>,
        %parallel_loop3A_241 = arith.constant 240 : index
        %parallel_loop3A_242 = tpu.vector_load %arg9[%parallel_loop3A_241] {strides = array<i32>} : memref<464xf32, #tpu.memory_space<vmem>>, vector<16xf32>,
        %parallel_loop3A_243 = arith.mulf %parallel_loop3A_115, %parallel_loop3A_195 : vector<16xf32>
        %parallel_loop3A_244 = arith.mulf %parallel_loop3A_116, %parallel_loop3A_195 : vector<16xf32>
        %parallel_loop3A_245 = arith.mulf %parallel_loop3A_117, %parallel_loop3A_195 : vector<16xf32>
        %parallel_loop3A_246 = arith.mulf %parallel_loop3A_118, %parallel_loop3A_195 : vector<16xf32>
        %parallel_loop3A_247 = arith.mulf %parallel_loop3A_119, %parallel_loop3A_195 : vector<16xf32>
        %parallel_loop3A_248 = arith.mulf %parallel_loop3A_120, %parallel_loop3A_195 : vector<16xf32>
        %parallel_loop3A_249 = arith.mulf %parallel_loop3A_121, %parallel_loop3A_195 : vector<16xf32>
        %parallel_loop3A_250 = arith.mulf %parallel_loop3A_122, %parallel_loop3A_195 : vector<16xf32>
        %parallel_loop3A_251 = tpu.iota {dimensions = array<i32: 0>} : vector<16xi32>
        %parallel_loop3A_252 = arith.constant 1 : i32
        %parallel_loop3A_253 = vector.broadcast %parallel_loop3A_252 : i32 to vector<16xi32>
        %parallel_loop3A_254 = arith.xori %parallel_loop3A_251, %parallel_loop3A_253 : vector<16xi32>
        %parallel_loop3A_255 = vector.shape_cast %parallel_loop3A_254 : vector<16xi32> to vector<16x1xi32>
        %parallel_loop3A_256 = vector.shape_cast %parallel_loop3A_255 : vector<16x1xi32> to vector<16xi32>
        %parallel_loop3A_257 = tpu.dynamic_gather %parallel_loop3A_243[%parallel_loop3A_256] in [0] : vector<16xf32>, vector<16xi32> -> vector<16xf32>
        %parallel_loop3A_258 = tpu.iota {dimensions = array<i32: 0>} : vector<16xi32>
        %parallel_loop3A_259 = arith.constant 1 : i32
        %parallel_loop3A_260 = vector.broadcast %parallel_loop3A_259 : i32 to vector<16xi32>
        %parallel_loop3A_261 = arith.xori %parallel_loop3A_258, %parallel_loop3A_260 : vector<16xi32>
        %parallel_loop3A_262 = vector.shape_cast %parallel_loop3A_261 : vector<16xi32> to vector<16x1xi32>
        %parallel_loop3A_263 = vector.shape_cast %parallel_loop3A_262 : vector<16x1xi32> to vector<16xi32>
        %parallel_loop3A_264 = tpu.dynamic_gather %parallel_loop3A_244[%parallel_loop3A_263] in [0] : vector<16xf32>, vector<16xi32> -> vector<16xf32>
        %parallel_loop3A_265 = tpu.iota {dimensions = array<i32: 0>} : vector<16xi32>
        %parallel_loop3A_266 = arith.constant 1 : i32
        %parallel_loop3A_267 = vector.broadcast %parallel_loop3A_266 : i32 to vector<16xi32>
        %parallel_loop3A_268 = arith.xori %parallel_loop3A_265, %parallel_loop3A_267 : vector<16xi32>
        %parallel_loop3A_269 = vector.shape_cast %parallel_loop3A_268 : vector<16xi32> to vector<16x1xi32>
        %parallel_loop3A_270 = vector.shape_cast %parallel_loop3A_269 : vector<16x1xi32> to vector<16xi32>
        %parallel_loop3A_271 = tpu.dynamic_gather %parallel_loop3A_245[%parallel_loop3A_270] in [0] : vector<16xf32>, vector<16xi32> -> vector<16xf32>
        %parallel_loop3A_272 = tpu.iota {dimensions = array<i32: 0>} : vector<16xi32>
        %parallel_loop3A_273 = arith.constant 1 : i32
        %parallel_loop3A_274 = vector.broadcast %parallel_loop3A_273 : i32 to vector<16xi32>
        %parallel_loop3A_275 = arith.xori %parallel_loop3A_272, %parallel_loop3A_274 : vector<16xi32>
        %parallel_loop3A_276 = vector.shape_cast %parallel_loop3A_275 : vector<16xi32> to vector<16x1xi32>
        %parallel_loop3A_277 = vector.shape_cast %parallel_loop3A_276 : vector<16x1xi32> to vector<16xi32>
        %parallel_loop3A_278 = tpu.dynamic_gather %parallel_loop3A_246[%parallel_loop3A_277] in [0] : vector<16xf32>, vector<16xi32> -> vector<16xf32>
        %parallel_loop3A_279 = tpu.iota {dimensions = array<i32: 0>} : vector<16xi32>
        %parallel_loop3A_280 = arith.constant 1 : i32
        %parallel_loop3A_281 = vector.broadcast %parallel_loop3A_280 : i32 to vector<16xi32>
        %parallel_loop3A_282 = arith.xori %parallel_loop3A_279, %parallel_loop3A_281 : vector<16xi32>
        %parallel_loop3A_283 = vector.shape_cast %parallel_loop3A_282 : vector<16xi32> to vector<16x1xi32>
        %parallel_loop3A_284 = vector.shape_cast %parallel_loop3A_283 : vector<16x1xi32> to vector<16xi32>
        %parallel_loop3A_285 = tpu.dynamic_gather %parallel_loop3A_247[%parallel_loop3A_284] in [0] : vector<16xf32>, vector<16xi32> -> vector<16xf32>
        %parallel_loop3A_286 = tpu.iota {dimensions = array<i32: 0>} : vector<16xi32>
        %parallel_loop3A_287 = arith.constant 1 : i32
        %parallel_loop3A_288 = vector.broadcast %parallel_loop3A_287 : i32 to vector<16xi32>
        %parallel_loop3A_289 = arith.xori %parallel_loop3A_286, %parallel_loop3A_288 : vector<16xi32>
        %parallel_loop3A_290 = vector.shape_cast %parallel_loop3A_289 : vector<16xi32> to vector<16x1xi32>
        %parallel_loop3A_291 = vector.shape_cast %parallel_loop3A_290 : vector<16x1xi32> to vector<16xi32>
        %parallel_loop3A_292 = tpu.dynamic_gather %parallel_loop3A_248[%parallel_loop3A_291] in [0] : vector<16xf32>, vector<16xi32> -> vector<16xf32>
        %parallel_loop3A_293 = tpu.iota {dimensions = array<i32: 0>} : vector<16xi32>
        %parallel_loop3A_294 = arith.constant 1 : i32
        %parallel_loop3A_295 = vector.broadcast %parallel_loop3A_294 : i32 to vector<16xi32>
        %parallel_loop3A_296 = arith.xori %parallel_loop3A_293, %parallel_loop3A_295 : vector<16xi32>
        %parallel_loop3A_297 = vector.shape_cast %parallel_loop3A_296 : vector<16xi32> to vector<16x1xi32>
        %parallel_loop3A_298 = vector.shape_cast %parallel_loop3A_297 : vector<16x1xi32> to vector<16xi32>
        %parallel_loop3A_299 = tpu.dynamic_gather %parallel_loop3A_249[%parallel_loop3A_298] in [0] : vector<16xf32>, vector<16xi32> -> vector<16xf32>
        %parallel_loop3A_300 = tpu.iota {dimensions = array<i32: 0>} : vector<16xi32>
        %parallel_loop3A_301 = arith.constant 1 : i32
        %parallel_loop3A_302 = vector.broadcast %parallel_loop3A_301 : i32 to vector<16xi32>
        %parallel_loop3A_303 = arith.xori %parallel_loop3A_300, %parallel_loop3A_302 : vector<16xi32>
        %parallel_loop3A_304 = vector.shape_cast %parallel_loop3A_303 : vector<16xi32> to vector<16x1xi32>
        %parallel_loop3A_305 = vector.shape_cast %parallel_loop3A_304 : vector<16x1xi32> to vector<16xi32>
        %parallel_loop3A_306 = tpu.dynamic_gather %parallel_loop3A_250[%parallel_loop3A_305] in [0] : vector<16xf32>, vector<16xi32> -> vector<16xf32>
        %parallel_loop3A_307 = arith.mulf %parallel_loop3A_212, %parallel_loop3A_243 : vector<16xf32>
        %parallel_loop3A_308 = arith.mulf %parallel_loop3A_214, %parallel_loop3A_244 : vector<16xf32>
        %parallel_loop3A_309 = arith.mulf %parallel_loop3A_216, %parallel_loop3A_245 : vector<16xf32>
        %parallel_loop3A_310 = arith.mulf %parallel_loop3A_218, %parallel_loop3A_246 : vector<16xf32>
        %parallel_loop3A_311 = arith.mulf %parallel_loop3A_220, %parallel_loop3A_247 : vector<16xf32>
        %parallel_loop3A_312 = arith.mulf %parallel_loop3A_222, %parallel_loop3A_248 : vector<16xf32>
        %parallel_loop3A_313 = arith.mulf %parallel_loop3A_224, %parallel_loop3A_249 : vector<16xf32>
        %parallel_loop3A_314 = arith.mulf %parallel_loop3A_226, %parallel_loop3A_250 : vector<16xf32>
        %parallel_loop3A_315 = arith.mulf %parallel_loop3A_228, %parallel_loop3A_257 : vector<16xf32>
        %parallel_loop3A_316 = arith.mulf %parallel_loop3A_230, %parallel_loop3A_264 : vector<16xf32>
        %parallel_loop3A_317 = arith.mulf %parallel_loop3A_232, %parallel_loop3A_271 : vector<16xf32>
        %parallel_loop3A_318 = arith.mulf %parallel_loop3A_234, %parallel_loop3A_278 : vector<16xf32>
        %parallel_loop3A_319 = arith.mulf %parallel_loop3A_236, %parallel_loop3A_285 : vector<16xf32>
        %parallel_loop3A_320 = arith.mulf %parallel_loop3A_238, %parallel_loop3A_292 : vector<16xf32>
        %parallel_loop3A_321 = arith.mulf %parallel_loop3A_240, %parallel_loop3A_299 : vector<16xf32>
        %parallel_loop3A_322 = arith.mulf %parallel_loop3A_242, %parallel_loop3A_306 : vector<16xf32>
        %parallel_loop3A_323 = arith.addf %parallel_loop3A_307, %parallel_loop3A_315 : vector<16xf32>
        %parallel_loop3A_324 = arith.addf %parallel_loop3A_308, %parallel_loop3A_316 : vector<16xf32>
        %parallel_loop3A_325 = arith.addf %parallel_loop3A_309, %parallel_loop3A_317 : vector<16xf32>
        %parallel_loop3A_326 = arith.addf %parallel_loop3A_310, %parallel_loop3A_318 : vector<16xf32>
        %parallel_loop3A_327 = arith.addf %parallel_loop3A_311, %parallel_loop3A_319 : vector<16xf32>
        %parallel_loop3A_328 = arith.addf %parallel_loop3A_312, %parallel_loop3A_320 : vector<16xf32>
        %parallel_loop3A_329 = arith.addf %parallel_loop3A_313, %parallel_loop3A_321 : vector<16xf32>
        %parallel_loop3A_330 = arith.addf %parallel_loop3A_314, %parallel_loop3A_322 : vector<16xf32>
        %parallel_loop3A_331 = arith.cmpf ogt, %parallel_loop3A_323, %parallel_loop3A_202 : vector<16xf32>
        %parallel_loop3A_332 = arith.select %parallel_loop3A_331, %parallel_loop3A_206, %parallel_loop3A_204 : vector<16xi1>, vector<16xi32>
        %parallel_loop3A_333 = arith.cmpf ogt, %parallel_loop3A_324, %parallel_loop3A_202 : vector<16xf32>
        %parallel_loop3A_334 = arith.select %parallel_loop3A_333, %parallel_loop3A_206, %parallel_loop3A_204 : vector<16xi1>, vector<16xi32>
        %parallel_loop3A_335 = arith.cmpf ogt, %parallel_loop3A_325, %parallel_loop3A_202 : vector<16xf32>
        %parallel_loop3A_336 = arith.select %parallel_loop3A_335, %parallel_loop3A_206, %parallel_loop3A_204 : vector<16xi1>, vector<16xi32>
        %parallel_loop3A_337 = arith.cmpf ogt, %parallel_loop3A_326, %parallel_loop3A_202 : vector<16xf32>
        %parallel_loop3A_338 = arith.select %parallel_loop3A_337, %parallel_loop3A_206, %parallel_loop3A_204 : vector<16xi1>, vector<16xi32>
        %parallel_loop3A_339 = arith.cmpf ogt, %parallel_loop3A_327, %parallel_loop3A_202 : vector<16xf32>
        %parallel_loop3A_340 = arith.select %parallel_loop3A_339, %parallel_loop3A_206, %parallel_loop3A_204 : vector<16xi1>, vector<16xi32>
        %parallel_loop3A_341 = arith.cmpf ogt, %parallel_loop3A_328, %parallel_loop3A_202 : vector<16xf32>
        %parallel_loop3A_342 = arith.select %parallel_loop3A_341, %parallel_loop3A_206, %parallel_loop3A_204 : vector<16xi1>, vector<16xi32>
        %parallel_loop3A_343 = arith.cmpf ogt, %parallel_loop3A_329, %parallel_loop3A_202 : vector<16xf32>
        %parallel_loop3A_344 = arith.select %parallel_loop3A_343, %parallel_loop3A_206, %parallel_loop3A_204 : vector<16xi1>, vector<16xi32>
        %parallel_loop3A_345 = arith.cmpf ogt, %parallel_loop3A_330, %parallel_loop3A_202 : vector<16xf32>
        %parallel_loop3A_346 = arith.select %parallel_loop3A_345, %parallel_loop3A_206, %parallel_loop3A_204 : vector<16xi1>, vector<16xi32>
        %parallel_loop3A_347 = arith.constant 1 : i32
        %parallel_loop3A_348 = vector.broadcast %parallel_loop3A_347 : i32 to vector<16xi32>
        %parallel_loop3A_349 = arith.ori %parallel_loop3A_332, %parallel_loop3A_348 : vector<16xi32>
        %parallel_loop3A_350 = vector.shape_cast %parallel_loop3A_349 : vector<16xi32> to vector<16x1xi32>
        %parallel_loop3A_351 = vector.shape_cast %parallel_loop3A_350 : vector<16x1xi32> to vector<16xi32>
        %parallel_loop3A_352 = tpu.dynamic_gather %parallel_loop3A_198[%parallel_loop3A_351] in [0] : vector<16xf32>, vector<16xi32> -> vector<16xf32>
        %parallel_loop3A_353 = arith.constant 1 : i32
        %parallel_loop3A_354 = vector.broadcast %parallel_loop3A_353 : i32 to vector<16xi32>
        %parallel_loop3A_355 = arith.ori %parallel_loop3A_334, %parallel_loop3A_354 : vector<16xi32>
        %parallel_loop3A_356 = vector.shape_cast %parallel_loop3A_355 : vector<16xi32> to vector<16x1xi32>
        %parallel_loop3A_357 = vector.shape_cast %parallel_loop3A_356 : vector<16x1xi32> to vector<16xi32>
        %parallel_loop3A_358 = tpu.dynamic_gather %parallel_loop3A_198[%parallel_loop3A_357] in [0] : vector<16xf32>, vector<16xi32> -> vector<16xf32>
        %parallel_loop3A_359 = arith.constant 1 : i32
        %parallel_loop3A_360 = vector.broadcast %parallel_loop3A_359 : i32 to vector<16xi32>
        %parallel_loop3A_361 = arith.ori %parallel_loop3A_336, %parallel_loop3A_360 : vector<16xi32>
        %parallel_loop3A_362 = vector.shape_cast %parallel_loop3A_361 : vector<16xi32> to vector<16x1xi32>
        %parallel_loop3A_363 = vector.shape_cast %parallel_loop3A_362 : vector<16x1xi32> to vector<16xi32>
        %parallel_loop3A_364 = tpu.dynamic_gather %parallel_loop3A_198[%parallel_loop3A_363] in [0] : vector<16xf32>, vector<16xi32> -> vector<16xf32>
        %parallel_loop3A_365 = arith.constant 1 : i32
        %parallel_loop3A_366 = vector.broadcast %parallel_loop3A_365 : i32 to vector<16xi32>
        %parallel_loop3A_367 = arith.ori %parallel_loop3A_338, %parallel_loop3A_366 : vector<16xi32>
        %parallel_loop3A_368 = vector.shape_cast %parallel_loop3A_367 : vector<16xi32> to vector<16x1xi32>
        %parallel_loop3A_369 = vector.shape_cast %parallel_loop3A_368 : vector<16x1xi32> to vector<16xi32>
        %parallel_loop3A_370 = tpu.dynamic_gather %parallel_loop3A_198[%parallel_loop3A_369] in [0] : vector<16xf32>, vector<16xi32> -> vector<16xf32>
        %parallel_loop3A_371 = arith.constant 1 : i32
        %parallel_loop3A_372 = vector.broadcast %parallel_loop3A_371 : i32 to vector<16xi32>
        %parallel_loop3A_373 = arith.ori %parallel_loop3A_340, %parallel_loop3A_372 : vector<16xi32>
        %parallel_loop3A_374 = vector.shape_cast %parallel_loop3A_373 : vector<16xi32> to vector<16x1xi32>
        %parallel_loop3A_375 = vector.shape_cast %parallel_loop3A_374 : vector<16x1xi32> to vector<16xi32>
        %parallel_loop3A_376 = tpu.dynamic_gather %parallel_loop3A_198[%parallel_loop3A_375] in [0] : vector<16xf32>, vector<16xi32> -> vector<16xf32>
        %parallel_loop3A_377 = arith.constant 1 : i32
        %parallel_loop3A_378 = vector.broadcast %parallel_loop3A_377 : i32 to vector<16xi32>
        %parallel_loop3A_379 = arith.ori %parallel_loop3A_342, %parallel_loop3A_378 : vector<16xi32>
        %parallel_loop3A_380 = vector.shape_cast %parallel_loop3A_379 : vector<16xi32> to vector<16x1xi32>
        %parallel_loop3A_381 = vector.shape_cast %parallel_loop3A_380 : vector<16x1xi32> to vector<16xi32>
        %parallel_loop3A_382 = tpu.dynamic_gather %parallel_loop3A_198[%parallel_loop3A_381] in [0] : vector<16xf32>, vector<16xi32> -> vector<16xf32>
        %parallel_loop3A_383 = arith.constant 1 : i32
        %parallel_loop3A_384 = vector.broadcast %parallel_loop3A_383 : i32 to vector<16xi32>
        %parallel_loop3A_385 = arith.ori %parallel_loop3A_344, %parallel_loop3A_384 : vector<16xi32>
        %parallel_loop3A_386 = vector.shape_cast %parallel_loop3A_385 : vector<16xi32> to vector<16x1xi32>
        %parallel_loop3A_387 = vector.shape_cast %parallel_loop3A_386 : vector<16x1xi32> to vector<16xi32>
        %parallel_loop3A_388 = tpu.dynamic_gather %parallel_loop3A_198[%parallel_loop3A_387] in [0] : vector<16xf32>, vector<16xi32> -> vector<16xf32>
        %parallel_loop3A_389 = arith.constant 1 : i32
        %parallel_loop3A_390 = vector.broadcast %parallel_loop3A_389 : i32 to vector<16xi32>
        %parallel_loop3A_391 = arith.ori %parallel_loop3A_346, %parallel_loop3A_390 : vector<16xi32>
        %parallel_loop3A_392 = vector.shape_cast %parallel_loop3A_391 : vector<16xi32> to vector<16x1xi32>
        %parallel_loop3A_393 = vector.shape_cast %parallel_loop3A_392 : vector<16x1xi32> to vector<16xi32>
        %parallel_loop3A_394 = tpu.dynamic_gather %parallel_loop3A_198[%parallel_loop3A_393] in [0] : vector<16xf32>, vector<16xi32> -> vector<16xf32>
        %parallel_loop3A_395 = arith.cmpf ogt, %parallel_loop3A_323, %parallel_loop3A_352 : vector<16xf32>
        %parallel_loop3A_396 = arith.select %parallel_loop3A_395, %parallel_loop3A_208, %parallel_loop3A_204 : vector<16xi1>, vector<16xi32>
        %parallel_loop3A_397 = arith.ori %parallel_loop3A_332, %parallel_loop3A_396 : vector<16xi32>
        %parallel_loop3A_398 = arith.cmpf ogt, %parallel_loop3A_324, %parallel_loop3A_358 : vector<16xf32>
        %parallel_loop3A_399 = arith.select %parallel_loop3A_398, %parallel_loop3A_208, %parallel_loop3A_204 : vector<16xi1>, vector<16xi32>
        %parallel_loop3A_400 = arith.ori %parallel_loop3A_334, %parallel_loop3A_399 : vector<16xi32>
        %parallel_loop3A_401 = arith.cmpf ogt, %parallel_loop3A_325, %parallel_loop3A_364 : vector<16xf32>
        %parallel_loop3A_402 = arith.select %parallel_loop3A_401, %parallel_loop3A_208, %parallel_loop3A_204 : vector<16xi1>, vector<16xi32>
        %parallel_loop3A_403 = arith.ori %parallel_loop3A_336, %parallel_loop3A_402 : vector<16xi32>
        %parallel_loop3A_404 = arith.cmpf ogt, %parallel_loop3A_326, %parallel_loop3A_370 : vector<16xf32>
        %parallel_loop3A_405 = arith.select %parallel_loop3A_404, %parallel_loop3A_208, %parallel_loop3A_204 : vector<16xi1>, vector<16xi32>
        %parallel_loop3A_406 = arith.ori %parallel_loop3A_338, %parallel_loop3A_405 : vector<16xi32>
        %parallel_loop3A_407 = arith.cmpf ogt, %parallel_loop3A_327, %parallel_loop3A_376 : vector<16xf32>
        %parallel_loop3A_408 = arith.select %parallel_loop3A_407, %parallel_loop3A_208, %parallel_loop3A_204 : vector<16xi1>, vector<16xi32>
        %parallel_loop3A_409 = arith.ori %parallel_loop3A_340, %parallel_loop3A_408 : vector<16xi32>
        %parallel_loop3A_410 = arith.cmpf ogt, %parallel_loop3A_328, %parallel_loop3A_382 : vector<16xf32>
        %parallel_loop3A_411 = arith.select %parallel_loop3A_410, %parallel_loop3A_208, %parallel_loop3A_204 : vector<16xi1>, vector<16xi32>
        %parallel_loop3A_412 = arith.ori %parallel_loop3A_342, %parallel_loop3A_411 : vector<16xi32>
        %parallel_loop3A_413 = arith.cmpf ogt, %parallel_loop3A_329, %parallel_loop3A_388 : vector<16xf32>
        %parallel_loop3A_414 = arith.select %parallel_loop3A_413, %parallel_loop3A_208, %parallel_loop3A_204 : vector<16xi1>, vector<16xi32>
        %parallel_loop3A_415 = arith.ori %parallel_loop3A_344, %parallel_loop3A_414 : vector<16xi32>
        %parallel_loop3A_416 = arith.cmpf ogt, %parallel_loop3A_330, %parallel_loop3A_394 : vector<16xf32>
        %parallel_loop3A_417 = arith.select %parallel_loop3A_416, %parallel_loop3A_208, %parallel_loop3A_204 : vector<16xi1>, vector<16xi32>
        %parallel_loop3A_418 = arith.ori %parallel_loop3A_346, %parallel_loop3A_417 : vector<16xi32>
        %parallel_loop3A_419 = vector.shape_cast %parallel_loop3A_397 : vector<16xi32> to vector<16x1xi32>
        %parallel_loop3A_420 = vector.shape_cast %parallel_loop3A_419 : vector<16x1xi32> to vector<16xi32>
        %parallel_loop3A_421 = tpu.dynamic_gather %parallel_loop3A_198[%parallel_loop3A_420] in [0] : vector<16xf32>, vector<16xi32> -> vector<16xf32>
        %parallel_loop3A_422 = vector.shape_cast %parallel_loop3A_400 : vector<16xi32> to vector<16x1xi32>
        %parallel_loop3A_423 = vector.shape_cast %parallel_loop3A_422 : vector<16x1xi32> to vector<16xi32>
        %parallel_loop3A_424 = tpu.dynamic_gather %parallel_loop3A_198[%parallel_loop3A_423] in [0] : vector<16xf32>, vector<16xi32> -> vector<16xf32>
        %parallel_loop3A_425 = vector.shape_cast %parallel_loop3A_403 : vector<16xi32> to vector<16x1xi32>
        %parallel_loop3A_426 = vector.shape_cast %parallel_loop3A_425 : vector<16x1xi32> to vector<16xi32>
        %parallel_loop3A_427 = tpu.dynamic_gather %parallel_loop3A_198[%parallel_loop3A_426] in [0] : vector<16xf32>, vector<16xi32> -> vector<16xf32>
        %parallel_loop3A_428 = vector.shape_cast %parallel_loop3A_406 : vector<16xi32> to vector<16x1xi32>
        %parallel_loop3A_429 = vector.shape_cast %parallel_loop3A_428 : vector<16x1xi32> to vector<16xi32>
        %parallel_loop3A_430 = tpu.dynamic_gather %parallel_loop3A_198[%parallel_loop3A_429] in [0] : vector<16xf32>, vector<16xi32> -> vector<16xf32>
        %parallel_loop3A_431 = vector.shape_cast %parallel_loop3A_409 : vector<16xi32> to vector<16x1xi32>
        %parallel_loop3A_432 = vector.shape_cast %parallel_loop3A_431 : vector<16x1xi32> to vector<16xi32>
        %parallel_loop3A_433 = tpu.dynamic_gather %parallel_loop3A_198[%parallel_loop3A_432] in [0] : vector<16xf32>, vector<16xi32> -> vector<16xf32>
        %parallel_loop3A_434 = vector.shape_cast %parallel_loop3A_412 : vector<16xi32> to vector<16x1xi32>
        %parallel_loop3A_435 = vector.shape_cast %parallel_loop3A_434 : vector<16x1xi32> to vector<16xi32>
        %parallel_loop3A_436 = tpu.dynamic_gather %parallel_loop3A_198[%parallel_loop3A_435] in [0] : vector<16xf32>, vector<16xi32> -> vector<16xf32>
        %parallel_loop3A_437 = vector.shape_cast %parallel_loop3A_415 : vector<16xi32> to vector<16x1xi32>
        %parallel_loop3A_438 = vector.shape_cast %parallel_loop3A_437 : vector<16x1xi32> to vector<16xi32>
        %parallel_loop3A_439 = tpu.dynamic_gather %parallel_loop3A_198[%parallel_loop3A_438] in [0] : vector<16xf32>, vector<16xi32> -> vector<16xf32>
        %parallel_loop3A_440 = vector.shape_cast %parallel_loop3A_418 : vector<16xi32> to vector<16x1xi32>
        %parallel_loop3A_441 = vector.shape_cast %parallel_loop3A_440 : vector<16x1xi32> to vector<16xi32>
        %parallel_loop3A_442 = tpu.dynamic_gather %parallel_loop3A_198[%parallel_loop3A_441] in [0] : vector<16xf32>, vector<16xi32> -> vector<16xf32>
        %parallel_loop3A_443 = arith.cmpf ogt, %parallel_loop3A_323, %parallel_loop3A_421 : vector<16xf32>
        %parallel_loop3A_444 = arith.select %parallel_loop3A_443, %parallel_loop3A_210, %parallel_loop3A_204 : vector<16xi1>, vector<16xi32>
        %parallel_loop3A_445 = arith.ori %parallel_loop3A_397, %parallel_loop3A_444 : vector<16xi32>
        %parallel_loop3A_446 = arith.cmpf ogt, %parallel_loop3A_324, %parallel_loop3A_424 : vector<16xf32>
        %parallel_loop3A_447 = arith.select %parallel_loop3A_446, %parallel_loop3A_210, %parallel_loop3A_204 : vector<16xi1>, vector<16xi32>
        %parallel_loop3A_448 = arith.ori %parallel_loop3A_400, %parallel_loop3A_447 : vector<16xi32>
        %parallel_loop3A_449 = arith.cmpf ogt, %parallel_loop3A_325, %parallel_loop3A_427 : vector<16xf32>
        %parallel_loop3A_450 = arith.select %parallel_loop3A_449, %parallel_loop3A_210, %parallel_loop3A_204 : vector<16xi1>, vector<16xi32>
        %parallel_loop3A_451 = arith.ori %parallel_loop3A_403, %parallel_loop3A_450 : vector<16xi32>
        %parallel_loop3A_452 = arith.cmpf ogt, %parallel_loop3A_326, %parallel_loop3A_430 : vector<16xf32>
        %parallel_loop3A_453 = arith.select %parallel_loop3A_452, %parallel_loop3A_210, %parallel_loop3A_204 : vector<16xi1>, vector<16xi32>
        %parallel_loop3A_454 = arith.ori %parallel_loop3A_406, %parallel_loop3A_453 : vector<16xi32>
        %parallel_loop3A_455 = arith.cmpf ogt, %parallel_loop3A_327, %parallel_loop3A_433 : vector<16xf32>
        %parallel_loop3A_456 = arith.select %parallel_loop3A_455, %parallel_loop3A_210, %parallel_loop3A_204 : vector<16xi1>, vector<16xi32>
        %parallel_loop3A_457 = arith.ori %parallel_loop3A_409, %parallel_loop3A_456 : vector<16xi32>
        %parallel_loop3A_458 = arith.cmpf ogt, %parallel_loop3A_328, %parallel_loop3A_436 : vector<16xf32>
        %parallel_loop3A_459 = arith.select %parallel_loop3A_458, %parallel_loop3A_210, %parallel_loop3A_204 : vector<16xi1>, vector<16xi32>
        %parallel_loop3A_460 = arith.ori %parallel_loop3A_412, %parallel_loop3A_459 : vector<16xi32>
        %parallel_loop3A_461 = arith.cmpf ogt, %parallel_loop3A_329, %parallel_loop3A_439 : vector<16xf32>
        %parallel_loop3A_462 = arith.select %parallel_loop3A_461, %parallel_loop3A_210, %parallel_loop3A_204 : vector<16xi1>, vector<16xi32>
        %parallel_loop3A_463 = arith.ori %parallel_loop3A_415, %parallel_loop3A_462 : vector<16xi32>
        %parallel_loop3A_464 = arith.cmpf ogt, %parallel_loop3A_330, %parallel_loop3A_442 : vector<16xf32>
        %parallel_loop3A_465 = arith.select %parallel_loop3A_464, %parallel_loop3A_210, %parallel_loop3A_204 : vector<16xi1>, vector<16xi32>
        %parallel_loop3A_466 = arith.ori %parallel_loop3A_418, %parallel_loop3A_465 : vector<16xi32>
        %parallel_loop3A_467 = vector.shape_cast %parallel_loop3A_445 : vector<16xi32> to vector<16x1xi32>
        %parallel_loop3A_468 = vector.shape_cast %parallel_loop3A_467 : vector<16x1xi32> to vector<16xi32>
        %parallel_loop3A_469 = tpu.dynamic_gather %parallel_loop3A_200[%parallel_loop3A_468] in [0] : vector<16xf32>, vector<16xi32> -> vector<16xf32>
        %parallel_loop3A_470 = vector.shape_cast %parallel_loop3A_448 : vector<16xi32> to vector<16x1xi32>
        %parallel_loop3A_471 = vector.shape_cast %parallel_loop3A_470 : vector<16x1xi32> to vector<16xi32>
        %parallel_loop3A_472 = tpu.dynamic_gather %parallel_loop3A_200[%parallel_loop3A_471] in [0] : vector<16xf32>, vector<16xi32> -> vector<16xf32>
        %parallel_loop3A_473 = vector.shape_cast %parallel_loop3A_451 : vector<16xi32> to vector<16x1xi32>
        %parallel_loop3A_474 = vector.shape_cast %parallel_loop3A_473 : vector<16x1xi32> to vector<16xi32>
        %parallel_loop3A_475 = tpu.dynamic_gather %parallel_loop3A_200[%parallel_loop3A_474] in [0] : vector<16xf32>, vector<16xi32> -> vector<16xf32>
        %parallel_loop3A_476 = vector.shape_cast %parallel_loop3A_454 : vector<16xi32> to vector<16x1xi32>
        %parallel_loop3A_477 = vector.shape_cast %parallel_loop3A_476 : vector<16x1xi32> to vector<16xi32>
        %parallel_loop3A_478 = tpu.dynamic_gather %parallel_loop3A_200[%parallel_loop3A_477] in [0] : vector<16xf32>, vector<16xi32> -> vector<16xf32>
        %parallel_loop3A_479 = vector.shape_cast %parallel_loop3A_457 : vector<16xi32> to vector<16x1xi32>
        %parallel_loop3A_480 = vector.shape_cast %parallel_loop3A_479 : vector<16x1xi32> to vector<16xi32>
        %parallel_loop3A_481 = tpu.dynamic_gather %parallel_loop3A_200[%parallel_loop3A_480] in [0] : vector<16xf32>, vector<16xi32> -> vector<16xf32>
        %parallel_loop3A_482 = vector.shape_cast %parallel_loop3A_460 : vector<16xi32> to vector<16x1xi32>
        %parallel_loop3A_483 = vector.shape_cast %parallel_loop3A_482 : vector<16x1xi32> to vector<16xi32>
        %parallel_loop3A_484 = tpu.dynamic_gather %parallel_loop3A_200[%parallel_loop3A_483] in [0] : vector<16xf32>, vector<16xi32> -> vector<16xf32>
        %parallel_loop3A_485 = vector.shape_cast %parallel_loop3A_463 : vector<16xi32> to vector<16x1xi32>
        %parallel_loop3A_486 = vector.shape_cast %parallel_loop3A_485 : vector<16x1xi32> to vector<16xi32>
        %parallel_loop3A_487 = tpu.dynamic_gather %parallel_loop3A_200[%parallel_loop3A_486] in [0] : vector<16xf32>, vector<16xi32> -> vector<16xf32>
        %parallel_loop3A_488 = vector.shape_cast %parallel_loop3A_466 : vector<16xi32> to vector<16x1xi32>
        %parallel_loop3A_489 = vector.shape_cast %parallel_loop3A_488 : vector<16x1xi32> to vector<16xi32>
        %parallel_loop3A_490 = tpu.dynamic_gather %parallel_loop3A_200[%parallel_loop3A_489] in [0] : vector<16xf32>, vector<16xi32> -> vector<16xf32>
        %parallel_loop3A_491 = tpu.iota {dimensions = array<i32: 0>} : vector<16xi32>
        %parallel_loop3A_492 = arith.constant 1 : i32
        %parallel_loop3A_493 = vector.broadcast %parallel_loop3A_492 : i32 to vector<16xi32>
        %parallel_loop3A_494 = arith.xori %parallel_loop3A_491, %parallel_loop3A_493 : vector<16xi32>
        %parallel_loop3A_495 = vector.shape_cast %parallel_loop3A_494 : vector<16xi32> to vector<16x1xi32>
        %parallel_loop3A_496 = vector.shape_cast %parallel_loop3A_495 : vector<16x1xi32> to vector<16xi32>
        %parallel_loop3A_497 = tpu.dynamic_gather %parallel_loop3A_469[%parallel_loop3A_496] in [0] : vector<16xf32>, vector<16xi32> -> vector<16xf32>
        %parallel_loop3A_498 = tpu.iota {dimensions = array<i32: 0>} : vector<16xi32>
        %parallel_loop3A_499 = arith.constant 1 : i32
        %parallel_loop3A_500 = vector.broadcast %parallel_loop3A_499 : i32 to vector<16xi32>
        %parallel_loop3A_501 = arith.xori %parallel_loop3A_498, %parallel_loop3A_500 : vector<16xi32>
        %parallel_loop3A_502 = vector.shape_cast %parallel_loop3A_501 : vector<16xi32> to vector<16x1xi32>
        %parallel_loop3A_503 = vector.shape_cast %parallel_loop3A_502 : vector<16x1xi32> to vector<16xi32>
        %parallel_loop3A_504 = tpu.dynamic_gather %parallel_loop3A_472[%parallel_loop3A_503] in [0] : vector<16xf32>, vector<16xi32> -> vector<16xf32>
        %parallel_loop3A_505 = tpu.iota {dimensions = array<i32: 0>} : vector<16xi32>
        %parallel_loop3A_506 = arith.constant 1 : i32
        %parallel_loop3A_507 = vector.broadcast %parallel_loop3A_506 : i32 to vector<16xi32>
        %parallel_loop3A_508 = arith.xori %parallel_loop3A_505, %parallel_loop3A_507 : vector<16xi32>
        %parallel_loop3A_509 = vector.shape_cast %parallel_loop3A_508 : vector<16xi32> to vector<16x1xi32>
        %parallel_loop3A_510 = vector.shape_cast %parallel_loop3A_509 : vector<16x1xi32> to vector<16xi32>
        %parallel_loop3A_511 = tpu.dynamic_gather %parallel_loop3A_475[%parallel_loop3A_510] in [0] : vector<16xf32>, vector<16xi32> -> vector<16xf32>
        %parallel_loop3A_512 = tpu.iota {dimensions = array<i32: 0>} : vector<16xi32>
        %parallel_loop3A_513 = arith.constant 1 : i32
        %parallel_loop3A_514 = vector.broadcast %parallel_loop3A_513 : i32 to vector<16xi32>
        %parallel_loop3A_515 = arith.xori %parallel_loop3A_512, %parallel_loop3A_514 : vector<16xi32>
        %parallel_loop3A_516 = vector.shape_cast %parallel_loop3A_515 : vector<16xi32> to vector<16x1xi32>
        %parallel_loop3A_517 = vector.shape_cast %parallel_loop3A_516 : vector<16x1xi32> to vector<16xi32>
        %parallel_loop3A_518 = tpu.dynamic_gather %parallel_loop3A_478[%parallel_loop3A_517] in [0] : vector<16xf32>, vector<16xi32> -> vector<16xf32>
        %parallel_loop3A_519 = tpu.iota {dimensions = array<i32: 0>} : vector<16xi32>
        %parallel_loop3A_520 = arith.constant 1 : i32
        %parallel_loop3A_521 = vector.broadcast %parallel_loop3A_520 : i32 to vector<16xi32>
        %parallel_loop3A_522 = arith.xori %parallel_loop3A_519, %parallel_loop3A_521 : vector<16xi32>
        %parallel_loop3A_523 = vector.shape_cast %parallel_loop3A_522 : vector<16xi32> to vector<16x1xi32>
        %parallel_loop3A_524 = vector.shape_cast %parallel_loop3A_523 : vector<16x1xi32> to vector<16xi32>
        %parallel_loop3A_525 = tpu.dynamic_gather %parallel_loop3A_481[%parallel_loop3A_524] in [0] : vector<16xf32>, vector<16xi32> -> vector<16xf32>
        %parallel_loop3A_526 = tpu.iota {dimensions = array<i32: 0>} : vector<16xi32>
        %parallel_loop3A_527 = arith.constant 1 : i32
        %parallel_loop3A_528 = vector.broadcast %parallel_loop3A_527 : i32 to vector<16xi32>
        %parallel_loop3A_529 = arith.xori %parallel_loop3A_526, %parallel_loop3A_528 : vector<16xi32>
        %parallel_loop3A_530 = vector.shape_cast %parallel_loop3A_529 : vector<16xi32> to vector<16x1xi32>
        %parallel_loop3A_531 = vector.shape_cast %parallel_loop3A_530 : vector<16x1xi32> to vector<16xi32>
        %parallel_loop3A_532 = tpu.dynamic_gather %parallel_loop3A_484[%parallel_loop3A_531] in [0] : vector<16xf32>, vector<16xi32> -> vector<16xf32>
        %parallel_loop3A_533 = tpu.iota {dimensions = array<i32: 0>} : vector<16xi32>
        %parallel_loop3A_534 = arith.constant 1 : i32
        %parallel_loop3A_535 = vector.broadcast %parallel_loop3A_534 : i32 to vector<16xi32>
        %parallel_loop3A_536 = arith.xori %parallel_loop3A_533, %parallel_loop3A_535 : vector<16xi32>
        %parallel_loop3A_537 = vector.shape_cast %parallel_loop3A_536 : vector<16xi32> to vector<16x1xi32>
        %parallel_loop3A_538 = vector.shape_cast %parallel_loop3A_537 : vector<16x1xi32> to vector<16xi32>
        %parallel_loop3A_539 = tpu.dynamic_gather %parallel_loop3A_487[%parallel_loop3A_538] in [0] : vector<16xf32>, vector<16xi32> -> vector<16xf32>
        %parallel_loop3A_540 = tpu.iota {dimensions = array<i32: 0>} : vector<16xi32>
        %parallel_loop3A_541 = arith.constant 1 : i32
        %parallel_loop3A_542 = vector.broadcast %parallel_loop3A_541 : i32 to vector<16xi32>
        %parallel_loop3A_543 = arith.xori %parallel_loop3A_540, %parallel_loop3A_542 : vector<16xi32>
        %parallel_loop3A_544 = vector.shape_cast %parallel_loop3A_543 : vector<16xi32> to vector<16x1xi32>
        %parallel_loop3A_545 = vector.shape_cast %parallel_loop3A_544 : vector<16x1xi32> to vector<16xi32>
        %parallel_loop3A_546 = tpu.dynamic_gather %parallel_loop3A_490[%parallel_loop3A_545] in [0] : vector<16xf32>, vector<16xi32> -> vector<16xf32>
        %parallel_loop3A_547 = arith.mulf %parallel_loop3A_212, %parallel_loop3A_469 : vector<16xf32>
        %parallel_loop3A_548 = arith.mulf %parallel_loop3A_214, %parallel_loop3A_472 : vector<16xf32>
        %parallel_loop3A_549 = arith.mulf %parallel_loop3A_216, %parallel_loop3A_475 : vector<16xf32>
        %parallel_loop3A_550 = arith.mulf %parallel_loop3A_218, %parallel_loop3A_478 : vector<16xf32>
        %parallel_loop3A_551 = arith.mulf %parallel_loop3A_220, %parallel_loop3A_481 : vector<16xf32>
        %parallel_loop3A_552 = arith.mulf %parallel_loop3A_222, %parallel_loop3A_484 : vector<16xf32>
        %parallel_loop3A_553 = arith.mulf %parallel_loop3A_224, %parallel_loop3A_487 : vector<16xf32>
        %parallel_loop3A_554 = arith.mulf %parallel_loop3A_226, %parallel_loop3A_490 : vector<16xf32>
        %parallel_loop3A_555 = arith.mulf %parallel_loop3A_228, %parallel_loop3A_497 : vector<16xf32>
        %parallel_loop3A_556 = arith.mulf %parallel_loop3A_230, %parallel_loop3A_504 : vector<16xf32>
        %parallel_loop3A_557 = arith.mulf %parallel_loop3A_232, %parallel_loop3A_511 : vector<16xf32>
        %parallel_loop3A_558 = arith.mulf %parallel_loop3A_234, %parallel_loop3A_518 : vector<16xf32>
        %parallel_loop3A_559 = arith.mulf %parallel_loop3A_236, %parallel_loop3A_525 : vector<16xf32>
        %parallel_loop3A_560 = arith.mulf %parallel_loop3A_238, %parallel_loop3A_532 : vector<16xf32>
        %parallel_loop3A_561 = arith.mulf %parallel_loop3A_240, %parallel_loop3A_539 : vector<16xf32>
        %parallel_loop3A_562 = arith.mulf %parallel_loop3A_242, %parallel_loop3A_546 : vector<16xf32>
        %parallel_loop3A_563 = arith.subf %parallel_loop3A_547, %parallel_loop3A_555 : vector<16xf32>
        %parallel_loop3A_564 = arith.subf %parallel_loop3A_548, %parallel_loop3A_556 : vector<16xf32>
        %parallel_loop3A_565 = arith.subf %parallel_loop3A_549, %parallel_loop3A_557 : vector<16xf32>
        %parallel_loop3A_566 = arith.subf %parallel_loop3A_550, %parallel_loop3A_558 : vector<16xf32>
        %parallel_loop3A_567 = arith.subf %parallel_loop3A_551, %parallel_loop3A_559 : vector<16xf32>
        %parallel_loop3A_568 = arith.subf %parallel_loop3A_552, %parallel_loop3A_560 : vector<16xf32>
        %parallel_loop3A_569 = arith.subf %parallel_loop3A_553, %parallel_loop3A_561 : vector<16xf32>
        %parallel_loop3A_570 = arith.subf %parallel_loop3A_554, %parallel_loop3A_562 : vector<16xf32>
        %parallel_loop3A_571 = arith.mulf %parallel_loop3A_563, %parallel_loop3A_196 : vector<16xf32>
        %parallel_loop3A_572 = arith.addf %parallel_loop3A_571, %parallel_loop3A_76 : vector<16xf32>
        %parallel_loop3A_573 = arith.mulf %parallel_loop3A_564, %parallel_loop3A_196 : vector<16xf32>
        %parallel_loop3A_574 = arith.addf %parallel_loop3A_573, %parallel_loop3A_78 : vector<16xf32>
        %parallel_loop3A_575 = arith.mulf %parallel_loop3A_565, %parallel_loop3A_196 : vector<16xf32>
        %parallel_loop3A_576 = arith.addf %parallel_loop3A_575, %parallel_loop3A_80 : vector<16xf32>
        %parallel_loop3A_577 = arith.mulf %parallel_loop3A_566, %parallel_loop3A_196 : vector<16xf32>
        %parallel_loop3A_578 = arith.addf %parallel_loop3A_577, %parallel_loop3A_82 : vector<16xf32>
        %parallel_loop3A_579 = arith.mulf %parallel_loop3A_567, %parallel_loop3A_196 : vector<16xf32>
        %parallel_loop3A_580 = arith.addf %parallel_loop3A_579, %parallel_loop3A_84 : vector<16xf32>
        %parallel_loop3A_581 = arith.mulf %parallel_loop3A_568, %parallel_loop3A_196 : vector<16xf32>
        %parallel_loop3A_582 = arith.addf %parallel_loop3A_581, %parallel_loop3A_86 : vector<16xf32>
        %parallel_loop3A_583 = arith.mulf %parallel_loop3A_569, %parallel_loop3A_196 : vector<16xf32>
        %parallel_loop3A_584 = arith.addf %parallel_loop3A_583, %parallel_loop3A_88 : vector<16xf32>
        %parallel_loop3A_585 = arith.mulf %parallel_loop3A_570, %parallel_loop3A_196 : vector<16xf32>
        %parallel_loop3A_586 = arith.addf %parallel_loop3A_585, %parallel_loop3A_90 : vector<16xf32>
        %parallel_loop3A_587 = arith.index_cast %parallel_loop3A_74 : i32 to index
        %parallel_loop3A_588 = arith.constant 0 : index
        %parallel_loop3A_589 = tpu.vector_load %arg7[%parallel_loop3A_587, %parallel_loop3A_588] {strides = array<i32>} : memref<128x128xf32, #tpu.memory_space<vmem>>, vector<16xf32>,
        tpu.vector_store %arg7[%parallel_loop3A_587, %parallel_loop3A_588], %parallel_loop3A_572 {strides = array<i32>} : memref<128x128xf32, #tpu.memory_space<vmem>>, vector<16xf32>,
        %parallel_loop3A_590 = arith.index_cast %parallel_loop3A_74 : i32 to index
        %parallel_loop3A_591 = arith.constant 16 : index
        %parallel_loop3A_592 = tpu.vector_load %arg7[%parallel_loop3A_590, %parallel_loop3A_591] {strides = array<i32>} : memref<128x128xf32, #tpu.memory_space<vmem>>, vector<16xf32>,
        tpu.vector_store %arg7[%parallel_loop3A_590, %parallel_loop3A_591], %parallel_loop3A_574 {strides = array<i32>} : memref<128x128xf32, #tpu.memory_space<vmem>>, vector<16xf32>,
        %parallel_loop3A_593 = arith.index_cast %parallel_loop3A_74 : i32 to index
        %parallel_loop3A_594 = arith.constant 32 : index
        %parallel_loop3A_595 = tpu.vector_load %arg7[%parallel_loop3A_593, %parallel_loop3A_594] {strides = array<i32>} : memref<128x128xf32, #tpu.memory_space<vmem>>, vector<16xf32>,
        tpu.vector_store %arg7[%parallel_loop3A_593, %parallel_loop3A_594], %parallel_loop3A_576 {strides = array<i32>} : memref<128x128xf32, #tpu.memory_space<vmem>>, vector<16xf32>,
        %parallel_loop3A_596 = arith.index_cast %parallel_loop3A_74 : i32 to index
        %parallel_loop3A_597 = arith.constant 48 : index
        %parallel_loop3A_598 = tpu.vector_load %arg7[%parallel_loop3A_596, %parallel_loop3A_597] {strides = array<i32>} : memref<128x128xf32, #tpu.memory_space<vmem>>, vector<16xf32>,
        tpu.vector_store %arg7[%parallel_loop3A_596, %parallel_loop3A_597], %parallel_loop3A_578 {strides = array<i32>} : memref<128x128xf32, #tpu.memory_space<vmem>>, vector<16xf32>,
        %parallel_loop3A_599 = arith.index_cast %parallel_loop3A_74 : i32 to index
        %parallel_loop3A_600 = arith.constant 64 : index
        %parallel_loop3A_601 = tpu.vector_load %arg7[%parallel_loop3A_599, %parallel_loop3A_600] {strides = array<i32>} : memref<128x128xf32, #tpu.memory_space<vmem>>, vector<16xf32>,
        tpu.vector_store %arg7[%parallel_loop3A_599, %parallel_loop3A_600], %parallel_loop3A_580 {strides = array<i32>} : memref<128x128xf32, #tpu.memory_space<vmem>>, vector<16xf32>,
        %parallel_loop3A_602 = arith.index_cast %parallel_loop3A_74 : i32 to index
        %parallel_loop3A_603 = arith.constant 80 : index
        %parallel_loop3A_604 = tpu.vector_load %arg7[%parallel_loop3A_602, %parallel_loop3A_603] {strides = array<i32>} : memref<128x128xf32, #tpu.memory_space<vmem>>, vector<16xf32>,
        tpu.vector_store %arg7[%parallel_loop3A_602, %parallel_loop3A_603], %parallel_loop3A_582 {strides = array<i32>} : memref<128x128xf32, #tpu.memory_space<vmem>>, vector<16xf32>,
        %parallel_loop3A_605 = arith.index_cast %parallel_loop3A_74 : i32 to index
        %parallel_loop3A_606 = arith.constant 96 : index
        %parallel_loop3A_607 = tpu.vector_load %arg7[%parallel_loop3A_605, %parallel_loop3A_606] {strides = array<i32>} : memref<128x128xf32, #tpu.memory_space<vmem>>, vector<16xf32>,
        tpu.vector_store %arg7[%parallel_loop3A_605, %parallel_loop3A_606], %parallel_loop3A_584 {strides = array<i32>} : memref<128x128xf32, #tpu.memory_space<vmem>>, vector<16xf32>,
        %parallel_loop3A_608 = arith.index_cast %parallel_loop3A_74 : i32 to index
        %parallel_loop3A_609 = arith.constant 112 : index
        %parallel_loop3A_610 = tpu.vector_load %arg7[%parallel_loop3A_608, %parallel_loop3A_609] {strides = array<i32>} : memref<128x128xf32, #tpu.memory_space<vmem>>, vector<16xf32>,
        tpu.vector_store %arg7[%parallel_loop3A_608, %parallel_loop3A_609], %parallel_loop3A_586 {strides = array<i32>} : memref<128x128xf32, #tpu.memory_space<vmem>>, vector<16xf32>,
      } {sc.loop_unroll_factor = 2 : i64, sc.parallel_access}
      %mul3A_37 = arith.constant 128 : i32
      %mul3A_38 = arith.muli %mul3A_28, %mul3A_37 : i32
      %add3A_39 = arith.addi %mul3A_2, %mul3A_38 : i32
      %dma_start3A_40 = arith.constant 0 : i32
      %dma_start3A_41 = tpu.memref_slice %arg4[%add3A_39, %dma_start3A_40] : memref<65536x128xf32, #tpu.memory_space<hbm>> -> memref<128x128xf32, #tpu.memory_space<hbm>>
      %dma_start3A_42 = arith.constant 0 : i32
      %dma_start3A_43 = tpu.memref_slice %arg4[%add3A_39, %dma_start3A_42] : memref<65536x128xf32, #tpu.memory_space<hbm>> -> memref<128x128xf32, #tpu.memory_space<hbm>>
      tpu.enqueue_dma source(%arg7 : memref<128x128xf32, #tpu.memory_space<vmem>>) target(%dma_start3A_43 : memref<128x128xf32, #tpu.memory_space<hbm>>) target_semaphore(%arg12 : memref<!tpu.dma_semaphore, #tpu.memory_space<semaphore_mem>>)
      %lt3A = arith.constant 7 : i32
      %lt3A_44 = arith.cmpi slt, %scan3A_26, %lt3A : i32
      %convert_element_type3A_45 = arith.extui %lt3A_44 : i1 to i32
      %cond3A_46 = arith.constant 0 : i32
      %cond3A_47 = arith.cmpi ne, %convert_element_type3A_45, %cond3A_46 : i32
      scf.if %cond3A_47 {
        %add3A_74 = arith.constant 2 : i32
        %add3A_75 = arith.addi %mul3A_28, %add3A_74 : i32
        %mul3A_76 = arith.constant 128 : i32
        %mul3A_77 = arith.muli %add3A_75, %mul3A_76 : i32
        %add3A_78 = arith.addi %mul3A_2, %mul3A_77 : i32
        %dma_start3A_79 = arith.constant 0 : i32
        %dma_start3A_80 = tpu.memref_slice %arg2[%add3A_78, %dma_start3A_79] : memref<65536x128xf32, #tpu.memory_space<hbm>> -> memref<128x128xf32, #tpu.memory_space<hbm>>
        %dma_start3A_81 = arith.constant 0 : i32
        %dma_start3A_82 = tpu.memref_slice %arg2[%add3A_78, %dma_start3A_81] : memref<65536x128xf32, #tpu.memory_space<hbm>> -> memref<128x128xf32, #tpu.memory_space<hbm>>
        tpu.enqueue_dma source(%dma_start3A_82 : memref<128x128xf32, #tpu.memory_space<hbm>>) target(%arg5 : memref<128x128xf32, #tpu.memory_space<vmem>>) target_semaphore(%arg10 : memref<!tpu.dma_semaphore, #tpu.memory_space<semaphore_mem>>)
      } else {
      }
      %dma_wait3A_48 = arith.constant 0 : i32
      %dma_wait3A_49 = tpu.memref_slice %arg2[%mul3A_2, %dma_wait3A_48] : memref<65536x128xf32, #tpu.memory_space<hbm>> -> memref<128x128xf32, #tpu.memory_space<hbm>>
      %dma_wait3A_50 = arith.constant 0 : i32
      %dma_wait3A_51 = tpu.memref_slice %arg2[%mul3A_2, %dma_wait3A_50] : memref<65536x128xf32, #tpu.memory_space<hbm>> -> memref<128x128xf32, #tpu.memory_space<hbm>>
      tpu.wait_dma2 semaphore(%arg11 : memref<!tpu.dma_semaphore, #tpu.memory_space<semaphore_mem>>) src(%dma_wait3A_51 : memref<128x128xf32, #tpu.memory_space<hbm>>) dst(%arg6 : memref<128x128xf32, #tpu.memory_space<vmem>>)
      %gt3A_52 = arith.constant 0 : i32
      %gt3A_53 = arith.cmpi sgt, %scan3A_26, %gt3A_52 : i32
      %convert_element_type3A_54 = arith.extui %gt3A_53 : i1 to i32
      %cond3A_55 = arith.constant 0 : i32
      %cond3A_56 = arith.cmpi ne, %convert_element_type3A_54, %cond3A_55 : i32
      scf.if %cond3A_56 {
        %dma_wait3A_74 = arith.constant 0 : i32
        %dma_wait3A_75 = tpu.memref_slice %arg4[%mul3A_2, %dma_wait3A_74] : memref<65536x128xf32, #tpu.memory_space<hbm>> -> memref<128x128xf32, #tpu.memory_space<hbm>>
        %dma_wait3A_76 = arith.constant 0 : i32
        %dma_wait3A_77 = tpu.memref_slice %arg4[%mul3A_2, %dma_wait3A_76] : memref<65536x128xf32, #tpu.memory_space<hbm>> -> memref<128x128xf32, #tpu.memory_space<hbm>>
        tpu.wait_dma2 semaphore(%arg13 : memref<!tpu.dma_semaphore, #tpu.memory_space<semaphore_mem>>) src(%arg8 : memref<128x128xf32, #tpu.memory_space<vmem>>) dst(%dma_wait3A_77 : memref<128x128xf32, #tpu.memory_space<hbm>>)
      } else {
      }
      %parallel_loop3A_57 = arith.constant 0 : i32
      %parallel_loop3A_58 = arith.constant 128 : i32
      %parallel_loop3A_59 = arith.constant 1 : i32
      scf.for %parallel_loop3A_74 = %parallel_loop3A_57 to %parallel_loop3A_58 step %parallel_loop3A_59  : i32 {
        %parallel_loop3A_75 = arith.constant 256 : index
        %parallel_loop3A_76 = tpu.vector_load %arg9[%parallel_loop3A_75] {strides = array<i32>} : memref<464xf32, #tpu.memory_space<vmem>>, vector<16xf32>,
        %parallel_loop3A_77 = arith.constant 272 : index
        %parallel_loop3A_78 = tpu.vector_load %arg9[%parallel_loop3A_77] {strides = array<i32>} : memref<464xf32, #tpu.memory_space<vmem>>, vector<16xf32>,
        %parallel_loop3A_79 = arith.constant 288 : index
        %parallel_loop3A_80 = tpu.vector_load %arg9[%parallel_loop3A_79] {strides = array<i32>} : memref<464xf32, #tpu.memory_space<vmem>>, vector<16xf32>,
        %parallel_loop3A_81 = arith.constant 304 : index
        %parallel_loop3A_82 = tpu.vector_load %arg9[%parallel_loop3A_81] {strides = array<i32>} : memref<464xf32, #tpu.memory_space<vmem>>, vector<16xf32>,
        %parallel_loop3A_83 = arith.constant 320 : index
        %parallel_loop3A_84 = tpu.vector_load %arg9[%parallel_loop3A_83] {strides = array<i32>} : memref<464xf32, #tpu.memory_space<vmem>>, vector<16xf32>,
        %parallel_loop3A_85 = arith.constant 336 : index
        %parallel_loop3A_86 = tpu.vector_load %arg9[%parallel_loop3A_85] {strides = array<i32>} : memref<464xf32, #tpu.memory_space<vmem>>, vector<16xf32>,
        %parallel_loop3A_87 = arith.constant 352 : index
        %parallel_loop3A_88 = tpu.vector_load %arg9[%parallel_loop3A_87] {strides = array<i32>} : memref<464xf32, #tpu.memory_space<vmem>>, vector<16xf32>,
        %parallel_loop3A_89 = arith.constant 368 : index
        %parallel_loop3A_90 = tpu.vector_load %arg9[%parallel_loop3A_89] {strides = array<i32>} : memref<464xf32, #tpu.memory_space<vmem>>, vector<16xf32>,
        %parallel_loop3A_91 = arith.index_cast %parallel_loop3A_74 : i32 to index
        %parallel_loop3A_92 = arith.constant 0 : index
        %parallel_loop3A_93 = tpu.vector_load %arg6[%parallel_loop3A_91, %parallel_loop3A_92] {strides = array<i32>} : memref<128x128xf32, #tpu.memory_space<vmem>>, vector<16xf32>,
        %parallel_loop3A_94 = arith.index_cast %parallel_loop3A_74 : i32 to index
        %parallel_loop3A_95 = arith.constant 16 : index
        %parallel_loop3A_96 = tpu.vector_load %arg6[%parallel_loop3A_94, %parallel_loop3A_95] {strides = array<i32>} : memref<128x128xf32, #tpu.memory_space<vmem>>, vector<16xf32>,
        %parallel_loop3A_97 = arith.index_cast %parallel_loop3A_74 : i32 to index
        %parallel_loop3A_98 = arith.constant 32 : index
        %parallel_loop3A_99 = tpu.vector_load %arg6[%parallel_loop3A_97, %parallel_loop3A_98] {strides = array<i32>} : memref<128x128xf32, #tpu.memory_space<vmem>>, vector<16xf32>,
        %parallel_loop3A_100 = arith.index_cast %parallel_loop3A_74 : i32 to index
        %parallel_loop3A_101 = arith.constant 48 : index
        %parallel_loop3A_102 = tpu.vector_load %arg6[%parallel_loop3A_100, %parallel_loop3A_101] {strides = array<i32>} : memref<128x128xf32, #tpu.memory_space<vmem>>, vector<16xf32>,
        %parallel_loop3A_103 = arith.index_cast %parallel_loop3A_74 : i32 to index
        %parallel_loop3A_104 = arith.constant 64 : index
        %parallel_loop3A_105 = tpu.vector_load %arg6[%parallel_loop3A_103, %parallel_loop3A_104] {strides = array<i32>} : memref<128x128xf32, #tpu.memory_space<vmem>>, vector<16xf32>,
        %parallel_loop3A_106 = arith.index_cast %parallel_loop3A_74 : i32 to index
        %parallel_loop3A_107 = arith.constant 80 : index
        %parallel_loop3A_108 = tpu.vector_load %arg6[%parallel_loop3A_106, %parallel_loop3A_107] {strides = array<i32>} : memref<128x128xf32, #tpu.memory_space<vmem>>, vector<16xf32>,
        %parallel_loop3A_109 = arith.index_cast %parallel_loop3A_74 : i32 to index
        %parallel_loop3A_110 = arith.constant 96 : index
        %parallel_loop3A_111 = tpu.vector_load %arg6[%parallel_loop3A_109, %parallel_loop3A_110] {strides = array<i32>} : memref<128x128xf32, #tpu.memory_space<vmem>>, vector<16xf32>,
        %parallel_loop3A_112 = arith.index_cast %parallel_loop3A_74 : i32 to index
        %parallel_loop3A_113 = arith.constant 112 : index
        %parallel_loop3A_114 = tpu.vector_load %arg6[%parallel_loop3A_112, %parallel_loop3A_113] {strides = array<i32>} : memref<128x128xf32, #tpu.memory_space<vmem>>, vector<16xf32>,
        %parallel_loop3A_115 = arith.subf %parallel_loop3A_93, %parallel_loop3A_76 : vector<16xf32>
        %parallel_loop3A_116 = arith.subf %parallel_loop3A_96, %parallel_loop3A_78 : vector<16xf32>
        %parallel_loop3A_117 = arith.subf %parallel_loop3A_99, %parallel_loop3A_80 : vector<16xf32>
        %parallel_loop3A_118 = arith.subf %parallel_loop3A_102, %parallel_loop3A_82 : vector<16xf32>
        %parallel_loop3A_119 = arith.subf %parallel_loop3A_105, %parallel_loop3A_84 : vector<16xf32>
        %parallel_loop3A_120 = arith.subf %parallel_loop3A_108, %parallel_loop3A_86 : vector<16xf32>
        %parallel_loop3A_121 = arith.subf %parallel_loop3A_111, %parallel_loop3A_88 : vector<16xf32>
        %parallel_loop3A_122 = arith.subf %parallel_loop3A_114, %parallel_loop3A_90 : vector<16xf32>
        %parallel_loop3A_123 = arith.mulf %parallel_loop3A_115, %parallel_loop3A_115 : vector<16xf32>
        %parallel_loop3A_124 = arith.mulf %parallel_loop3A_116, %parallel_loop3A_116 : vector<16xf32>
        %parallel_loop3A_125 = arith.mulf %parallel_loop3A_117, %parallel_loop3A_117 : vector<16xf32>
        %parallel_loop3A_126 = arith.mulf %parallel_loop3A_118, %parallel_loop3A_118 : vector<16xf32>
        %parallel_loop3A_127 = arith.mulf %parallel_loop3A_119, %parallel_loop3A_119 : vector<16xf32>
        %parallel_loop3A_128 = arith.mulf %parallel_loop3A_120, %parallel_loop3A_120 : vector<16xf32>
        %parallel_loop3A_129 = arith.mulf %parallel_loop3A_121, %parallel_loop3A_121 : vector<16xf32>
        %parallel_loop3A_130 = arith.mulf %parallel_loop3A_122, %parallel_loop3A_122 : vector<16xf32>
        %parallel_loop3A_131 = arith.addf %parallel_loop3A_123, %parallel_loop3A_124 : vector<16xf32>
        %parallel_loop3A_132 = arith.addf %parallel_loop3A_125, %parallel_loop3A_126 : vector<16xf32>
        %parallel_loop3A_133 = arith.addf %parallel_loop3A_127, %parallel_loop3A_128 : vector<16xf32>
        %parallel_loop3A_134 = arith.addf %parallel_loop3A_129, %parallel_loop3A_130 : vector<16xf32>
        %parallel_loop3A_135 = arith.addf %parallel_loop3A_131, %parallel_loop3A_132 : vector<16xf32>
        %parallel_loop3A_136 = arith.addf %parallel_loop3A_133, %parallel_loop3A_134 : vector<16xf32>
        %parallel_loop3A_137 = arith.addf %parallel_loop3A_135, %parallel_loop3A_136 : vector<16xf32>
        %parallel_loop3A_138 = tpu.iota {dimensions = array<i32: 0>} : vector<16xi32>
        %parallel_loop3A_139 = arith.constant 1 : i32
        %parallel_loop3A_140 = vector.broadcast %parallel_loop3A_139 : i32 to vector<16xi32>
        %parallel_loop3A_141 = arith.xori %parallel_loop3A_138, %parallel_loop3A_140 : vector<16xi32>
        %parallel_loop3A_142 = vector.shape_cast %parallel_loop3A_141 : vector<16xi32> to vector<16x1xi32>
        %parallel_loop3A_143 = vector.shape_cast %parallel_loop3A_142 : vector<16x1xi32> to vector<16xi32>
        %parallel_loop3A_144 = tpu.dynamic_gather %parallel_loop3A_137[%parallel_loop3A_143] in [0] : vector<16xf32>, vector<16xi32> -> vector<16xf32>
        %parallel_loop3A_145 = arith.addf %parallel_loop3A_137, %parallel_loop3A_144 : vector<16xf32>
        %parallel_loop3A_146 = tpu.iota {dimensions = array<i32: 0>} : vector<16xi32>
        %parallel_loop3A_147 = arith.constant 2 : i32
        %parallel_loop3A_148 = vector.broadcast %parallel_loop3A_147 : i32 to vector<16xi32>
        %parallel_loop3A_149 = arith.xori %parallel_loop3A_146, %parallel_loop3A_148 : vector<16xi32>
        %parallel_loop3A_150 = vector.shape_cast %parallel_loop3A_149 : vector<16xi32> to vector<16x1xi32>
        %parallel_loop3A_151 = vector.shape_cast %parallel_loop3A_150 : vector<16x1xi32> to vector<16xi32>
        %parallel_loop3A_152 = tpu.dynamic_gather %parallel_loop3A_145[%parallel_loop3A_151] in [0] : vector<16xf32>, vector<16xi32> -> vector<16xf32>
        %parallel_loop3A_153 = arith.addf %parallel_loop3A_145, %parallel_loop3A_152 : vector<16xf32>
        %parallel_loop3A_154 = tpu.iota {dimensions = array<i32: 0>} : vector<16xi32>
        %parallel_loop3A_155 = arith.constant 4 : i32
        %parallel_loop3A_156 = vector.broadcast %parallel_loop3A_155 : i32 to vector<16xi32>
        %parallel_loop3A_157 = arith.xori %parallel_loop3A_154, %parallel_loop3A_156 : vector<16xi32>
        %parallel_loop3A_158 = vector.shape_cast %parallel_loop3A_157 : vector<16xi32> to vector<16x1xi32>
        %parallel_loop3A_159 = vector.shape_cast %parallel_loop3A_158 : vector<16x1xi32> to vector<16xi32>
        %parallel_loop3A_160 = tpu.dynamic_gather %parallel_loop3A_153[%parallel_loop3A_159] in [0] : vector<16xf32>, vector<16xi32> -> vector<16xf32>
        %parallel_loop3A_161 = arith.addf %parallel_loop3A_153, %parallel_loop3A_160 : vector<16xf32>
        %parallel_loop3A_162 = tpu.iota {dimensions = array<i32: 0>} : vector<16xi32>
        %parallel_loop3A_163 = arith.constant 8 : i32
        %parallel_loop3A_164 = vector.broadcast %parallel_loop3A_163 : i32 to vector<16xi32>
        %parallel_loop3A_165 = arith.xori %parallel_loop3A_162, %parallel_loop3A_164 : vector<16xi32>
        %parallel_loop3A_166 = vector.shape_cast %parallel_loop3A_165 : vector<16xi32> to vector<16x1xi32>
        %parallel_loop3A_167 = vector.shape_cast %parallel_loop3A_166 : vector<16x1xi32> to vector<16xi32>
        %parallel_loop3A_168 = tpu.dynamic_gather %parallel_loop3A_161[%parallel_loop3A_167] in [0] : vector<16xf32>, vector<16xi32> -> vector<16xf32>
        %parallel_loop3A_169 = arith.addf %parallel_loop3A_161, %parallel_loop3A_168 : vector<16xf32>
        %parallel_loop3A_170 = arith.constant 1.000000e-16 : f32
        %parallel_loop3A_171 = vector.broadcast %parallel_loop3A_170 : f32 to vector<16xf32>
        %parallel_loop3A_172 = arith.maximumf %parallel_loop3A_169, %parallel_loop3A_171 : vector<16xf32>
        %parallel_loop3A_173 = vector.bitcast %parallel_loop3A_172 : vector<16xf32> to vector<16xi32>
        %parallel_loop3A_174 = arith.constant 1 : i32
        %parallel_loop3A_175 = vector.broadcast %parallel_loop3A_174 : i32 to vector<16xi32>
        %parallel_loop3A_176 = arith.shrsi %parallel_loop3A_173, %parallel_loop3A_175 : vector<16xi32>
        %parallel_loop3A_177 = arith.constant 1597463007 : i32
        %parallel_loop3A_178 = vector.broadcast %parallel_loop3A_177 : i32 to vector<16xi32>
        %parallel_loop3A_179 = arith.subi %parallel_loop3A_178, %parallel_loop3A_176 : vector<16xi32>
        %parallel_loop3A_180 = vector.bitcast %parallel_loop3A_179 : vector<16xi32> to vector<16xf32>
        %parallel_loop3A_181 = arith.constant 5.000000e-01 : f32
        %parallel_loop3A_182 = vector.broadcast %parallel_loop3A_181 : f32 to vector<16xf32>
        %parallel_loop3A_183 = arith.mulf %parallel_loop3A_172, %parallel_loop3A_182 : vector<16xf32>
        %parallel_loop3A_184 = arith.mulf %parallel_loop3A_183, %parallel_loop3A_180 : vector<16xf32>
        %parallel_loop3A_185 = arith.mulf %parallel_loop3A_184, %parallel_loop3A_180 : vector<16xf32>
        %parallel_loop3A_186 = arith.constant 1.500000e+00 : f32
        %parallel_loop3A_187 = vector.broadcast %parallel_loop3A_186 : f32 to vector<16xf32>
        %parallel_loop3A_188 = arith.subf %parallel_loop3A_187, %parallel_loop3A_185 : vector<16xf32>
        %parallel_loop3A_189 = arith.mulf %parallel_loop3A_180, %parallel_loop3A_188 : vector<16xf32>
        %parallel_loop3A_190 = arith.mulf %parallel_loop3A_183, %parallel_loop3A_189 : vector<16xf32>
        %parallel_loop3A_191 = arith.mulf %parallel_loop3A_190, %parallel_loop3A_189 : vector<16xf32>
        %parallel_loop3A_192 = arith.constant 1.500000e+00 : f32
        %parallel_loop3A_193 = vector.broadcast %parallel_loop3A_192 : f32 to vector<16xf32>
        %parallel_loop3A_194 = arith.subf %parallel_loop3A_193, %parallel_loop3A_191 : vector<16xf32>
        %parallel_loop3A_195 = arith.mulf %parallel_loop3A_189, %parallel_loop3A_194 : vector<16xf32>
        %parallel_loop3A_196 = arith.mulf %parallel_loop3A_172, %parallel_loop3A_195 : vector<16xf32>
        %parallel_loop3A_197 = arith.constant 384 : index
        %parallel_loop3A_198 = tpu.vector_load %arg9[%parallel_loop3A_197] {strides = array<i32>} : memref<464xf32, #tpu.memory_space<vmem>>, vector<16xf32>,
        %parallel_loop3A_199 = arith.constant 400 : index
        %parallel_loop3A_200 = tpu.vector_load %arg9[%parallel_loop3A_199] {strides = array<i32>} : memref<464xf32, #tpu.memory_space<vmem>>, vector<16xf32>,
        %parallel_loop3A_201 = arith.constant 416 : index
        %parallel_loop3A_202 = tpu.vector_load %arg9[%parallel_loop3A_201] {strides = array<i32>} : memref<464xf32, #tpu.memory_space<vmem>>, vector<16xf32>,
        %parallel_loop3A_203 = arith.constant 0 : i32
        %parallel_loop3A_204 = vector.broadcast %parallel_loop3A_203 : i32 to vector<16xi32>
        %parallel_loop3A_205 = arith.constant 4 : i32
        %parallel_loop3A_206 = vector.broadcast %parallel_loop3A_205 : i32 to vector<16xi32>
        %parallel_loop3A_207 = arith.constant 2 : i32
        %parallel_loop3A_208 = vector.broadcast %parallel_loop3A_207 : i32 to vector<16xi32>
        %parallel_loop3A_209 = arith.constant 1 : i32
        %parallel_loop3A_210 = vector.broadcast %parallel_loop3A_209 : i32 to vector<16xi32>
        %parallel_loop3A_211 = arith.constant 0 : index
        %parallel_loop3A_212 = tpu.vector_load %arg9[%parallel_loop3A_211] {strides = array<i32>} : memref<464xf32, #tpu.memory_space<vmem>>, vector<16xf32>,
        %parallel_loop3A_213 = arith.constant 16 : index
        %parallel_loop3A_214 = tpu.vector_load %arg9[%parallel_loop3A_213] {strides = array<i32>} : memref<464xf32, #tpu.memory_space<vmem>>, vector<16xf32>,
        %parallel_loop3A_215 = arith.constant 32 : index
        %parallel_loop3A_216 = tpu.vector_load %arg9[%parallel_loop3A_215] {strides = array<i32>} : memref<464xf32, #tpu.memory_space<vmem>>, vector<16xf32>,
        %parallel_loop3A_217 = arith.constant 48 : index
        %parallel_loop3A_218 = tpu.vector_load %arg9[%parallel_loop3A_217] {strides = array<i32>} : memref<464xf32, #tpu.memory_space<vmem>>, vector<16xf32>,
        %parallel_loop3A_219 = arith.constant 64 : index
        %parallel_loop3A_220 = tpu.vector_load %arg9[%parallel_loop3A_219] {strides = array<i32>} : memref<464xf32, #tpu.memory_space<vmem>>, vector<16xf32>,
        %parallel_loop3A_221 = arith.constant 80 : index
        %parallel_loop3A_222 = tpu.vector_load %arg9[%parallel_loop3A_221] {strides = array<i32>} : memref<464xf32, #tpu.memory_space<vmem>>, vector<16xf32>,
        %parallel_loop3A_223 = arith.constant 96 : index
        %parallel_loop3A_224 = tpu.vector_load %arg9[%parallel_loop3A_223] {strides = array<i32>} : memref<464xf32, #tpu.memory_space<vmem>>, vector<16xf32>,
        %parallel_loop3A_225 = arith.constant 112 : index
        %parallel_loop3A_226 = tpu.vector_load %arg9[%parallel_loop3A_225] {strides = array<i32>} : memref<464xf32, #tpu.memory_space<vmem>>, vector<16xf32>,
        %parallel_loop3A_227 = arith.constant 128 : index
        %parallel_loop3A_228 = tpu.vector_load %arg9[%parallel_loop3A_227] {strides = array<i32>} : memref<464xf32, #tpu.memory_space<vmem>>, vector<16xf32>,
        %parallel_loop3A_229 = arith.constant 144 : index
        %parallel_loop3A_230 = tpu.vector_load %arg9[%parallel_loop3A_229] {strides = array<i32>} : memref<464xf32, #tpu.memory_space<vmem>>, vector<16xf32>,
        %parallel_loop3A_231 = arith.constant 160 : index
        %parallel_loop3A_232 = tpu.vector_load %arg9[%parallel_loop3A_231] {strides = array<i32>} : memref<464xf32, #tpu.memory_space<vmem>>, vector<16xf32>,
        %parallel_loop3A_233 = arith.constant 176 : index
        %parallel_loop3A_234 = tpu.vector_load %arg9[%parallel_loop3A_233] {strides = array<i32>} : memref<464xf32, #tpu.memory_space<vmem>>, vector<16xf32>,
        %parallel_loop3A_235 = arith.constant 192 : index
        %parallel_loop3A_236 = tpu.vector_load %arg9[%parallel_loop3A_235] {strides = array<i32>} : memref<464xf32, #tpu.memory_space<vmem>>, vector<16xf32>,
        %parallel_loop3A_237 = arith.constant 208 : index
        %parallel_loop3A_238 = tpu.vector_load %arg9[%parallel_loop3A_237] {strides = array<i32>} : memref<464xf32, #tpu.memory_space<vmem>>, vector<16xf32>,
        %parallel_loop3A_239 = arith.constant 224 : index
        %parallel_loop3A_240 = tpu.vector_load %arg9[%parallel_loop3A_239] {strides = array<i32>} : memref<464xf32, #tpu.memory_space<vmem>>, vector<16xf32>,
        %parallel_loop3A_241 = arith.constant 240 : index
        %parallel_loop3A_242 = tpu.vector_load %arg9[%parallel_loop3A_241] {strides = array<i32>} : memref<464xf32, #tpu.memory_space<vmem>>, vector<16xf32>,
        %parallel_loop3A_243 = arith.mulf %parallel_loop3A_115, %parallel_loop3A_195 : vector<16xf32>
        %parallel_loop3A_244 = arith.mulf %parallel_loop3A_116, %parallel_loop3A_195 : vector<16xf32>
        %parallel_loop3A_245 = arith.mulf %parallel_loop3A_117, %parallel_loop3A_195 : vector<16xf32>
        %parallel_loop3A_246 = arith.mulf %parallel_loop3A_118, %parallel_loop3A_195 : vector<16xf32>
        %parallel_loop3A_247 = arith.mulf %parallel_loop3A_119, %parallel_loop3A_195 : vector<16xf32>
        %parallel_loop3A_248 = arith.mulf %parallel_loop3A_120, %parallel_loop3A_195 : vector<16xf32>
        %parallel_loop3A_249 = arith.mulf %parallel_loop3A_121, %parallel_loop3A_195 : vector<16xf32>
        %parallel_loop3A_250 = arith.mulf %parallel_loop3A_122, %parallel_loop3A_195 : vector<16xf32>
        %parallel_loop3A_251 = tpu.iota {dimensions = array<i32: 0>} : vector<16xi32>
        %parallel_loop3A_252 = arith.constant 1 : i32
        %parallel_loop3A_253 = vector.broadcast %parallel_loop3A_252 : i32 to vector<16xi32>
        %parallel_loop3A_254 = arith.xori %parallel_loop3A_251, %parallel_loop3A_253 : vector<16xi32>
        %parallel_loop3A_255 = vector.shape_cast %parallel_loop3A_254 : vector<16xi32> to vector<16x1xi32>
        %parallel_loop3A_256 = vector.shape_cast %parallel_loop3A_255 : vector<16x1xi32> to vector<16xi32>
        %parallel_loop3A_257 = tpu.dynamic_gather %parallel_loop3A_243[%parallel_loop3A_256] in [0] : vector<16xf32>, vector<16xi32> -> vector<16xf32>
        %parallel_loop3A_258 = tpu.iota {dimensions = array<i32: 0>} : vector<16xi32>
        %parallel_loop3A_259 = arith.constant 1 : i32
        %parallel_loop3A_260 = vector.broadcast %parallel_loop3A_259 : i32 to vector<16xi32>
        %parallel_loop3A_261 = arith.xori %parallel_loop3A_258, %parallel_loop3A_260 : vector<16xi32>
        %parallel_loop3A_262 = vector.shape_cast %parallel_loop3A_261 : vector<16xi32> to vector<16x1xi32>
        %parallel_loop3A_263 = vector.shape_cast %parallel_loop3A_262 : vector<16x1xi32> to vector<16xi32>
        %parallel_loop3A_264 = tpu.dynamic_gather %parallel_loop3A_244[%parallel_loop3A_263] in [0] : vector<16xf32>, vector<16xi32> -> vector<16xf32>
        %parallel_loop3A_265 = tpu.iota {dimensions = array<i32: 0>} : vector<16xi32>
        %parallel_loop3A_266 = arith.constant 1 : i32
        %parallel_loop3A_267 = vector.broadcast %parallel_loop3A_266 : i32 to vector<16xi32>
        %parallel_loop3A_268 = arith.xori %parallel_loop3A_265, %parallel_loop3A_267 : vector<16xi32>
        %parallel_loop3A_269 = vector.shape_cast %parallel_loop3A_268 : vector<16xi32> to vector<16x1xi32>
        %parallel_loop3A_270 = vector.shape_cast %parallel_loop3A_269 : vector<16x1xi32> to vector<16xi32>
        %parallel_loop3A_271 = tpu.dynamic_gather %parallel_loop3A_245[%parallel_loop3A_270] in [0] : vector<16xf32>, vector<16xi32> -> vector<16xf32>
        %parallel_loop3A_272 = tpu.iota {dimensions = array<i32: 0>} : vector<16xi32>
        %parallel_loop3A_273 = arith.constant 1 : i32
        %parallel_loop3A_274 = vector.broadcast %parallel_loop3A_273 : i32 to vector<16xi32>
        %parallel_loop3A_275 = arith.xori %parallel_loop3A_272, %parallel_loop3A_274 : vector<16xi32>
        %parallel_loop3A_276 = vector.shape_cast %parallel_loop3A_275 : vector<16xi32> to vector<16x1xi32>
        %parallel_loop3A_277 = vector.shape_cast %parallel_loop3A_276 : vector<16x1xi32> to vector<16xi32>
        %parallel_loop3A_278 = tpu.dynamic_gather %parallel_loop3A_246[%parallel_loop3A_277] in [0] : vector<16xf32>, vector<16xi32> -> vector<16xf32>
        %parallel_loop3A_279 = tpu.iota {dimensions = array<i32: 0>} : vector<16xi32>
        %parallel_loop3A_280 = arith.constant 1 : i32
        %parallel_loop3A_281 = vector.broadcast %parallel_loop3A_280 : i32 to vector<16xi32>
        %parallel_loop3A_282 = arith.xori %parallel_loop3A_279, %parallel_loop3A_281 : vector<16xi32>
        %parallel_loop3A_283 = vector.shape_cast %parallel_loop3A_282 : vector<16xi32> to vector<16x1xi32>
        %parallel_loop3A_284 = vector.shape_cast %parallel_loop3A_283 : vector<16x1xi32> to vector<16xi32>
        %parallel_loop3A_285 = tpu.dynamic_gather %parallel_loop3A_247[%parallel_loop3A_284] in [0] : vector<16xf32>, vector<16xi32> -> vector<16xf32>
        %parallel_loop3A_286 = tpu.iota {dimensions = array<i32: 0>} : vector<16xi32>
        %parallel_loop3A_287 = arith.constant 1 : i32
        %parallel_loop3A_288 = vector.broadcast %parallel_loop3A_287 : i32 to vector<16xi32>
        %parallel_loop3A_289 = arith.xori %parallel_loop3A_286, %parallel_loop3A_288 : vector<16xi32>
        %parallel_loop3A_290 = vector.shape_cast %parallel_loop3A_289 : vector<16xi32> to vector<16x1xi32>
        %parallel_loop3A_291 = vector.shape_cast %parallel_loop3A_290 : vector<16x1xi32> to vector<16xi32>
        %parallel_loop3A_292 = tpu.dynamic_gather %parallel_loop3A_248[%parallel_loop3A_291] in [0] : vector<16xf32>, vector<16xi32> -> vector<16xf32>
        %parallel_loop3A_293 = tpu.iota {dimensions = array<i32: 0>} : vector<16xi32>
        %parallel_loop3A_294 = arith.constant 1 : i32
        %parallel_loop3A_295 = vector.broadcast %parallel_loop3A_294 : i32 to vector<16xi32>
        %parallel_loop3A_296 = arith.xori %parallel_loop3A_293, %parallel_loop3A_295 : vector<16xi32>
        %parallel_loop3A_297 = vector.shape_cast %parallel_loop3A_296 : vector<16xi32> to vector<16x1xi32>
        %parallel_loop3A_298 = vector.shape_cast %parallel_loop3A_297 : vector<16x1xi32> to vector<16xi32>
        %parallel_loop3A_299 = tpu.dynamic_gather %parallel_loop3A_249[%parallel_loop3A_298] in [0] : vector<16xf32>, vector<16xi32> -> vector<16xf32>
        %parallel_loop3A_300 = tpu.iota {dimensions = array<i32: 0>} : vector<16xi32>
        %parallel_loop3A_301 = arith.constant 1 : i32
        %parallel_loop3A_302 = vector.broadcast %parallel_loop3A_301 : i32 to vector<16xi32>
        %parallel_loop3A_303 = arith.xori %parallel_loop3A_300, %parallel_loop3A_302 : vector<16xi32>
        %parallel_loop3A_304 = vector.shape_cast %parallel_loop3A_303 : vector<16xi32> to vector<16x1xi32>
        %parallel_loop3A_305 = vector.shape_cast %parallel_loop3A_304 : vector<16x1xi32> to vector<16xi32>
        %parallel_loop3A_306 = tpu.dynamic_gather %parallel_loop3A_250[%parallel_loop3A_305] in [0] : vector<16xf32>, vector<16xi32> -> vector<16xf32>
        %parallel_loop3A_307 = arith.mulf %parallel_loop3A_212, %parallel_loop3A_243 : vector<16xf32>
        %parallel_loop3A_308 = arith.mulf %parallel_loop3A_214, %parallel_loop3A_244 : vector<16xf32>
        %parallel_loop3A_309 = arith.mulf %parallel_loop3A_216, %parallel_loop3A_245 : vector<16xf32>
        %parallel_loop3A_310 = arith.mulf %parallel_loop3A_218, %parallel_loop3A_246 : vector<16xf32>
        %parallel_loop3A_311 = arith.mulf %parallel_loop3A_220, %parallel_loop3A_247 : vector<16xf32>
        %parallel_loop3A_312 = arith.mulf %parallel_loop3A_222, %parallel_loop3A_248 : vector<16xf32>
        %parallel_loop3A_313 = arith.mulf %parallel_loop3A_224, %parallel_loop3A_249 : vector<16xf32>
        %parallel_loop3A_314 = arith.mulf %parallel_loop3A_226, %parallel_loop3A_250 : vector<16xf32>
        %parallel_loop3A_315 = arith.mulf %parallel_loop3A_228, %parallel_loop3A_257 : vector<16xf32>
        %parallel_loop3A_316 = arith.mulf %parallel_loop3A_230, %parallel_loop3A_264 : vector<16xf32>
        %parallel_loop3A_317 = arith.mulf %parallel_loop3A_232, %parallel_loop3A_271 : vector<16xf32>
        %parallel_loop3A_318 = arith.mulf %parallel_loop3A_234, %parallel_loop3A_278 : vector<16xf32>
        %parallel_loop3A_319 = arith.mulf %parallel_loop3A_236, %parallel_loop3A_285 : vector<16xf32>
        %parallel_loop3A_320 = arith.mulf %parallel_loop3A_238, %parallel_loop3A_292 : vector<16xf32>
        %parallel_loop3A_321 = arith.mulf %parallel_loop3A_240, %parallel_loop3A_299 : vector<16xf32>
        %parallel_loop3A_322 = arith.mulf %parallel_loop3A_242, %parallel_loop3A_306 : vector<16xf32>
        %parallel_loop3A_323 = arith.addf %parallel_loop3A_307, %parallel_loop3A_315 : vector<16xf32>
        %parallel_loop3A_324 = arith.addf %parallel_loop3A_308, %parallel_loop3A_316 : vector<16xf32>
        %parallel_loop3A_325 = arith.addf %parallel_loop3A_309, %parallel_loop3A_317 : vector<16xf32>
        %parallel_loop3A_326 = arith.addf %parallel_loop3A_310, %parallel_loop3A_318 : vector<16xf32>
        %parallel_loop3A_327 = arith.addf %parallel_loop3A_311, %parallel_loop3A_319 : vector<16xf32>
        %parallel_loop3A_328 = arith.addf %parallel_loop3A_312, %parallel_loop3A_320 : vector<16xf32>
        %parallel_loop3A_329 = arith.addf %parallel_loop3A_313, %parallel_loop3A_321 : vector<16xf32>
        %parallel_loop3A_330 = arith.addf %parallel_loop3A_314, %parallel_loop3A_322 : vector<16xf32>
        %parallel_loop3A_331 = arith.cmpf ogt, %parallel_loop3A_323, %parallel_loop3A_202 : vector<16xf32>
        %parallel_loop3A_332 = arith.select %parallel_loop3A_331, %parallel_loop3A_206, %parallel_loop3A_204 : vector<16xi1>, vector<16xi32>
        %parallel_loop3A_333 = arith.cmpf ogt, %parallel_loop3A_324, %parallel_loop3A_202 : vector<16xf32>
        %parallel_loop3A_334 = arith.select %parallel_loop3A_333, %parallel_loop3A_206, %parallel_loop3A_204 : vector<16xi1>, vector<16xi32>
        %parallel_loop3A_335 = arith.cmpf ogt, %parallel_loop3A_325, %parallel_loop3A_202 : vector<16xf32>
        %parallel_loop3A_336 = arith.select %parallel_loop3A_335, %parallel_loop3A_206, %parallel_loop3A_204 : vector<16xi1>, vector<16xi32>
        %parallel_loop3A_337 = arith.cmpf ogt, %parallel_loop3A_326, %parallel_loop3A_202 : vector<16xf32>
        %parallel_loop3A_338 = arith.select %parallel_loop3A_337, %parallel_loop3A_206, %parallel_loop3A_204 : vector<16xi1>, vector<16xi32>
        %parallel_loop3A_339 = arith.cmpf ogt, %parallel_loop3A_327, %parallel_loop3A_202 : vector<16xf32>
        %parallel_loop3A_340 = arith.select %parallel_loop3A_339, %parallel_loop3A_206, %parallel_loop3A_204 : vector<16xi1>, vector<16xi32>
        %parallel_loop3A_341 = arith.cmpf ogt, %parallel_loop3A_328, %parallel_loop3A_202 : vector<16xf32>
        %parallel_loop3A_342 = arith.select %parallel_loop3A_341, %parallel_loop3A_206, %parallel_loop3A_204 : vector<16xi1>, vector<16xi32>
        %parallel_loop3A_343 = arith.cmpf ogt, %parallel_loop3A_329, %parallel_loop3A_202 : vector<16xf32>
        %parallel_loop3A_344 = arith.select %parallel_loop3A_343, %parallel_loop3A_206, %parallel_loop3A_204 : vector<16xi1>, vector<16xi32>
        %parallel_loop3A_345 = arith.cmpf ogt, %parallel_loop3A_330, %parallel_loop3A_202 : vector<16xf32>
        %parallel_loop3A_346 = arith.select %parallel_loop3A_345, %parallel_loop3A_206, %parallel_loop3A_204 : vector<16xi1>, vector<16xi32>
        %parallel_loop3A_347 = arith.constant 1 : i32
        %parallel_loop3A_348 = vector.broadcast %parallel_loop3A_347 : i32 to vector<16xi32>
        %parallel_loop3A_349 = arith.ori %parallel_loop3A_332, %parallel_loop3A_348 : vector<16xi32>
        %parallel_loop3A_350 = vector.shape_cast %parallel_loop3A_349 : vector<16xi32> to vector<16x1xi32>
        %parallel_loop3A_351 = vector.shape_cast %parallel_loop3A_350 : vector<16x1xi32> to vector<16xi32>
        %parallel_loop3A_352 = tpu.dynamic_gather %parallel_loop3A_198[%parallel_loop3A_351] in [0] : vector<16xf32>, vector<16xi32> -> vector<16xf32>
        %parallel_loop3A_353 = arith.constant 1 : i32
        %parallel_loop3A_354 = vector.broadcast %parallel_loop3A_353 : i32 to vector<16xi32>
        %parallel_loop3A_355 = arith.ori %parallel_loop3A_334, %parallel_loop3A_354 : vector<16xi32>
        %parallel_loop3A_356 = vector.shape_cast %parallel_loop3A_355 : vector<16xi32> to vector<16x1xi32>
        %parallel_loop3A_357 = vector.shape_cast %parallel_loop3A_356 : vector<16x1xi32> to vector<16xi32>
        %parallel_loop3A_358 = tpu.dynamic_gather %parallel_loop3A_198[%parallel_loop3A_357] in [0] : vector<16xf32>, vector<16xi32> -> vector<16xf32>
        %parallel_loop3A_359 = arith.constant 1 : i32
        %parallel_loop3A_360 = vector.broadcast %parallel_loop3A_359 : i32 to vector<16xi32>
        %parallel_loop3A_361 = arith.ori %parallel_loop3A_336, %parallel_loop3A_360 : vector<16xi32>
        %parallel_loop3A_362 = vector.shape_cast %parallel_loop3A_361 : vector<16xi32> to vector<16x1xi32>
        %parallel_loop3A_363 = vector.shape_cast %parallel_loop3A_362 : vector<16x1xi32> to vector<16xi32>
        %parallel_loop3A_364 = tpu.dynamic_gather %parallel_loop3A_198[%parallel_loop3A_363] in [0] : vector<16xf32>, vector<16xi32> -> vector<16xf32>
        %parallel_loop3A_365 = arith.constant 1 : i32
        %parallel_loop3A_366 = vector.broadcast %parallel_loop3A_365 : i32 to vector<16xi32>
        %parallel_loop3A_367 = arith.ori %parallel_loop3A_338, %parallel_loop3A_366 : vector<16xi32>
        %parallel_loop3A_368 = vector.shape_cast %parallel_loop3A_367 : vector<16xi32> to vector<16x1xi32>
        %parallel_loop3A_369 = vector.shape_cast %parallel_loop3A_368 : vector<16x1xi32> to vector<16xi32>
        %parallel_loop3A_370 = tpu.dynamic_gather %parallel_loop3A_198[%parallel_loop3A_369] in [0] : vector<16xf32>, vector<16xi32> -> vector<16xf32>
        %parallel_loop3A_371 = arith.constant 1 : i32
        %parallel_loop3A_372 = vector.broadcast %parallel_loop3A_371 : i32 to vector<16xi32>
        %parallel_loop3A_373 = arith.ori %parallel_loop3A_340, %parallel_loop3A_372 : vector<16xi32>
        %parallel_loop3A_374 = vector.shape_cast %parallel_loop3A_373 : vector<16xi32> to vector<16x1xi32>
        %parallel_loop3A_375 = vector.shape_cast %parallel_loop3A_374 : vector<16x1xi32> to vector<16xi32>
        %parallel_loop3A_376 = tpu.dynamic_gather %parallel_loop3A_198[%parallel_loop3A_375] in [0] : vector<16xf32>, vector<16xi32> -> vector<16xf32>
        %parallel_loop3A_377 = arith.constant 1 : i32
        %parallel_loop3A_378 = vector.broadcast %parallel_loop3A_377 : i32 to vector<16xi32>
        %parallel_loop3A_379 = arith.ori %parallel_loop3A_342, %parallel_loop3A_378 : vector<16xi32>
        %parallel_loop3A_380 = vector.shape_cast %parallel_loop3A_379 : vector<16xi32> to vector<16x1xi32>
        %parallel_loop3A_381 = vector.shape_cast %parallel_loop3A_380 : vector<16x1xi32> to vector<16xi32>
        %parallel_loop3A_382 = tpu.dynamic_gather %parallel_loop3A_198[%parallel_loop3A_381] in [0] : vector<16xf32>, vector<16xi32> -> vector<16xf32>
        %parallel_loop3A_383 = arith.constant 1 : i32
        %parallel_loop3A_384 = vector.broadcast %parallel_loop3A_383 : i32 to vector<16xi32>
        %parallel_loop3A_385 = arith.ori %parallel_loop3A_344, %parallel_loop3A_384 : vector<16xi32>
        %parallel_loop3A_386 = vector.shape_cast %parallel_loop3A_385 : vector<16xi32> to vector<16x1xi32>
        %parallel_loop3A_387 = vector.shape_cast %parallel_loop3A_386 : vector<16x1xi32> to vector<16xi32>
        %parallel_loop3A_388 = tpu.dynamic_gather %parallel_loop3A_198[%parallel_loop3A_387] in [0] : vector<16xf32>, vector<16xi32> -> vector<16xf32>
        %parallel_loop3A_389 = arith.constant 1 : i32
        %parallel_loop3A_390 = vector.broadcast %parallel_loop3A_389 : i32 to vector<16xi32>
        %parallel_loop3A_391 = arith.ori %parallel_loop3A_346, %parallel_loop3A_390 : vector<16xi32>
        %parallel_loop3A_392 = vector.shape_cast %parallel_loop3A_391 : vector<16xi32> to vector<16x1xi32>
        %parallel_loop3A_393 = vector.shape_cast %parallel_loop3A_392 : vector<16x1xi32> to vector<16xi32>
        %parallel_loop3A_394 = tpu.dynamic_gather %parallel_loop3A_198[%parallel_loop3A_393] in [0] : vector<16xf32>, vector<16xi32> -> vector<16xf32>
        %parallel_loop3A_395 = arith.cmpf ogt, %parallel_loop3A_323, %parallel_loop3A_352 : vector<16xf32>
        %parallel_loop3A_396 = arith.select %parallel_loop3A_395, %parallel_loop3A_208, %parallel_loop3A_204 : vector<16xi1>, vector<16xi32>
        %parallel_loop3A_397 = arith.ori %parallel_loop3A_332, %parallel_loop3A_396 : vector<16xi32>
        %parallel_loop3A_398 = arith.cmpf ogt, %parallel_loop3A_324, %parallel_loop3A_358 : vector<16xf32>
        %parallel_loop3A_399 = arith.select %parallel_loop3A_398, %parallel_loop3A_208, %parallel_loop3A_204 : vector<16xi1>, vector<16xi32>
        %parallel_loop3A_400 = arith.ori %parallel_loop3A_334, %parallel_loop3A_399 : vector<16xi32>
        %parallel_loop3A_401 = arith.cmpf ogt, %parallel_loop3A_325, %parallel_loop3A_364 : vector<16xf32>
        %parallel_loop3A_402 = arith.select %parallel_loop3A_401, %parallel_loop3A_208, %parallel_loop3A_204 : vector<16xi1>, vector<16xi32>
        %parallel_loop3A_403 = arith.ori %parallel_loop3A_336, %parallel_loop3A_402 : vector<16xi32>
        %parallel_loop3A_404 = arith.cmpf ogt, %parallel_loop3A_326, %parallel_loop3A_370 : vector<16xf32>
        %parallel_loop3A_405 = arith.select %parallel_loop3A_404, %parallel_loop3A_208, %parallel_loop3A_204 : vector<16xi1>, vector<16xi32>
        %parallel_loop3A_406 = arith.ori %parallel_loop3A_338, %parallel_loop3A_405 : vector<16xi32>
        %parallel_loop3A_407 = arith.cmpf ogt, %parallel_loop3A_327, %parallel_loop3A_376 : vector<16xf32>
        %parallel_loop3A_408 = arith.select %parallel_loop3A_407, %parallel_loop3A_208, %parallel_loop3A_204 : vector<16xi1>, vector<16xi32>
        %parallel_loop3A_409 = arith.ori %parallel_loop3A_340, %parallel_loop3A_408 : vector<16xi32>
        %parallel_loop3A_410 = arith.cmpf ogt, %parallel_loop3A_328, %parallel_loop3A_382 : vector<16xf32>
        %parallel_loop3A_411 = arith.select %parallel_loop3A_410, %parallel_loop3A_208, %parallel_loop3A_204 : vector<16xi1>, vector<16xi32>
        %parallel_loop3A_412 = arith.ori %parallel_loop3A_342, %parallel_loop3A_411 : vector<16xi32>
        %parallel_loop3A_413 = arith.cmpf ogt, %parallel_loop3A_329, %parallel_loop3A_388 : vector<16xf32>
        %parallel_loop3A_414 = arith.select %parallel_loop3A_413, %parallel_loop3A_208, %parallel_loop3A_204 : vector<16xi1>, vector<16xi32>
        %parallel_loop3A_415 = arith.ori %parallel_loop3A_344, %parallel_loop3A_414 : vector<16xi32>
        %parallel_loop3A_416 = arith.cmpf ogt, %parallel_loop3A_330, %parallel_loop3A_394 : vector<16xf32>
        %parallel_loop3A_417 = arith.select %parallel_loop3A_416, %parallel_loop3A_208, %parallel_loop3A_204 : vector<16xi1>, vector<16xi32>
        %parallel_loop3A_418 = arith.ori %parallel_loop3A_346, %parallel_loop3A_417 : vector<16xi32>
        %parallel_loop3A_419 = vector.shape_cast %parallel_loop3A_397 : vector<16xi32> to vector<16x1xi32>
        %parallel_loop3A_420 = vector.shape_cast %parallel_loop3A_419 : vector<16x1xi32> to vector<16xi32>
        %parallel_loop3A_421 = tpu.dynamic_gather %parallel_loop3A_198[%parallel_loop3A_420] in [0] : vector<16xf32>, vector<16xi32> -> vector<16xf32>
        %parallel_loop3A_422 = vector.shape_cast %parallel_loop3A_400 : vector<16xi32> to vector<16x1xi32>
        %parallel_loop3A_423 = vector.shape_cast %parallel_loop3A_422 : vector<16x1xi32> to vector<16xi32>
        %parallel_loop3A_424 = tpu.dynamic_gather %parallel_loop3A_198[%parallel_loop3A_423] in [0] : vector<16xf32>, vector<16xi32> -> vector<16xf32>
        %parallel_loop3A_425 = vector.shape_cast %parallel_loop3A_403 : vector<16xi32> to vector<16x1xi32>
        %parallel_loop3A_426 = vector.shape_cast %parallel_loop3A_425 : vector<16x1xi32> to vector<16xi32>
        %parallel_loop3A_427 = tpu.dynamic_gather %parallel_loop3A_198[%parallel_loop3A_426] in [0] : vector<16xf32>, vector<16xi32> -> vector<16xf32>
        %parallel_loop3A_428 = vector.shape_cast %parallel_loop3A_406 : vector<16xi32> to vector<16x1xi32>
        %parallel_loop3A_429 = vector.shape_cast %parallel_loop3A_428 : vector<16x1xi32> to vector<16xi32>
        %parallel_loop3A_430 = tpu.dynamic_gather %parallel_loop3A_198[%parallel_loop3A_429] in [0] : vector<16xf32>, vector<16xi32> -> vector<16xf32>
        %parallel_loop3A_431 = vector.shape_cast %parallel_loop3A_409 : vector<16xi32> to vector<16x1xi32>
        %parallel_loop3A_432 = vector.shape_cast %parallel_loop3A_431 : vector<16x1xi32> to vector<16xi32>
        %parallel_loop3A_433 = tpu.dynamic_gather %parallel_loop3A_198[%parallel_loop3A_432] in [0] : vector<16xf32>, vector<16xi32> -> vector<16xf32>
        %parallel_loop3A_434 = vector.shape_cast %parallel_loop3A_412 : vector<16xi32> to vector<16x1xi32>
        %parallel_loop3A_435 = vector.shape_cast %parallel_loop3A_434 : vector<16x1xi32> to vector<16xi32>
        %parallel_loop3A_436 = tpu.dynamic_gather %parallel_loop3A_198[%parallel_loop3A_435] in [0] : vector<16xf32>, vector<16xi32> -> vector<16xf32>
        %parallel_loop3A_437 = vector.shape_cast %parallel_loop3A_415 : vector<16xi32> to vector<16x1xi32>
        %parallel_loop3A_438 = vector.shape_cast %parallel_loop3A_437 : vector<16x1xi32> to vector<16xi32>
        %parallel_loop3A_439 = tpu.dynamic_gather %parallel_loop3A_198[%parallel_loop3A_438] in [0] : vector<16xf32>, vector<16xi32> -> vector<16xf32>
        %parallel_loop3A_440 = vector.shape_cast %parallel_loop3A_418 : vector<16xi32> to vector<16x1xi32>
        %parallel_loop3A_441 = vector.shape_cast %parallel_loop3A_440 : vector<16x1xi32> to vector<16xi32>
        %parallel_loop3A_442 = tpu.dynamic_gather %parallel_loop3A_198[%parallel_loop3A_441] in [0] : vector<16xf32>, vector<16xi32> -> vector<16xf32>
        %parallel_loop3A_443 = arith.cmpf ogt, %parallel_loop3A_323, %parallel_loop3A_421 : vector<16xf32>
        %parallel_loop3A_444 = arith.select %parallel_loop3A_443, %parallel_loop3A_210, %parallel_loop3A_204 : vector<16xi1>, vector<16xi32>
        %parallel_loop3A_445 = arith.ori %parallel_loop3A_397, %parallel_loop3A_444 : vector<16xi32>
        %parallel_loop3A_446 = arith.cmpf ogt, %parallel_loop3A_324, %parallel_loop3A_424 : vector<16xf32>
        %parallel_loop3A_447 = arith.select %parallel_loop3A_446, %parallel_loop3A_210, %parallel_loop3A_204 : vector<16xi1>, vector<16xi32>
        %parallel_loop3A_448 = arith.ori %parallel_loop3A_400, %parallel_loop3A_447 : vector<16xi32>
        %parallel_loop3A_449 = arith.cmpf ogt, %parallel_loop3A_325, %parallel_loop3A_427 : vector<16xf32>
        %parallel_loop3A_450 = arith.select %parallel_loop3A_449, %parallel_loop3A_210, %parallel_loop3A_204 : vector<16xi1>, vector<16xi32>
        %parallel_loop3A_451 = arith.ori %parallel_loop3A_403, %parallel_loop3A_450 : vector<16xi32>
        %parallel_loop3A_452 = arith.cmpf ogt, %parallel_loop3A_326, %parallel_loop3A_430 : vector<16xf32>
        %parallel_loop3A_453 = arith.select %parallel_loop3A_452, %parallel_loop3A_210, %parallel_loop3A_204 : vector<16xi1>, vector<16xi32>
        %parallel_loop3A_454 = arith.ori %parallel_loop3A_406, %parallel_loop3A_453 : vector<16xi32>
        %parallel_loop3A_455 = arith.cmpf ogt, %parallel_loop3A_327, %parallel_loop3A_433 : vector<16xf32>
        %parallel_loop3A_456 = arith.select %parallel_loop3A_455, %parallel_loop3A_210, %parallel_loop3A_204 : vector<16xi1>, vector<16xi32>
        %parallel_loop3A_457 = arith.ori %parallel_loop3A_409, %parallel_loop3A_456 : vector<16xi32>
        %parallel_loop3A_458 = arith.cmpf ogt, %parallel_loop3A_328, %parallel_loop3A_436 : vector<16xf32>
        %parallel_loop3A_459 = arith.select %parallel_loop3A_458, %parallel_loop3A_210, %parallel_loop3A_204 : vector<16xi1>, vector<16xi32>
        %parallel_loop3A_460 = arith.ori %parallel_loop3A_412, %parallel_loop3A_459 : vector<16xi32>
        %parallel_loop3A_461 = arith.cmpf ogt, %parallel_loop3A_329, %parallel_loop3A_439 : vector<16xf32>
        %parallel_loop3A_462 = arith.select %parallel_loop3A_461, %parallel_loop3A_210, %parallel_loop3A_204 : vector<16xi1>, vector<16xi32>
        %parallel_loop3A_463 = arith.ori %parallel_loop3A_415, %parallel_loop3A_462 : vector<16xi32>
        %parallel_loop3A_464 = arith.cmpf ogt, %parallel_loop3A_330, %parallel_loop3A_442 : vector<16xf32>
        %parallel_loop3A_465 = arith.select %parallel_loop3A_464, %parallel_loop3A_210, %parallel_loop3A_204 : vector<16xi1>, vector<16xi32>
        %parallel_loop3A_466 = arith.ori %parallel_loop3A_418, %parallel_loop3A_465 : vector<16xi32>
        %parallel_loop3A_467 = vector.shape_cast %parallel_loop3A_445 : vector<16xi32> to vector<16x1xi32>
        %parallel_loop3A_468 = vector.shape_cast %parallel_loop3A_467 : vector<16x1xi32> to vector<16xi32>
        %parallel_loop3A_469 = tpu.dynamic_gather %parallel_loop3A_200[%parallel_loop3A_468] in [0] : vector<16xf32>, vector<16xi32> -> vector<16xf32>
        %parallel_loop3A_470 = vector.shape_cast %parallel_loop3A_448 : vector<16xi32> to vector<16x1xi32>
        %parallel_loop3A_471 = vector.shape_cast %parallel_loop3A_470 : vector<16x1xi32> to vector<16xi32>
        %parallel_loop3A_472 = tpu.dynamic_gather %parallel_loop3A_200[%parallel_loop3A_471] in [0] : vector<16xf32>, vector<16xi32> -> vector<16xf32>
        %parallel_loop3A_473 = vector.shape_cast %parallel_loop3A_451 : vector<16xi32> to vector<16x1xi32>
        %parallel_loop3A_474 = vector.shape_cast %parallel_loop3A_473 : vector<16x1xi32> to vector<16xi32>
        %parallel_loop3A_475 = tpu.dynamic_gather %parallel_loop3A_200[%parallel_loop3A_474] in [0] : vector<16xf32>, vector<16xi32> -> vector<16xf32>
        %parallel_loop3A_476 = vector.shape_cast %parallel_loop3A_454 : vector<16xi32> to vector<16x1xi32>
        %parallel_loop3A_477 = vector.shape_cast %parallel_loop3A_476 : vector<16x1xi32> to vector<16xi32>
        %parallel_loop3A_478 = tpu.dynamic_gather %parallel_loop3A_200[%parallel_loop3A_477] in [0] : vector<16xf32>, vector<16xi32> -> vector<16xf32>
        %parallel_loop3A_479 = vector.shape_cast %parallel_loop3A_457 : vector<16xi32> to vector<16x1xi32>
        %parallel_loop3A_480 = vector.shape_cast %parallel_loop3A_479 : vector<16x1xi32> to vector<16xi32>
        %parallel_loop3A_481 = tpu.dynamic_gather %parallel_loop3A_200[%parallel_loop3A_480] in [0] : vector<16xf32>, vector<16xi32> -> vector<16xf32>
        %parallel_loop3A_482 = vector.shape_cast %parallel_loop3A_460 : vector<16xi32> to vector<16x1xi32>
        %parallel_loop3A_483 = vector.shape_cast %parallel_loop3A_482 : vector<16x1xi32> to vector<16xi32>
        %parallel_loop3A_484 = tpu.dynamic_gather %parallel_loop3A_200[%parallel_loop3A_483] in [0] : vector<16xf32>, vector<16xi32> -> vector<16xf32>
        %parallel_loop3A_485 = vector.shape_cast %parallel_loop3A_463 : vector<16xi32> to vector<16x1xi32>
        %parallel_loop3A_486 = vector.shape_cast %parallel_loop3A_485 : vector<16x1xi32> to vector<16xi32>
        %parallel_loop3A_487 = tpu.dynamic_gather %parallel_loop3A_200[%parallel_loop3A_486] in [0] : vector<16xf32>, vector<16xi32> -> vector<16xf32>
        %parallel_loop3A_488 = vector.shape_cast %parallel_loop3A_466 : vector<16xi32> to vector<16x1xi32>
        %parallel_loop3A_489 = vector.shape_cast %parallel_loop3A_488 : vector<16x1xi32> to vector<16xi32>
        %parallel_loop3A_490 = tpu.dynamic_gather %parallel_loop3A_200[%parallel_loop3A_489] in [0] : vector<16xf32>, vector<16xi32> -> vector<16xf32>
        %parallel_loop3A_491 = tpu.iota {dimensions = array<i32: 0>} : vector<16xi32>
        %parallel_loop3A_492 = arith.constant 1 : i32
        %parallel_loop3A_493 = vector.broadcast %parallel_loop3A_492 : i32 to vector<16xi32>
        %parallel_loop3A_494 = arith.xori %parallel_loop3A_491, %parallel_loop3A_493 : vector<16xi32>
        %parallel_loop3A_495 = vector.shape_cast %parallel_loop3A_494 : vector<16xi32> to vector<16x1xi32>
        %parallel_loop3A_496 = vector.shape_cast %parallel_loop3A_495 : vector<16x1xi32> to vector<16xi32>
        %parallel_loop3A_497 = tpu.dynamic_gather %parallel_loop3A_469[%parallel_loop3A_496] in [0] : vector<16xf32>, vector<16xi32> -> vector<16xf32>
        %parallel_loop3A_498 = tpu.iota {dimensions = array<i32: 0>} : vector<16xi32>
        %parallel_loop3A_499 = arith.constant 1 : i32
        %parallel_loop3A_500 = vector.broadcast %parallel_loop3A_499 : i32 to vector<16xi32>
        %parallel_loop3A_501 = arith.xori %parallel_loop3A_498, %parallel_loop3A_500 : vector<16xi32>
        %parallel_loop3A_502 = vector.shape_cast %parallel_loop3A_501 : vector<16xi32> to vector<16x1xi32>
        %parallel_loop3A_503 = vector.shape_cast %parallel_loop3A_502 : vector<16x1xi32> to vector<16xi32>
        %parallel_loop3A_504 = tpu.dynamic_gather %parallel_loop3A_472[%parallel_loop3A_503] in [0] : vector<16xf32>, vector<16xi32> -> vector<16xf32>
        %parallel_loop3A_505 = tpu.iota {dimensions = array<i32: 0>} : vector<16xi32>
        %parallel_loop3A_506 = arith.constant 1 : i32
        %parallel_loop3A_507 = vector.broadcast %parallel_loop3A_506 : i32 to vector<16xi32>
        %parallel_loop3A_508 = arith.xori %parallel_loop3A_505, %parallel_loop3A_507 : vector<16xi32>
        %parallel_loop3A_509 = vector.shape_cast %parallel_loop3A_508 : vector<16xi32> to vector<16x1xi32>
        %parallel_loop3A_510 = vector.shape_cast %parallel_loop3A_509 : vector<16x1xi32> to vector<16xi32>
        %parallel_loop3A_511 = tpu.dynamic_gather %parallel_loop3A_475[%parallel_loop3A_510] in [0] : vector<16xf32>, vector<16xi32> -> vector<16xf32>
        %parallel_loop3A_512 = tpu.iota {dimensions = array<i32: 0>} : vector<16xi32>
        %parallel_loop3A_513 = arith.constant 1 : i32
        %parallel_loop3A_514 = vector.broadcast %parallel_loop3A_513 : i32 to vector<16xi32>
        %parallel_loop3A_515 = arith.xori %parallel_loop3A_512, %parallel_loop3A_514 : vector<16xi32>
        %parallel_loop3A_516 = vector.shape_cast %parallel_loop3A_515 : vector<16xi32> to vector<16x1xi32>
        %parallel_loop3A_517 = vector.shape_cast %parallel_loop3A_516 : vector<16x1xi32> to vector<16xi32>
        %parallel_loop3A_518 = tpu.dynamic_gather %parallel_loop3A_478[%parallel_loop3A_517] in [0] : vector<16xf32>, vector<16xi32> -> vector<16xf32>
        %parallel_loop3A_519 = tpu.iota {dimensions = array<i32: 0>} : vector<16xi32>
        %parallel_loop3A_520 = arith.constant 1 : i32
        %parallel_loop3A_521 = vector.broadcast %parallel_loop3A_520 : i32 to vector<16xi32>
        %parallel_loop3A_522 = arith.xori %parallel_loop3A_519, %parallel_loop3A_521 : vector<16xi32>
        %parallel_loop3A_523 = vector.shape_cast %parallel_loop3A_522 : vector<16xi32> to vector<16x1xi32>
        %parallel_loop3A_524 = vector.shape_cast %parallel_loop3A_523 : vector<16x1xi32> to vector<16xi32>
        %parallel_loop3A_525 = tpu.dynamic_gather %parallel_loop3A_481[%parallel_loop3A_524] in [0] : vector<16xf32>, vector<16xi32> -> vector<16xf32>
        %parallel_loop3A_526 = tpu.iota {dimensions = array<i32: 0>} : vector<16xi32>
        %parallel_loop3A_527 = arith.constant 1 : i32
        %parallel_loop3A_528 = vector.broadcast %parallel_loop3A_527 : i32 to vector<16xi32>
        %parallel_loop3A_529 = arith.xori %parallel_loop3A_526, %parallel_loop3A_528 : vector<16xi32>
        %parallel_loop3A_530 = vector.shape_cast %parallel_loop3A_529 : vector<16xi32> to vector<16x1xi32>
        %parallel_loop3A_531 = vector.shape_cast %parallel_loop3A_530 : vector<16x1xi32> to vector<16xi32>
        %parallel_loop3A_532 = tpu.dynamic_gather %parallel_loop3A_484[%parallel_loop3A_531] in [0] : vector<16xf32>, vector<16xi32> -> vector<16xf32>
        %parallel_loop3A_533 = tpu.iota {dimensions = array<i32: 0>} : vector<16xi32>
        %parallel_loop3A_534 = arith.constant 1 : i32
        %parallel_loop3A_535 = vector.broadcast %parallel_loop3A_534 : i32 to vector<16xi32>
        %parallel_loop3A_536 = arith.xori %parallel_loop3A_533, %parallel_loop3A_535 : vector<16xi32>
        %parallel_loop3A_537 = vector.shape_cast %parallel_loop3A_536 : vector<16xi32> to vector<16x1xi32>
        %parallel_loop3A_538 = vector.shape_cast %parallel_loop3A_537 : vector<16x1xi32> to vector<16xi32>
        %parallel_loop3A_539 = tpu.dynamic_gather %parallel_loop3A_487[%parallel_loop3A_538] in [0] : vector<16xf32>, vector<16xi32> -> vector<16xf32>
        %parallel_loop3A_540 = tpu.iota {dimensions = array<i32: 0>} : vector<16xi32>
        %parallel_loop3A_541 = arith.constant 1 : i32
        %parallel_loop3A_542 = vector.broadcast %parallel_loop3A_541 : i32 to vector<16xi32>
        %parallel_loop3A_543 = arith.xori %parallel_loop3A_540, %parallel_loop3A_542 : vector<16xi32>
        %parallel_loop3A_544 = vector.shape_cast %parallel_loop3A_543 : vector<16xi32> to vector<16x1xi32>
        %parallel_loop3A_545 = vector.shape_cast %parallel_loop3A_544 : vector<16x1xi32> to vector<16xi32>
        %parallel_loop3A_546 = tpu.dynamic_gather %parallel_loop3A_490[%parallel_loop3A_545] in [0] : vector<16xf32>, vector<16xi32> -> vector<16xf32>
        %parallel_loop3A_547 = arith.mulf %parallel_loop3A_212, %parallel_loop3A_469 : vector<16xf32>
        %parallel_loop3A_548 = arith.mulf %parallel_loop3A_214, %parallel_loop3A_472 : vector<16xf32>
        %parallel_loop3A_549 = arith.mulf %parallel_loop3A_216, %parallel_loop3A_475 : vector<16xf32>
        %parallel_loop3A_550 = arith.mulf %parallel_loop3A_218, %parallel_loop3A_478 : vector<16xf32>
        %parallel_loop3A_551 = arith.mulf %parallel_loop3A_220, %parallel_loop3A_481 : vector<16xf32>
        %parallel_loop3A_552 = arith.mulf %parallel_loop3A_222, %parallel_loop3A_484 : vector<16xf32>
        %parallel_loop3A_553 = arith.mulf %parallel_loop3A_224, %parallel_loop3A_487 : vector<16xf32>
        %parallel_loop3A_554 = arith.mulf %parallel_loop3A_226, %parallel_loop3A_490 : vector<16xf32>
        %parallel_loop3A_555 = arith.mulf %parallel_loop3A_228, %parallel_loop3A_497 : vector<16xf32>
        %parallel_loop3A_556 = arith.mulf %parallel_loop3A_230, %parallel_loop3A_504 : vector<16xf32>
        %parallel_loop3A_557 = arith.mulf %parallel_loop3A_232, %parallel_loop3A_511 : vector<16xf32>
        %parallel_loop3A_558 = arith.mulf %parallel_loop3A_234, %parallel_loop3A_518 : vector<16xf32>
        %parallel_loop3A_559 = arith.mulf %parallel_loop3A_236, %parallel_loop3A_525 : vector<16xf32>
        %parallel_loop3A_560 = arith.mulf %parallel_loop3A_238, %parallel_loop3A_532 : vector<16xf32>
        %parallel_loop3A_561 = arith.mulf %parallel_loop3A_240, %parallel_loop3A_539 : vector<16xf32>
        %parallel_loop3A_562 = arith.mulf %parallel_loop3A_242, %parallel_loop3A_546 : vector<16xf32>
        %parallel_loop3A_563 = arith.subf %parallel_loop3A_547, %parallel_loop3A_555 : vector<16xf32>
        %parallel_loop3A_564 = arith.subf %parallel_loop3A_548, %parallel_loop3A_556 : vector<16xf32>
        %parallel_loop3A_565 = arith.subf %parallel_loop3A_549, %parallel_loop3A_557 : vector<16xf32>
        %parallel_loop3A_566 = arith.subf %parallel_loop3A_550, %parallel_loop3A_558 : vector<16xf32>
        %parallel_loop3A_567 = arith.subf %parallel_loop3A_551, %parallel_loop3A_559 : vector<16xf32>
        %parallel_loop3A_568 = arith.subf %parallel_loop3A_552, %parallel_loop3A_560 : vector<16xf32>
        %parallel_loop3A_569 = arith.subf %parallel_loop3A_553, %parallel_loop3A_561 : vector<16xf32>
        %parallel_loop3A_570 = arith.subf %parallel_loop3A_554, %parallel_loop3A_562 : vector<16xf32>
        %parallel_loop3A_571 = arith.mulf %parallel_loop3A_563, %parallel_loop3A_196 : vector<16xf32>
        %parallel_loop3A_572 = arith.addf %parallel_loop3A_571, %parallel_loop3A_76 : vector<16xf32>
        %parallel_loop3A_573 = arith.mulf %parallel_loop3A_564, %parallel_loop3A_196 : vector<16xf32>
        %parallel_loop3A_574 = arith.addf %parallel_loop3A_573, %parallel_loop3A_78 : vector<16xf32>
        %parallel_loop3A_575 = arith.mulf %parallel_loop3A_565, %parallel_loop3A_196 : vector<16xf32>
        %parallel_loop3A_576 = arith.addf %parallel_loop3A_575, %parallel_loop3A_80 : vector<16xf32>
        %parallel_loop3A_577 = arith.mulf %parallel_loop3A_566, %parallel_loop3A_196 : vector<16xf32>
        %parallel_loop3A_578 = arith.addf %parallel_loop3A_577, %parallel_loop3A_82 : vector<16xf32>
        %parallel_loop3A_579 = arith.mulf %parallel_loop3A_567, %parallel_loop3A_196 : vector<16xf32>
        %parallel_loop3A_580 = arith.addf %parallel_loop3A_579, %parallel_loop3A_84 : vector<16xf32>
        %parallel_loop3A_581 = arith.mulf %parallel_loop3A_568, %parallel_loop3A_196 : vector<16xf32>
        %parallel_loop3A_582 = arith.addf %parallel_loop3A_581, %parallel_loop3A_86 : vector<16xf32>
        %parallel_loop3A_583 = arith.mulf %parallel_loop3A_569, %parallel_loop3A_196 : vector<16xf32>
        %parallel_loop3A_584 = arith.addf %parallel_loop3A_583, %parallel_loop3A_88 : vector<16xf32>
        %parallel_loop3A_585 = arith.mulf %parallel_loop3A_570, %parallel_loop3A_196 : vector<16xf32>
        %parallel_loop3A_586 = arith.addf %parallel_loop3A_585, %parallel_loop3A_90 : vector<16xf32>
        %parallel_loop3A_587 = arith.index_cast %parallel_loop3A_74 : i32 to index
        %parallel_loop3A_588 = arith.constant 0 : index
        %parallel_loop3A_589 = tpu.vector_load %arg8[%parallel_loop3A_587, %parallel_loop3A_588] {strides = array<i32>} : memref<128x128xf32, #tpu.memory_space<vmem>>, vector<16xf32>,
        tpu.vector_store %arg8[%parallel_loop3A_587, %parallel_loop3A_588], %parallel_loop3A_572 {strides = array<i32>} : memref<128x128xf32, #tpu.memory_space<vmem>>, vector<16xf32>,
        %parallel_loop3A_590 = arith.index_cast %parallel_loop3A_74 : i32 to index
        %parallel_loop3A_591 = arith.constant 16 : index
        %parallel_loop3A_592 = tpu.vector_load %arg8[%parallel_loop3A_590, %parallel_loop3A_591] {strides = array<i32>} : memref<128x128xf32, #tpu.memory_space<vmem>>, vector<16xf32>,
        tpu.vector_store %arg8[%parallel_loop3A_590, %parallel_loop3A_591], %parallel_loop3A_574 {strides = array<i32>} : memref<128x128xf32, #tpu.memory_space<vmem>>, vector<16xf32>,
        %parallel_loop3A_593 = arith.index_cast %parallel_loop3A_74 : i32 to index
        %parallel_loop3A_594 = arith.constant 32 : index
        %parallel_loop3A_595 = tpu.vector_load %arg8[%parallel_loop3A_593, %parallel_loop3A_594] {strides = array<i32>} : memref<128x128xf32, #tpu.memory_space<vmem>>, vector<16xf32>,
        tpu.vector_store %arg8[%parallel_loop3A_593, %parallel_loop3A_594], %parallel_loop3A_576 {strides = array<i32>} : memref<128x128xf32, #tpu.memory_space<vmem>>, vector<16xf32>,
        %parallel_loop3A_596 = arith.index_cast %parallel_loop3A_74 : i32 to index
        %parallel_loop3A_597 = arith.constant 48 : index
        %parallel_loop3A_598 = tpu.vector_load %arg8[%parallel_loop3A_596, %parallel_loop3A_597] {strides = array<i32>} : memref<128x128xf32, #tpu.memory_space<vmem>>, vector<16xf32>,
        tpu.vector_store %arg8[%parallel_loop3A_596, %parallel_loop3A_597], %parallel_loop3A_578 {strides = array<i32>} : memref<128x128xf32, #tpu.memory_space<vmem>>, vector<16xf32>,
        %parallel_loop3A_599 = arith.index_cast %parallel_loop3A_74 : i32 to index
        %parallel_loop3A_600 = arith.constant 64 : index
        %parallel_loop3A_601 = tpu.vector_load %arg8[%parallel_loop3A_599, %parallel_loop3A_600] {strides = array<i32>} : memref<128x128xf32, #tpu.memory_space<vmem>>, vector<16xf32>,
        tpu.vector_store %arg8[%parallel_loop3A_599, %parallel_loop3A_600], %parallel_loop3A_580 {strides = array<i32>} : memref<128x128xf32, #tpu.memory_space<vmem>>, vector<16xf32>,
        %parallel_loop3A_602 = arith.index_cast %parallel_loop3A_74 : i32 to index
        %parallel_loop3A_603 = arith.constant 80 : index
        %parallel_loop3A_604 = tpu.vector_load %arg8[%parallel_loop3A_602, %parallel_loop3A_603] {strides = array<i32>} : memref<128x128xf32, #tpu.memory_space<vmem>>, vector<16xf32>,
        tpu.vector_store %arg8[%parallel_loop3A_602, %parallel_loop3A_603], %parallel_loop3A_582 {strides = array<i32>} : memref<128x128xf32, #tpu.memory_space<vmem>>, vector<16xf32>,
        %parallel_loop3A_605 = arith.index_cast %parallel_loop3A_74 : i32 to index
        %parallel_loop3A_606 = arith.constant 96 : index
        %parallel_loop3A_607 = tpu.vector_load %arg8[%parallel_loop3A_605, %parallel_loop3A_606] {strides = array<i32>} : memref<128x128xf32, #tpu.memory_space<vmem>>, vector<16xf32>,
        tpu.vector_store %arg8[%parallel_loop3A_605, %parallel_loop3A_606], %parallel_loop3A_584 {strides = array<i32>} : memref<128x128xf32, #tpu.memory_space<vmem>>, vector<16xf32>,
        %parallel_loop3A_608 = arith.index_cast %parallel_loop3A_74 : i32 to index
        %parallel_loop3A_609 = arith.constant 112 : index
        %parallel_loop3A_610 = tpu.vector_load %arg8[%parallel_loop3A_608, %parallel_loop3A_609] {strides = array<i32>} : memref<128x128xf32, #tpu.memory_space<vmem>>, vector<16xf32>,
        tpu.vector_store %arg8[%parallel_loop3A_608, %parallel_loop3A_609], %parallel_loop3A_586 {strides = array<i32>} : memref<128x128xf32, #tpu.memory_space<vmem>>, vector<16xf32>,
      } {sc.loop_unroll_factor = 2 : i64, sc.parallel_access}
      %add3A_60 = arith.constant 1 : i32
      %add3A_61 = arith.addi %mul3A_28, %add3A_60 : i32
      %mul3A_62 = arith.constant 128 : i32
      %mul3A_63 = arith.muli %add3A_61, %mul3A_62 : i32
      %add3A_64 = arith.addi %mul3A_2, %mul3A_63 : i32
      %dma_start3A_65 = arith.constant 0 : i32
      %dma_start3A_66 = tpu.memref_slice %arg4[%add3A_64, %dma_start3A_65] : memref<65536x128xf32, #tpu.memory_space<hbm>> -> memref<128x128xf32, #tpu.memory_space<hbm>>
      %dma_start3A_67 = arith.constant 0 : i32
      %dma_start3A_68 = tpu.memref_slice %arg4[%add3A_64, %dma_start3A_67] : memref<65536x128xf32, #tpu.memory_space<hbm>> -> memref<128x128xf32, #tpu.memory_space<hbm>>
      tpu.enqueue_dma source(%arg8 : memref<128x128xf32, #tpu.memory_space<vmem>>) target(%dma_start3A_68 : memref<128x128xf32, #tpu.memory_space<hbm>>) target_semaphore(%arg13 : memref<!tpu.dma_semaphore, #tpu.memory_space<semaphore_mem>>)
      %lt3A_69 = arith.constant 7 : i32
      %lt3A_70 = arith.cmpi slt, %scan3A_26, %lt3A_69 : i32
      %convert_element_type3A_71 = arith.extui %lt3A_70 : i1 to i32
      %cond3A_72 = arith.constant 0 : i32
      %cond3A_73 = arith.cmpi ne, %convert_element_type3A_71, %cond3A_72 : i32
      scf.if %cond3A_73 {
        %add3A_74 = arith.constant 3 : i32
        %add3A_75 = arith.addi %mul3A_28, %add3A_74 : i32
        %mul3A_76 = arith.constant 128 : i32
        %mul3A_77 = arith.muli %add3A_75, %mul3A_76 : i32
        %add3A_78 = arith.addi %mul3A_2, %mul3A_77 : i32
        %dma_start3A_79 = arith.constant 0 : i32
        %dma_start3A_80 = tpu.memref_slice %arg2[%add3A_78, %dma_start3A_79] : memref<65536x128xf32, #tpu.memory_space<hbm>> -> memref<128x128xf32, #tpu.memory_space<hbm>>
        %dma_start3A_81 = arith.constant 0 : i32
        %dma_start3A_82 = tpu.memref_slice %arg2[%add3A_78, %dma_start3A_81] : memref<65536x128xf32, #tpu.memory_space<hbm>> -> memref<128x128xf32, #tpu.memory_space<hbm>>
        tpu.enqueue_dma source(%dma_start3A_82 : memref<128x128xf32, #tpu.memory_space<hbm>>) target(%arg6 : memref<128x128xf32, #tpu.memory_space<vmem>>) target_semaphore(%arg11 : memref<!tpu.dma_semaphore, #tpu.memory_space<semaphore_mem>>)
      } else {
      }
    }
    %scan3A_18 = arith.constant 8 : i32
    %dma_wait3A = arith.constant 0 : i32
    %dma_wait3A_19 = tpu.memref_slice %arg4[%mul3A_2, %dma_wait3A] : memref<65536x128xf32, #tpu.memory_space<hbm>> -> memref<128x128xf32, #tpu.memory_space<hbm>>
    %dma_wait3A_20 = arith.constant 0 : i32
    %dma_wait3A_21 = tpu.memref_slice %arg4[%mul3A_2, %dma_wait3A_20] : memref<65536x128xf32, #tpu.memory_space<hbm>> -> memref<128x128xf32, #tpu.memory_space<hbm>>
    tpu.wait_dma2 semaphore(%arg12 : memref<!tpu.dma_semaphore, #tpu.memory_space<semaphore_mem>>) src(%arg7 : memref<128x128xf32, #tpu.memory_space<vmem>>) dst(%dma_wait3A_21 : memref<128x128xf32, #tpu.memory_space<hbm>>)
    %dma_wait3A_22 = arith.constant 0 : i32
    %dma_wait3A_23 = tpu.memref_slice %arg4[%mul3A_2, %dma_wait3A_22] : memref<65536x128xf32, #tpu.memory_space<hbm>> -> memref<128x128xf32, #tpu.memory_space<hbm>>
    %dma_wait3A_24 = arith.constant 0 : i32
    %dma_wait3A_25 = tpu.memref_slice %arg4[%mul3A_2, %dma_wait3A_24] : memref<65536x128xf32, #tpu.memory_space<hbm>> -> memref<128x128xf32, #tpu.memory_space<hbm>>
    tpu.wait_dma2 semaphore(%arg13 : memref<!tpu.dma_semaphore, #tpu.memory_space<semaphore_mem>>) src(%arg8 : memref<128x128xf32, #tpu.memory_space<vmem>>) dst(%dma_wait3A_25 : memref<128x128xf32, #tpu.memory_space<hbm>>)
    return
  }
}

</mosaic_0001>

<sc_bundles>
// kernel: kernel.3.cloned.1.call-start
scs
__scs_entry_jumppad:
0x0: {  	(pc) =	sbr.rel $0x88, $3  }
0x1: {  	(tag) =	ssettag $0x0;
	lr =	simm.s32 $0x1  }
0x2: {  	[smem:$0x3F9C] =	sst lr;
	_ =	strace $0xD0000000  }
0x3: {  	_ = 	snop  }
0x4: {  	_ = 	snop  }
0x5: {  	_ = 	snop  }
0x6: {  	_ = 	snop  }
0x7: {  	_ = 	snop  }
__scs_overlays_trampoline_lowered:
0x8: {  	[smem:$0x3FAB] =	sst s0  }
0x9: {  	[smem:$0x3FAC] =	sst s1  }
0xa: {  	[smem:$0x3FAD] =	sst s2  }
0xb: {  	[smem:$0x3FAE] =	sst s3  }
0xc: {  	[smem:$0x3FAF] =	sst s4  }
0xd: {  	[smem:$0x3FB0] =	sst s5  }
0xe: {  	[smem:$0x3FB1] =	sst s6  }
0xf: {  	[smem:$0x3FB2] =	sst s7  }
0x10: {  	[smem:$0x3FB3] =	sst s8  }
0x11: {  	[smem:$0x3FB4] =	sst s9;
	s0 =	simm.s32 @!p0 $0x0  }
0x12: {  	s1 =	sld [smem:$0x3F9A];
	s0 =	simm.s32 @p0 $0x1  }
0x13: {  	[smem:$0x3FB5] =	sst s0;
	s0 =	simm.s32 @!p1 $0x0  }
0x14: {  	s2 =	sld [smem:$0x3F99];
	s0 =	simm.s32 @p1 $0x1  }
0x15: {  	[smem:$0x3FB6] =	sst s0;
	s0 =	simm.s32 @!p2 $0x0  }
0x16: {  	s3 =	sld [smem:$0x3FDB];
	s0 =	simm.s32 @p2 $0x1  }
0x17: {  	s4 =	simm.s32 $0x1BF5;
	[smem:$0x3FB8] =	sst s0  }
0x18: {  	s0 =	sld [smem:$0x3F9B];
	_ =	swait.ge [sflag:s4], $0x0  }
0x19: {  	s7 =	sld [smem:$0x3F9C]  }
0x1a: {  	s8 =	sadd.s32 $0xFFFFE003, lr  }
0x1b: {  	s9 =	sadd.s32 $0xFFFFFEF7, lr;
	s5 =	simm.s32 $0xFFFFFFFF;
	p2 =	slt.u32 s8, $0xFFFFF086  }
0x1c: {  	p1 =	slt.u32 s9, $0xF7A;
	s5 =	simm.s32 @!p2 $0x0  }
0x1d: {  	s5 =	simm.s32 @p1 $0x1;
	p0 =	seq.s32 s7, s2  }
0x1e: {  	s7 =	smul.u32 @!p0 $0xF7A, s2;
	p2 =	seq.s32 @!p0 s5, $0x0  }
0x1f: {  	s9 =	smul.u32 $0xF7A, s1;
	s8 =	simm.s32 @!p0 $0x1BF5;
	p2 =	por !p2, p0  }
0x20: {  	[sflag:s8] =	ssyncset.s32 @!p0 $0xFFFFF086;
	s6 =	sadd.s32 @!p0 s3, s7;
	s7 =	simm.s32 @!p0 $0x108  }
0x21: {  	s3 =	sadd.s32 s3, s9;
	s6 =	sadd.s32 @!p0 $0x88, s6;
	s7 =	simm.s32 @p2 $0x1082  }
0x22: {  	[simem:s7], [sflag:s8] =	dma.local @!p0 [hbm:s6], $0xF7A  }
0x23: {  	s9 =	sor.u32 $0xD0000000, s2;
	s6 =	simm.s32 $0x108;
	_ =	swait.ge @!p0 [sflag:s8], $0x0  }
0x24: {  	s3 =	sadd.s32 $0x88, s3;
	s6 =	simm.s32 @!p1 $0x1082;
	[sflag:s4] =	ssyncset.s32 $0xFFFFF086  }
0x25: {  	[simem:s6], [sflag:s4] =	dma.local [hbm:s3], $0xF7A  }
0x26: {  	[smem:$0x3F9C] =	sst s1;
	(tag) =	ssettag s2;
	_ =	strace s9  }
0x27: {  	s1 =	sld [smem:$0x3FAC]  }
0x28: {  	s2 =	sld [smem:$0x3FAD]  }
0x29: {  	s4 =	sld [smem:$0x3FAF]  }
0x2a: {  	p0 =	seq.s32 s5, $0x0;
	s5 =	sld [smem:$0x3FB0]  }
0x2b: {  	s6 =	sld [smem:$0x3FB1]  }
0x2c: {  	s7 =	sld [smem:$0x3FB2]  }
0x2d: {  	s3 =	simm.s32 $0x108;
	s8 =	sld [smem:$0x3FB3]  }
0x2e: {  	s3 =	simm.s32 @!p0 $0x1082;
	s9 =	sld [smem:$0x3FB4]  }
0x2f: {  	lr =	sadd.s32 s0, s3;
	s0 =	sld [smem:$0x3FAB]  }
0x30: {  	s3 =	sld [smem:$0x3FAE]  }
0x31: {  	[smem:$0x3FB7] =	sst s10  }
0x32: {  	s10 =	sld [smem:$0x3FB5];
	_ =	sdelay $0x3  }
0x33: {  	p0 =	seq.s32 s10, $0x1;
	s10 =	sld [smem:$0x3FB7];
	_ =	sdelay $0x3  }
0x34: {  	[smem:$0x3FB7] =	sst s10  }
0x35: {  	s10 =	sld [smem:$0x3FB6];
	_ =	sdelay $0x3  }
0x36: {  	p1 =	seq.s32 s10, $0x1;
	s10 =	sld [smem:$0x3FB7];
	_ =	sdelay $0x3  }
0x37: {  	[smem:$0x3FB7] =	sst s10  }
0x38: {  	s10 =	sld [smem:$0x3FB8]  }
0x39: {  	_ = 	snop;
	(pc) =	sbr.ind lr, $3  }
0x3a: {  	_ = 	snop  }
0x3b: {  	_ = 	snop  }
0x3c: {  	p2 =	seq.s32 s10, $0x1;
	s10 =	sld [smem:$0x3FB7]  }
0x3d: {  	_ =	shalt  }
0x3e: {  	_ =	shalt  }
0x3f: {  	_ =	shalt  }
0x40: {  	_ =	shalt  }
0x41: {  	_ =	shalt  }
0x42: {  	_ =	shalt  }
0x43: {  	_ =	shalt  }
0x44: {  	_ =	shalt  }
0x45: {  	_ =	shalt  }
0x46: {  	_ =	shalt  }
0x47: {  	_ =	shalt  }
0x48: {  	_ =	shalt  }
0x49: {  	_ =	shalt  }
0x4a: {  	_ =	shalt  }
0x4b: {  	_ =	shalt  }
0x4c: {  	_ =	shalt  }
0x4d: {  	_ =	shalt  }
0x4e: {  	_ =	shalt  }
0x4f: {  	_ =	shalt  }
0x50: {  	_ =	shalt  }
0x51: {  	_ =	shalt  }
0x52: {  	_ =	shalt  }
0x53: {  	_ =	shalt  }
0x54: {  	_ =	shalt  }
0x55: {  	_ =	shalt  }
0x56: {  	_ =	shalt  }
0x57: {  	_ =	shalt  }
0x58: {  	_ =	shalt  }
0x59: {  	_ =	shalt  }
0x5a: {  	_ =	shalt  }
0x5b: {  	_ =	shalt  }
0x5c: {  	_ =	shalt  }
0x5d: {  	_ =	shalt  }
0x5e: {  	_ =	shalt  }
0x5f: {  	_ =	shalt  }
0x60: {  	_ =	shalt  }
0x61: {  	_ =	shalt  }
0x62: {  	_ =	shalt  }
0x63: {  	_ =	shalt  }
0x64: {  	_ =	shalt  }
0x65: {  	_ =	shalt  }
0x66: {  	_ =	shalt  }
0x67: {  	_ =	shalt  }
0x68: {  	_ =	shalt  }
0x69: {  	_ =	shalt  }
0x6a: {  	_ =	shalt  }
0x6b: {  	_ =	shalt  }
0x6c: {  	_ =	shalt  }
0x6d: {  	_ =	shalt  }
0x6e: {  	_ =	shalt  }
0x6f: {  	_ =	shalt  }
0x70: {  	_ =	shalt  }
0x71: {  	_ =	shalt  }
0x72: {  	_ =	shalt  }
0x73: {  	_ =	shalt  }
0x74: {  	_ =	shalt  }
0x75: {  	_ =	shalt  }
0x76: {  	_ =	shalt  }
0x77: {  	_ =	shalt  }
0x78: {  	_ =	shalt  }
0x79: {  	_ =	shalt  }
0x7a: {  	_ =	shalt  }
0x7b: {  	_ =	shalt  }
0x7c: {  	_ =	shalt  }
0x7d: {  	_ =	shalt  }
0x7e: {  	_ =	shalt  }
0x7f: {  	_ =	shalt  }
0x80: {  	_ =	shalt  }
0x81: {  	_ =	shalt  }
0x82: {  	_ =	shalt  }
0x83: {  	_ =	shalt  }
0x84: {  	_ =	shalt  }
0x85: {  	_ =	shalt  }
0x86: {  	_ =	shalt  }
0x87: {  	_ =	shalt  }
.Lfunc_end0:
.L_simem_size_0:
called_computation_lowered:
.L_overlay_start_0:
0x88: {  	s2 =	sld [smem:$0x3FD9]  }
0x89: {  	s3 =	sld [smem:$0x3FFE];
	_ =	sdelay $0x1  }
0x8a: {  	s1 =	srdreg.scid  }
0x8b: {  	s0 =	sand.u32 $0x1, s1  }
0x8c: {  	s17 =	sshll.u32 s0, $0xA;
	s2 =	sadd.s32 s3, s2  }
0x8d: {  	s2 =	sadd.s32 s2, s17  }
0x8e: {  	[smem:$0x3FC3] =	sst s2  }
0x8f: {  	_ = 	snop  }
0x90: {  	s2 =	sld [smem:$0x3FC9]  }
0x91: {  	s18 =	sld [smem:$0x3FD0];
	(tm) =	ssettm $0x1  }
0x92: {  	s4 =	sld [smem:$0x3FFB];
	_ =	sdelay $0x3  }
0x93: {  	_ =	strace s4  }
0x94: {  	s4 =	sld [smem:$0x3FFC];
	_ =	sdelay $0x3  }
0x95: {  	_ =	strace s4  }
0x96: {  	s4 =	sld [smem:$0x3FFD];
	_ =	sdelay $0x3  }
0x97: {  	_ =	strace s4  }
0x98: {  	_ =	strace $0x8FFFFFFF  }
0x99: {  	s19 =	sld [smem:$0x3FDB];
	_ =	sdelay $0x1  }
0x9a: {  	s5 =	simm.s32 $_scs_section_size  }
0x9b: {  	s6 =	simm.s32 $_size__tile_overlayer_lowered;
	s7 =	simm.s32 $_tile_overlayer_lowered  }
0x9c: {  	s22 =	simm.s32 $0x1BFF;
	s21 =	sshll.u32 s7, $0x1;
	s4 =	sadd.s32 s5, s19  }
0x9d: {  	s8 =	simm.s32 $0x0;
	s20 =	sshll.u32 s6, $0x1;
	s6 =	sadd.s32 s21, s4  }
0x9e: {  	[timem:s8], [sflag:s22] =	dma.local [hbm:s6], s20  }
0x9f: {  	_ =	swait.ge [sflag:s22], s20  }
0xa0: {  	s5 =	ssub.s32 $0x0, s20;
	[sflag:s22] =	ssyncset.done $0x0  }
0xa1: {  	[sflag:s22] =	ssyncadd.s32 s5;
	_ =	sdelay $0x1  }
0xa2: {  	s23 =	simm.s32 $0x1B8B  }
0xa3: {  	_ =	swait.ge [sflag:s23], $0x1  }
0xa4: {  	[sflag:s23] =	ssyncset.done $0x0  }
0xa5: {  	s25 =	simm.s32 $0x1B8E;
	s24 =	sld [smem:$0x3FFE];
	[sflag:s23] =	ssyncadd.s32 $0xFFFFFFFF  }
0xa6: {  	s26 =	simm.s32 $execute0_lowered;
	[smem:$0x3FD2] =	sst s25  }
0xa7: {  	s6 =	sshll.u32 s26, $0x1;
	_ =	strace $0x80000046;
	[dreg:$0x1] =	wrdreg $0xFFFFFFFF  }
0xa8: {  	s28 =	simm.s32 $_size_execute0_lowered;
	s4 =	sadd.s32 s4, s6;
	[dreg:$0x0] =	wrdreg $0x0  }
0xa9: {  	s6 =	sshll.u32 s28, $0x1;
	[dreg:$0x2] =	wrdreg s4  }
0xaa: {  	[dreg:$0x3] =	wrdreg s6  }
0xab: {  	[dreg:$0x4] =	wrdreg $0xC0  }
0xac: {  	_ =	task [dreg:s8], $0x5FFFF  }
0xad: {  	[dreg:$0x1] =	wrdreg $0xFFFFFFFF  }
0xae: {  	[dreg:$0x0] =	wrdreg $0x60  }
0xaf: {  	[dreg:$0x2] =	wrdreg s2  }
0xb0: {  	[dreg:$0x3] =	wrdreg s24  }
0xb1: {  	[dreg:$0x4] =	wrdreg s18  }
0xb2: {  	[dreg:$0x5] =	wrdreg $0x9  }
0xb3: {  	_ =	task.clear_ibuf [dreg:s8], $0x6FFFF;
	_ =	strace $0x90000046  }
0xb4: {  	s29 =	simm.s32 $0x9;
	_ =	strace $0x80000048  }
0xb5: {  	_ =	swait.ge [sflag:s29], $0x1  }
0xb6: {  	[sflag:s29] =	ssyncadd.s32 $0xFFFFFFFF  }
0xb7: {  	_ =	strace $0x90000048  }
0xb8: {  	_ =	sfence  }
0xb9: {  	s30 =	sld [smem:$0x0];
	_ =	sdelay $0x2  }
0xba: {  	s31 =	sshll.u32 s1, $0xD;
	s1 =	sshrl.u32 s1, $0x2  }
0xbb: {  	s3 =	sand.u32 $0x4000, s31;
	s1 =	sadd.s32 s1, s30  }
0xbc: {  	s0 =	sor.u32 s3, s0;
	s1 =	sshll.u32 s1, $0x11  }
0xbd: {  	s0 =	sor.u32 s1, s0  }
0xbe: {  	s0 =	sadd.s32 $0x8F2B, s0  }
0xbf: {  	[sflag:s0] =	ssyncadd.remote.s32 $0x1  }
0xc0: {  	_ =	sfence.sel $0xFFFF  }
0xc1: {  	[dreg:$0x0] =	wrdreg $0xFFFFFFFF;
	(pc) =	sbr.abs _section_cstart, $3  }
0xc2: {  	[dreg:$0x1] =	wrdreg $0xFFFFFFFF  }
0xc3: {  	_ =	task.clear_ibuf [dreg:s8], $0x2FFFF;
	_ =	strace $0x9FFFFFFF  }
0xc4: {  	(tm) =	ssettm $0x7FFFFFFF  }
0xc5: {  	_ =	shalt  }
tec
execute0_lowered:
.L_overlay_start_1:
0x0: {  	(tag) =	ssettag $0x1  }
0x1: {  	s0 =	rddreg [dreg:$0x0];
	v0 =	vimm.s32 $0xEFCDAB89;
	v1 =	vimm.s32 $0x67452301;
	v2 =	vimm.s32 $0xDCFE98BA  }
0x2: {  	s6 =	rddreg [dreg:$0x1];
	v3 =	vimm.s32 $0x54761032;
	v4 =	vimm.s32 $0xBA98FEDC;
	v5 =	vimm.s32 $0x32107654  }
0x3: {  	s2 =	rddreg [dreg:$0x2];
	v6 =	vimm.s32 $0xFEDCBA98;
	v7 =	vimm.s32 $0x76543210;
	v0 =	vunpack.c.l.s4.s8 v0  }
0x4: {  	s4 =	srdreg.scid;
	s1 =	rddreg [dreg:$0x3];
	v1 =	vunpack.c.l.s4.s8 v1;
	v2 =	vunpack.c.l.s4.s8 v2;
	v3 =	vunpack.c.l.s4.s8 v3  }
0x5: {  	s3 =	stileid.u32;
	s13 =	simm.s32 $0x10000;
	s14 =	simm.s32 $0x5;
	v4 =	vunpack.c.l.s4.s8 v4;
	v5 =	vunpack.c.l.s4.s8 v5;
	v0 =	vunpack.c.0.s8.s32 v0  }
0x6: {  	s15 =	simm.s32 $0x4000;
	s16 =	simm.s32 $0x1;
	s17 =	simm.s32 $0x8000;
	v1 =	vunpack.c.0.s8.s32 v1;
	v2 =	vunpack.c.0.s8.s32 v2;
	v3 =	vunpack.c.0.s8.s32 v3  }
0x7: {  	s18 =	simm.s32 $0x2;
	s19 =	simm.s32 $0x4;
	s20 =	simm.s32 $0xC000;
	v6 =	vunpack.c.l.s4.s8 v6;
	v7 =	vunpack.c.l.s4.s8 v7;
	v4 =	vunpack.c.0.s8.s32 v4  }
0x8: {  	s21 =	simm.s32 $0x3;
	s22 =	simm.s32 $0x0;
	s5 =	sand.u32 $0x1, s4;
	v5 =	vunpack.c.0.s8.s32 v5;
	v0 =	vcombine.low v1, v0;
	v1 =	vcombine.low v3, v2  }
0x9: {  	s4 =	simm.s32 $0x0;
	s7 =	sshll.u32 s3, $0xC;
	s8 =	sshll.u32 s5, $0xB;
	v2 =	vunpack.c.0.s8.s32 v6  }
.Ltmp0:
0xa: {  	[smem:$0x7FF] =	sst s4;
	s9 =	ssub.s32 $0x2, s5;
	v63 =	vunpack.c.0.s8.s32 v7;
	v3 =	vcombine.low v5, v4;
	v1 =	vand.u32 $0xF, v1;
	(pc) =	sbr.rel .LBB2_1-.Ltmp0, $4  }
0xb: {  	s5 =	sor.u32 s8, s7;
	_ =	strace $0x80000047;
	s31 =	sshrl.u32 s9, $0x1;
	[tilespmem:$0x1FFD0] =	vst v1;
	v1 =	vand.u32 $0xF, v2  }
0xc: {  	s6 =	sadd.s32 $0x800, s6;
	s10 =	sshll.u32 s5, $0x4;
	s12 =	ssub.s32 s9, s31;
	v9 =	vand.u32 $0xF, v3;
	v1 =	vcombine.low v1, v63  }
0xd: {  	s11 =	sor.u32 $0x180, s5;
	s7 =	sadd.s32 s0, s10;
	s9 =	sadd.s32 s2, s10;
	[tilespmem:$0x1FFF0] =	vst v9  }
0xe: {  	s10 =	sor.u32 $0x100, s5;
	s12 =	smax.u32 s12, $0x1;
	s8 =	sadd.s32 $0x800, s7;
	v0 =	vand.u32 $0xF, v0;
	v63 =	vimm.s32 $0x0;
	[tilespmem:$0x1FFE0] =	vst v1  }
.LBB2_12:
0xf: {  	s22 =	sadd.s32 $0x1, s22  }
0x10: {  	_ =	swait.ge [sflag:s21], $0x4000;
	p0 =	sne.s32 s22, s12  }
.Ltmp1:
0x11: {  	[sflag:s21] =	ssyncset.done $0x0;
	(pc) =	sbr.rel @!p0 .LBB2_13-.Ltmp1, $4  }
0x12: {  	[sflag:s21] =	ssyncadd.s32 $0xFFFFC000  }
0x13: {  	_ =	swait.ge [sflag:s19], $0x4000  }
0x14: {  	[sflag:s19] =	ssyncset.done $0x0  }
0x15: {  	v9 =	vld [tilespmem:$0x1FFF0];
	[sflag:s19] =	ssyncadd.s32 $0xFFFFC000  }
.LBB2_1:
0x16: {  	[tilespmem:s13], [sflag:$0x5] =	stream.linear.gather [hbm4b:s6+s4], $0x200, $0x38;
	[tilespmem:$0x10200] =	vst v63  }
0x17: {  	_ =	swait.ge [sflag:s14], $0x200  }
0x18: {  	[sflag:s14] =	ssyncset.done $0x0  }
0x19: {  	[sflag:s14] =	ssyncadd.s32 $0xFFFFFE00  }
0x1a: {  	[tilespmem:s4], [sflag:$0x1] =	stream.linear.gather [hbm4b:s7+s4], $0x4000, $0x38;
	[tilespmem:$0x10200] =	vst v63  }
0x1b: {  	s23 =	simm.s32 $0x0  }
0x1c: {  	[tilespmem:s15], [sflag:$0x2] =	stream.linear.gather [hbm4b:s8+s4], $0x4000, $0x38;
	[tilespmem:$0x10200] =	vst v63  }
.LBB2_2:
0x1d: {  	_ =	swait.ge [sflag:s16], $0x4000  }
0x1e: {  	p0 =	seq.s32 s23, $0x0;
	[sflag:s16] =	ssyncset.done $0x0  }
0x1f: {  	s24 =	simm.s32 @!p0 $0x3;
	[sflag:s16] =	ssyncadd.s32 $0xFFFFC000  }
0x20: {  	_ =	swait.ge @!p0 [sflag:s24], $0x4000  }
0x21: {  	[sflag:s24] =	ssyncset.done @!p0 $0x0  }
0x22: {  	[sflag:s24] =	ssyncadd.s32 @!p0 $0xFFFFC000  }
0x23: {  	v23 =	vld [tilespmem:$0x10100]  }
0x24: {  	v26 =	vld [tilespmem:$0x10110]  }
0x25: {  	v29 =	vld [tilespmem:$0x10120]  }
0x26: {  	v12 =	vld [tilespmem:$0x10130]  }
0x27: {  	v11 =	vld [tilespmem:$0x10140]  }
0x28: {  	v10 =	vld [tilespmem:$0x10150]  }
0x29: {  	v61 =	vld [tilespmem:$0x10160]  }
0x2a: {  	s25 =	simm.s32 $0x80;
	v62 =	vld [tilespmem:$0x10170]  }
0x2b: {  	v1 =	vld [tilespmem:s25+$0x0]  }
0x2c: {  	v2 =	vld [tilespmem:s25+$0x10]  }
0x2d: {  	v3 =	vld [tilespmem:s25+$0x20]  }
0x2e: {  	v5 =	vld [tilespmem:s25+$0x30]  }
0x2f: {  	v6 =	vld [tilespmem:s25+$0x40]  }
0x30: {  	v7 =	vld [tilespmem:s25+$0x50]  }
0x31: {  	v8 =	vld [tilespmem:s25+$0x60]  }
0x32: {  	v13 =	vld [tilespmem:s25+$0x70]  }
0x33: {  	v14 =	vld [tilespmem:s25+$0xFFFFFF80]  }
0x34: {  	v16 =	vld [tilespmem:s25+$0xFFFFFFA0];
	v1 =	vsub.f32 v1, v23;
	v2 =	vsub.f32 v2, v26  }
0x35: {  	v19 =	vld [tilespmem:s25+$0xFFFFFFB0];
	v3 =	vsub.f32 v3, v29;
	v5 =	vsub.f32 v5, v12  }
0x36: {  	v15 =	vld [tilespmem:s25+$0xFFFFFF90];
	v6 =	vsub.f32 v6, v11;
	v7 =	vsub.f32 v7, v10  }
0x37: {  	v8 =	vsub.f32 v8, v61;
	v20 =	vsub.f32 v13, v62  }
0x38: {  	v22 =	vld [tilespmem:s25+$0xFFFFFFC0];
	[tilespmem:$0x1FEB0] =	vst v23;
	v23 =	vsub.f32 v14, v23;
	v17 =	vmul.f32 v1, v1;
	v18 =	vmul.f32 v2, v2  }
0x39: {  	v16 =	vsub.f32 v16, v29;
	v52 =	vmul.f32 v3, v3;
	v21 =	vmul.f32 v5, v5  }
0x3a: {  	v19 =	vsub.f32 v19, v12;
	v25 =	vld [tilespmem:s25+$0xFFFFFFD0];
	[tilespmem:$0x1FEC0] =	vst v26;
	v53 =	vmul.f32 v6, v6;
	v24 =	vmul.f32 v7, v7  }
0x3b: {  	v26 =	vsub.f32 v15, v26;
	v54 =	vmul.f32 v8, v8;
	v27 =	vmul.f32 v20, v20;
	v28 =	vld [tilespmem:s25+$0xFFFFFFE0]  }
0x3c: {  	v55 =	vld [tilespmem:s25+$0xFFFFFFF0];
	v17 =	vadd.f32 v18, v17;
	v13 =	vadd.f32 v21, v52  }
0x3d: {  	v14 =	vadd.f32 v24, v53;
	v15 =	vadd.f32 v27, v54  }
0x3e: {  	v22 =	vsub.f32 v22, v11;
	v56 =	vmul.f32 v23, v23;
	v58 =	vmul.f32 v16, v16  }
0x3f: {  	v59 =	vmul.f32 v19, v19;
	v13 =	vadd.f32 v13, v17;
	v14 =	vadd.f32 v15, v14  }
0x40: {  	v60 =	vmul.f32 v22, v22;
	v24 =	vsub.f32 v25, v10;
	v25 =	vsub.f32 v28, v61  }
0x41: {  	v57 =	vmul.f32 v26, v26;
	v27 =	vsub.f32 v55, v62;
	v13 =	vadd.f32 v14, v13  }
0x42: {  	v4 =	vld [tilespmem:$0x1FFD0];
	[tilespmem:$0x1FF00] =	vst v10;
	v10 =	vmul.f32 v24, v24;
	v30 =	vmul.f32 v25, v25  }
0x43: {  	[tilespmem:$0x1FEF0] =	vst v11;
	v15 =	vadd.f32 v57, v56;
	v31 =	vmul.f32 v27, v27;
	v11 =	vperm.xlane v13, v0  }
0x44: {  	v14 =	vadd.f32 v59, v58;
	v32 =	vadd.f32 v10, v60  }
0x45: {  	v33 =	vadd.f32 v31, v30;
	v13 =	vadd.f32 v13, v11;
	_ =	sdelay $0x1  }
0x46: {  	v14 =	vadd.f32 v14, v15;
	v35 =	vadd.f32 v33, v32;
	v34 =	vperm.xlane v13, v4;
	_ =	sdelay $0x1  }
0x47: {  	v14 =	vadd.f32 v35, v14;
	v13 =	vadd.f32 v13, v34  }
0x48: {  	v38 =	vld [tilespmem:$0x1FFE0]  }
0x49: {  	v37 =	vperm.xlane v14, v0;
	v36 =	vperm.xlane v13, v9;
	_ =	sdelay $0x1  }
0x4a: {  	v14 =	vadd.f32 v14, v37;
	v13 =	vadd.f32 v13, v36;
	_ =	sdelay $0x1  }
0x4b: {  	v17 =	vperm.xlane v14, v4;
	v15 =	vperm.xlane v13, v38;
	_ =	sdelay $0x1  }
0x4c: {  	v14 =	vadd.f32 v14, v17;
	v13 =	vadd.f32 v13, v15;
	_ =	sdelay $0x1  }
0x4d: {  	v39 =	vperm.xlane v14, v9;
	v31 =	vmax.f32 v13, $1.000000020e-16  }
0x4e: {  	v40 =	vshra.s32 v31, $0x1;
	v41 =	vmul.f32 $5.000000000e-01, v31  }
0x4f: {  	v13 =	vadd.f32 v14, v39;
	v15 =	vsub.s32 $0x5F3759DF, v40  }
0x50: {  	v42 =	vmul.f32 v15, v41  }
0x51: {  	v43 =	vperm.xlane v13, v38  }
0x52: {  	v14 =	vmul.f32 v15, v42  }
0x53: {  	v13 =	vadd.f32 v13, v43  }
0x54: {  	v14 =	vsub.f32 $1.500000000e+00, v14  }
0x55: {  	v44 =	vmax.f32 v13, $1.000000020e-16  }
0x56: {  	v45 =	vshra.s32 v44, $0x1;
	v46 =	vmul.f32 $5.000000000e-01, v44;
	v15 =	vmul.f32 v15, v14  }
0x57: {  	v47 =	vsub.s32 $0x5F3759DF, v45  }
0x58: {  	v49 =	vmul.f32 v47, v46;
	v48 =	vmul.f32 v15, v41;
	_ =	sdelay $0x1  }
0x59: {  	v17 =	vmul.f32 v47, v49;
	v14 =	vmul.f32 v48, v15;
	_ =	sdelay $0x1  }
0x5a: {  	v17 =	vsub.f32 $1.500000000e+00, v17;
	v50 =	vsub.f32 $1.500000000e+00, v14  }
0x5b: {  	[tilespmem:$0x1FED0] =	vst v29  }
0x5c: {  	[tilespmem:$0x1FEE0] =	vst v12;
	v51 =	vmul.f32 v47, v17;
	v34 =	vmul.f32 v50, v15  }
0x5d: {  	[tilespmem:$0x1FF10] =	vst v44  }
0x5e: {  	v57 =	vld [tilespmem:$0x10070];
	v18 =	vmul.f32 v51, v46;
	v35 =	vmul.f32 v34, v1  }
0x5f: {  	v1 =	vmul.f32 v34, v20;
	v2 =	vmul.f32 v34, v2  }
0x60: {  	v3 =	vmul.f32 v34, v3;
	v5 =	vmul.f32 v34, v5  }
0x61: {  	v54 =	vld [tilespmem:$0x100F0];
	v6 =	vmul.f32 v34, v6;
	v18 =	vmul.f32 v18, v51  }
0x62: {  	v58 =	vld [tilespmem:$0x100A0];
	v7 =	vmul.f32 v34, v7;
	v8 =	vmul.f32 v34, v8  }
0x63: {  	v20 =	vperm.xlane v1, v0;
	v1 =	vmul.f32 v1, v57;
	v18 =	vsub.f32 $1.500000000e+00, v18  }
0x64: {  	v28 =	vperm.xlane v35, v0;
	v30 =	vperm.xlane v2, v0  }
0x65: {  	v37 =	vperm.xlane v3, v0;
	v52 =	vmul.f32 v18, v51  }
0x66: {  	v38 =	vperm.xlane v5, v0;
	v20 =	vmul.f32 v20, v54  }
0x67: {  	v36 =	vld [tilespmem:$0x101A0];
	v37 =	vmul.f32 v37, v58;
	v39 =	vmul.f32 v52, v23  }
0x68: {  	v33 =	vld [tilespmem:$0x10180];
	v40 =	vmul.f32 v52, v26;
	v41 =	vmul.f32 v52, v16  }
0x69: {  	v11 =	vld [tilespmem:$0x10080];
	v42 =	vmul.f32 v52, v19;
	v43 =	vmul.f32 v52, v22  }
0x6a: {  	v14 =	vld [tilespmem:$0x10090];
	v1 =	vadd.f32 v1, v20;
	v44 =	vmul.f32 v52, v24;
	v45 =	vmul.f32 v52, v25;
	[tilespmem:$0x1FF20] =	vst v52  }
0x6b: {  	v46 =	vmul.f32 v52, v27;
	v52 =	vperm.xlane v6, v0;
	v60 =	vld [tilespmem:$0x100C0]  }
0x6c: {  	vm0 =	vgt.f32 v1, v36;
	v17 =	vld [tilespmem:$0x100D0];
	v25 =	vperm.xlane v39, v0;
	v56 =	vperm.xlane v41, v0  }
0x6d: {  	v18 =	vld [tilespmem:$0x100E0];
	v53 =	vsel vm0, $0x4, v63;
	v22 =	vperm.xlane v42, v0;
	v12 =	vperm.xlane v43, v0  }
0x6e: {  	v59 =	vld [tilespmem:$0x100B0];
	v48 =	vperm.xlane v44, v0;
	v51 =	vperm.xlane v46, v0;
	v55 =	vor.u32 $0x1, v53  }
0x6f: {  	v19 =	vld [tilespmem:$0x10000];
	v13 =	vperm.xlane v45, v0;
	v16 =	vperm.xlane v33, v55  }
0x70: {  	v55 =	vmul.f32 v56, v58;
	v51 =	vmul.f32 v51, v54  }
0x71: {  	vm11 =	vgt.f32 v1, v16;
	v16 =	vperm.xlane v40, v0;
	v56 =	vmul.f32 v12, v60  }
0x72: {  	v20 =	vld [tilespmem:$0x10010];
	v48 =	vmul.f32 v48, v17;
	v9 =	vmul.f32 v13, v18  }
0x73: {  	v12 =	vmul.f32 v28, v11;
	v38 =	vmul.f32 v38, v59  }
0x74: {  	v52 =	vmul.f32 v52, v60;
	v29 =	vmul.f32 v39, v19;
	v21 =	vsel vm11, $0x2, v63  }
0x75: {  	v35 =	vmul.f32 v35, v19;
	v47 =	vor.u32 v21, v53;
	v53 =	vperm.xlane v7, v0  }
0x76: {  	v50 =	vmov v14;
	v4 =	vmul.f32 v16, v14;
	v14 =	vmul.f32 v30, v14  }
0x77: {  	v32 =	vld [tilespmem:$0x10190];
	v30 =	vmul.f32 v40, v20;
	v49 =	vperm.xlane v33, v47  }
0x78: {  	v2 =	vmul.f32 v2, v20;
	v21 =	vld [tilespmem:$0x10020];
	[tilespmem:$0x1FF30] =	vst v11;
	v53 =	vmul.f32 v53, v17  }
0x79: {  	v24 =	vld [tilespmem:$0x10050];
	v39 =	vadd.f32 v4, v30;
	vm12 =	vgt.f32 v1, v49;
	v49 =	vmul.f32 v25, v11  }
0x7a: {  	v1 =	vperm.xlane v8, v0;
	v11 =	vmul.f32 v34, v31;
	v23 =	vsel vm12, $0x1, v63  }
0x7b: {  	v34 =	vadd.f32 v35, v12;
	v25 =	vor.u32 v23, v47;
	v47 =	vmul.f32 v22, v59  }
0x7c: {  	vm5 =	vgt.f32 v39, v36;
	v22 =	vld [tilespmem:$0x10030];
	v28 =	vmul.f32 v1, v18;
	v16 =	vperm.xlane v32, v25  }
0x7d: {  	v23 =	vld [tilespmem:$0x10040];
	v31 =	vmul.f32 v41, v21;
	v41 =	vadd.f32 v49, v29;
	v3 =	vmul.f32 v3, v21  }
0x7e: {  	vm12 =	vgt.f32 v34, v36;
	v25 =	vld [tilespmem:$0x10060];
	v7 =	vmul.f32 v7, v24;
	v26 =	vperm.xlane v16, v0  }
0x7f: {  	[tilespmem:$0x1FF50] =	vst v18;
	v18 =	vmul.f32 v46, v57;
	v40 =	vadd.f32 v55, v31;
	vm3 =	vgt.f32 v41, v36  }
0x80: {  	v13 =	vmul.f32 v16, v57;
	v7 =	vadd.f32 v7, v53;
	v15 =	vmul.f32 v26, v54  }
0x81: {  	vm6 =	vgt.f32 v40, v36;
	v10 =	vmul.f32 v42, v22;
	v5 =	vmul.f32 v5, v22  }
0x82: {  	[tilespmem:$0x1FF90] =	vst v22;
	v22 =	vmul.f32 v6, v23;
	v6 =	vadd.f32 v3, v37;
	v26 =	vsel vm6, $0x4, v63  }
0x83: {  	[tilespmem:$0x1FF40] =	vst v17;
	v17 =	vmul.f32 v45, v25;
	v45 =	vadd.f32 v51, v18;
	v12 =	vor.u32 $0x1, v26  }
0x84: {  	v1 =	vsub.f32 v13, v15;
	v13 =	vmul.f32 v43, v23;
	v15 =	vmul.f32 v44, v24  }
0x85: {  	[tilespmem:$0x1FFA0] =	vst v23;
	v46 =	vadd.f32 v47, v10;
	v23 =	vmul.f32 v8, v25;
	v8 =	vadd.f32 v2, v14  }
0x86: {  	[tilespmem:$0x1FFB0] =	vst v24;
	v2 =	vadd.f32 v5, v38;
	v3 =	vadd.f32 v22, v52;
	vm0 =	vgt.f32 v6, v36  }
0x87: {  	[tilespmem:$0x1FFC0] =	vst v25;
	v24 =	vsel vm3, $0x4, v63;
	vm3 =	vgt.f32 v7, v36;
	v25 =	vsel vm5, $0x4, v63  }
0x88: {  	v52 =	vsel vm12, $0x4, v63;
	v55 =	vperm.xlane v33, v12;
	v44 =	vadd.f32 v9, v17  }
0x89: {  	vm11 =	vgt.f32 v45, v36;
	v31 =	vor.u32 $0x1, v24;
	v10 =	vor.u32 $0x1, v25  }
0x8a: {  	v47 =	vsel vm3, $0x4, v63;
	v12 =	vor.u32 $0x1, v52;
	v42 =	vadd.f32 v56, v13  }
0x8b: {  	v43 =	vadd.f32 v48, v15;
	vm7 =	vgt.f32 v46, v36;
	v5 =	vadd.f32 v23, v28  }
0x8c: {  	vm13 =	vgt.f32 v8, v36;
	vm1 =	vgt.f32 v2, v36;
	vm2 =	vgt.f32 v3, v36  }
0x8d: {  	v9 =	vsel vm11, $0x4, v63;
	v51 =	vperm.xlane v33, v31;
	v53 =	vperm.xlane v33, v10  }
0x8e: {  	vm14 =	vgt.f32 v40, v55;
	v1 =	vmul.f32 v1, v11;
	vm10 =	vgt.f32 v44, v36  }
0x8f: {  	[tilespmem:$0x1FF70] =	vst v20;
	v27 =	vsel vm7, $0x4, v63;
	v4 =	vsel vm13, $0x4, v63;
	v20 =	vsel vm14, $0x2, v63  }
0x90: {  	v31 =	vor.u32 $0x1, v9;
	vm8 =	vgt.f32 v42, v36;
	vm9 =	vgt.f32 v43, v36  }
0x91: {  	vm4 =	vgt.f32 v5, v36;
	v30 =	vsel vm10, $0x4, v63;
	vm13 =	vgt.f32 v41, v51  }
0x92: {  	v13 =	vor.u32 $0x1, v27;
	vm6 =	vgt.f32 v39, v53;
	v37 =	vor.u32 v26, v20  }
0x93: {  	v28 =	vsel vm8, $0x4, v63;
	v29 =	vsel vm9, $0x4, v63;
	v51 =	vperm.xlane v33, v13  }
0x94: {  	v16 =	vsel vm13, $0x2, v63;
	v17 =	vor.u32 $0x1, v30;
	v18 =	vsel vm6, $0x2, v63  }
0x95: {  	v23 =	vperm.xlane v33, v37;
	v13 =	vor.u32 $0x1, v4;
	v14 =	vor.u32 $0x1, v28  }
0x96: {  	v15 =	vor.u32 $0x1, v29;
	v35 =	vor.u32 v24, v16;
	v49 =	vperm.xlane v33, v13  }
0x97: {  	v36 =	vor.u32 v25, v18;
	v53 =	vperm.xlane v33, v14;
	v55 =	vperm.xlane v33, v15  }
0x98: {  	[tilespmem:$0x1FF60] =	vst v19;
	vm15 =	vgt.f32 v46, v51;
	v19 =	vperm.xlane v33, v35;
	v51 =	vsel vm0, $0x4, v63  }
0x99: {  	[tilespmem:$0x1FF80] =	vst v21;
	v21 =	vperm.xlane v33, v36;
	v22 =	vsel vm15, $0x2, v63;
	v14 =	vor.u32 $0x1, v51  }
0x9a: {  	vm9 =	vgt.f32 v8, v49;
	vm12 =	vgt.f32 v42, v53;
	vm13 =	vgt.f32 v43, v55  }
0x9b: {  	v53 =	vperm.xlane v33, v17;
	vm0 =	vgt.f32 v41, v19;
	v55 =	vsel vm2, $0x4, v63  }
0x9c: {  	v38 =	vor.u32 v27, v22;
	vm2 =	vgt.f32 v40, v23;
	v40 =	vperm.xlane v33, v31  }
0x9d: {  	v17 =	vor.u32 $0x1, v47;
	v22 =	vsel vm9, $0x2, v63;
	v24 =	vsel vm12, $0x2, v63  }
0x9e: {  	v25 =	vsel vm13, $0x2, v63;
	v26 =	vperm.xlane v33, v38;
	v16 =	vor.u32 $0x1, v55  }
0x9f: {  	vm14 =	vgt.f32 v44, v53;
	v53 =	vsel vm1, $0x4, v63;
	vm1 =	vgt.f32 v39, v21  }
0xa0: {  	v41 =	vor.u32 v28, v24;
	v39 =	vor.u32 v29, v25;
	v29 =	vsel vm4, $0x4, v63  }
0xa1: {  	vm15 =	vgt.f32 v45, v40;
	v40 =	vperm.xlane v33, v16;
	v27 =	vsel vm14, $0x2, v63  }
0xa2: {  	vm3 =	vgt.f32 v46, v26;
	v28 =	vperm.xlane v33, v41;
	v15 =	vor.u32 $0x1, v53  }
0xa3: {  	v18 =	vsel vm15, $0x2, v63;
	v19 =	vor.u32 $0x1, v29;
	v48 =	vor.u32 v30, v27  }
0xa4: {  	v30 =	vperm.xlane v33, v39;
	v49 =	vor.u32 v9, v18;
	v9 =	vperm.xlane v33, v19  }
0xa5: {  	vm12 =	vgt.f32 v3, v40;
	vm4 =	vgt.f32 v42, v28;
	v10 =	vperm.xlane v33, v48  }
0xa6: {  	v42 =	vperm.xlane v33, v14;
	v20 =	vperm.xlane v33, v49;
	v24 =	vsel vm12, $0x2, v63  }
0xa7: {  	vm5 =	vgt.f32 v43, v30;
	v43 =	vperm.xlane v33, v12;
	vm14 =	vgt.f32 v5, v9  }
0xa8: {  	vm6 =	vgt.f32 v44, v10;
	v44 =	vperm.xlane v33, v15;
	vm10 =	vgt.f32 v6, v42  }
0xa9: {  	vm7 =	vgt.f32 v45, v20;
	v42 =	vor.u32 v22, v4;
	v26 =	vsel vm14, $0x2, v63  }
0xaa: {  	v45 =	vor.u32 v24, v55;
	vm8 =	vgt.f32 v34, v43;
	v43 =	vperm.xlane v33, v17  }
0xab: {  	v23 =	vsel vm10, $0x2, v63;
	v46 =	vor.u32 v26, v29;
	v27 =	vperm.xlane v33, v42  }
0xac: {  	v30 =	vperm.xlane v33, v45;
	vm11 =	vgt.f32 v2, v44;
	v21 =	vsel vm8, $0x2, v63  }
0xad: {  	vm13 =	vgt.f32 v7, v43;
	v40 =	vor.u32 v21, v52;
	v44 =	vsel vm11, $0x2, v63  }
0xae: {  	v43 =	vor.u32 v23, v51;
	vm9 =	vgt.f32 v8, v27;
	vm12 =	vgt.f32 v3, v30  }
0xaf: {  	v3 =	vsel vm2, $0x1, v63;
	v25 =	vsel vm13, $0x2, v63;
	v44 =	vor.u32 v44, v53  }
0xb0: {  	v52 =	vperm.xlane v33, v40;
	v28 =	vperm.xlane v33, v43;
	v3 =	vor.u32 v3, v37  }
0xb1: {  	v37 =	vsel vm5, $0x1, v63;
	v53 =	vsel vm12, $0x1, v63;
	v47 =	vor.u32 v25, v47  }
0xb2: {  	v29 =	vperm.xlane v33, v44;
	vm8 =	vgt.f32 v34, v52;
	v31 =	vperm.xlane v33, v47  }
0xb3: {  	vm10 =	vgt.f32 v6, v28;
	v6 =	vperm.xlane v33, v46;
	v33 =	vor.u32 v37, v39  }
0xb4: {  	vm11 =	vgt.f32 v2, v29;
	v2 =	vsel vm1, $0x1, v63;
	v51 =	vsel vm10, $0x1, v63  }
0xb5: {  	vm13 =	vgt.f32 v7, v31;
	v7 =	vadd.f32 v1, v62;
	vm14 =	vgt.f32 v5, v6  }
0xb6: {  	v1 =	vsel vm0, $0x1, v63;
	v5 =	vsel vm4, $0x1, v63;
	v52 =	vsel vm11, $0x1, v63  }
0xb7: {  	v43 =	vor.u32 v51, v43;
	v6 =	vor.u32 v1, v35;
	v1 =	vor.u32 v2, v36  }
0xb8: {  	v2 =	vsel vm3, $0x1, v63;
	v5 =	vor.u32 v5, v41;
	v41 =	vsel vm7, $0x1, v63  }
0xb9: {  	v55 =	vsel vm13, $0x1, v63;
	v2 =	vor.u32 v2, v38;
	v38 =	vsel vm6, $0x1, v63  }
0xba: {  	v36 =	vor.u32 v41, v49;
	v49 =	vsel vm9, $0x1, v63;
	v37 =	vperm.xlane v32, v6  }
0xbb: {  	v35 =	vor.u32 v38, v48;
	v48 =	vsel vm8, $0x1, v63;
	v63 =	vsel vm14, $0x1, v63  }
0xbc: {  	s26 =	simm.s32 $0x8080;
	v56 =	vmovc v11;
	v41 =	vor.u32 v48, v40;
	v40 =	vor.u32 v49, v42;
	v42 =	vor.u32 v52, v44  }
0xbd: {  	s28 =	simm.s32 $0x0;
	s24 =	sshll.u32 s23, $0x8;
	[tilespmem:s26+$0x70] =	vst v7;
	v44 =	vor.u32 v53, v45;
	v45 =	vor.u32 v55, v47;
	v46 =	vor.u32 v63, v46  }
.LBB2_3:
0xbe: {  	v16 =	vld [tilespmem:$0x10100]  }
0xbf: {  	v6 =	vperm.xlane v32, v1;
	v15 =	vld [tilespmem:$0x10110]  }
0xc0: {  	v7 =	vperm.xlane v32, v3;
	v8 =	vperm.xlane v32, v2;
	v39 =	vld [tilespmem:$0x10120]  }
0xc1: {  	v5 =	vperm.xlane v32, v5;
	v22 =	vperm.xlane v32, v33;
	v63 =	vld [tilespmem:$0x10130]  }
0xc2: {  	v23 =	vperm.xlane v32, v35;
	v2 =	vperm.xlane v32, v36;
	v53 =	vld [tilespmem:$0x10140]  }
0xc3: {  	[tilespmem:$0x1FDE0] =	vst v61;
	v3 =	vperm.xlane v32, v41;
	v61 =	vperm.xlane v32, v40;
	v52 =	vld [tilespmem:$0x10150]  }
0xc4: {  	v24 =	vperm.xlane v32, v43;
	v25 =	vperm.xlane v32, v42;
	v55 =	vld [tilespmem:$0x10160]  }
0xc5: {  	v33 =	vperm.xlane v32, v44;
	v34 =	vperm.xlane v32, v45;
	v38 =	vld [tilespmem:$0x10170]  }
0xc6: {  	[tilespmem:$0x1FDC0] =	vst v57;
	v32 =	vperm.xlane v32, v46;
	v57 =	vld [tilespmem:$0x1FF30];
	v27 =	vperm.xlane v37, v0  }
0xc7: {  	[tilespmem:$0x1FE00] =	vst v62;
	s25 =	sadd.s32 $0x100, s25;
	v62 =	vld [tilespmem:$0x1FF40];
	v28 =	vperm.xlane v6, v0;
	v30 =	vperm.xlane v7, v0  }
0xc8: {  	v29 =	vld [tilespmem:s25+$0x0];
	v31 =	vperm.xlane v8, v0;
	v46 =	vperm.xlane v5, v0  }
0xc9: {  	v36 =	vld [tilespmem:s25+$0x10];
	v47 =	vperm.xlane v22, v0;
	v51 =	vperm.xlane v23, v0  }
0xca: {  	v48 =	vld [tilespmem:s25+$0x20];
	v9 =	vperm.xlane v2, v0;
	v10 =	vperm.xlane v3, v0  }
0xcb: {  	v49 =	vld [tilespmem:s25+$0x30];
	v11 =	vperm.xlane v61, v0;
	v12 =	vperm.xlane v24, v0  }
0xcc: {  	v4 =	vmov v56;
	v56 =	vld [tilespmem:s25+$0x40];
	v13 =	vperm.xlane v25, v0;
	v17 =	vperm.xlane v33, v0  }
0xcd: {  	v1 =	vmovc v60;
	v60 =	vmovc v59;
	v59 =	vmov v58;
	v14 =	vld [tilespmem:s25+$0x50];
	v18 =	vperm.xlane v34, v0;
	v21 =	vperm.xlane v32, v0  }
0xce: {  	v58 =	vmov v50;
	v19 =	vld [tilespmem:s25+$0x60];
	v35 =	vmul.f32 v28, v50;
	v43 =	vmul.f32 v30, v59  }
0xcf: {  	v40 =	vld [tilespmem:s25+$0x70];
	v42 =	vmul.f32 v46, v1;
	v11 =	vmul.f32 v11, v58  }
0xd0: {  	v41 =	vld [tilespmem:s25+$0xFFFFFF80];
	v20 =	vmul.f32 v27, v57;
	v27 =	vsub.f32 v29, v16;
	v26 =	vsub.f32 v36, v15  }
0xd1: {  	v45 =	vld [tilespmem:s25+$0xFFFFFF90];
	v36 =	vmul.f32 v31, v60;
	v44 =	vsub.f32 v48, v39;
	v28 =	vsub.f32 v49, v63  }
0xd2: {  	[tilespmem:$0x1FE40] =	vst v16;
	v29 =	vsub.f32 v56, v53;
	v30 =	vsub.f32 v14, v52;
	v14 =	vmul.f32 v47, v62  }
0xd3: {  	v46 =	vld [tilespmem:s25+$0xFFFFFFA0];
	v50 =	vsub.f32 v19, v55;
	[tilespmem:$0x1FDD0] =	vst v27;
	v19 =	vmul.f32 v27, v27;
	v48 =	vmul.f32 v26, v26  }
0xd4: {  	v47 =	vld [tilespmem:s25+$0xFFFFFFB0];
	v56 =	vsub.f32 v40, v38;
	[tilespmem:$0x1FE20] =	vst v29;
	v49 =	vmul.f32 v44, v44;
	v27 =	vmul.f32 v28, v28  }
0xd5: {  	v40 =	vsub.f32 v41, v16;
	v31 =	vld [tilespmem:s25+$0xFFFFFFE0];
	[tilespmem:$0x1FE30] =	vst v30;
	v29 =	vmul.f32 v29, v29;
	v30 =	vmul.f32 v30, v30  }
0xd6: {  	[tilespmem:$0x1FE60] =	vst v15;
	v41 =	vsub.f32 v45, v15;
	v15 =	vld [tilespmem:s25+$0xFFFFFFF0];
	v45 =	vmul.f32 v50, v50;
	v16 =	vmul.f32 v56, v56  }
0xd7: {  	v12 =	vmul.f32 v12, v59;
	[tilespmem:$0x1FDF0] =	vst v26;
	v26 =	vld [tilespmem:s25+$0xFFFFFFC0];
	v19 =	vadd.f32 v48, v19;
	v27 =	vadd.f32 v27, v49  }
0xd8: {  	v13 =	vmul.f32 v13, v60;
	[tilespmem:$0x1FE10] =	vst v28;
	v28 =	vld [tilespmem:s25+$0xFFFFFFD0];
	v29 =	vadd.f32 v30, v29;
	v30 =	vadd.f32 v16, v45  }
0xd9: {  	v17 =	vmul.f32 v17, v1;
	[tilespmem:$0x1FE80] =	vst v63;
	v16 =	vsub.f32 v46, v39;
	v49 =	vsub.f32 v47, v63;
	v63 =	vld [tilespmem:$0x1FF50]  }
0xda: {  	[tilespmem:$0x1FE70] =	vst v39;
	v18 =	vmul.f32 v18, v62;
	v19 =	vadd.f32 v27, v19;
	v39 =	vadd.f32 v30, v29  }
0xdb: {  	v60 =	vld [tilespmem:$0x1FFA0];
	[tilespmem:$0x1FE50] =	vst v50;
	v50 =	vmul.f32 v40, v40;
	v48 =	vmul.f32 v41, v41;
	v47 =	vsub.f32 v31, v55  }
0xdc: {  	v62 =	vld [tilespmem:$0x1FFB0];
	v46 =	vsub.f32 v15, v38;
	v29 =	vmul.f32 v9, v54;
	v19 =	vadd.f32 v39, v19  }
0xdd: {  	v30 =	vld [tilespmem:$0x1FFD0];
	v9 =	vsub.f32 v28, v52;
	v28 =	vmul.f32 v49, v49;
	v39 =	vmul.f32 v47, v47  }
0xde: {  	[tilespmem:$0x1FE90] =	vst v53;
	v31 =	vld [tilespmem:$0x1FF70];
	v45 =	vmul.f32 v51, v63;
	v51 =	vsub.f32 v26, v53;
	v54 =	vperm.xlane v19, v0  }
0xdf: {  	[tilespmem:$0x1FEA0] =	vst v52;
	v52 =	vadd.f32 v48, v50;
	v50 =	vld [tilespmem:$0x1FF80];
	v27 =	vmul.f32 v9, v9;
	v26 =	vmul.f32 v16, v16  }
0xe0: {  	v48 =	vld [tilespmem:$0x1FFF0];
	v53 =	vmovc v55;
	v55 =	vmul.f32 v46, v46;
	v15 =	vmul.f32 v51, v51;
	v19 =	vadd.f32 v19, v54  }
0xe1: {  	v10 =	vmul.f32 v10, v57;
	v5 =	vmul.f32 v5, v60;
	v26 =	vadd.f32 v28, v26;
	v28 =	vld [tilespmem:$0x1FF60]  }
0xe2: {  	v57 =	vadd.f32 v55, v39;
	v15 =	vadd.f32 v27, v15;
	v58 =	vperm.xlane v19, v30  }
0xe3: {  	v22 =	vmul.f32 v22, v62;
	v5 =	vsub.f32 v5, v42;
	v26 =	vadd.f32 v26, v52  }
0xe4: {  	v21 =	vmul.f32 v21, v63;
	v15 =	vadd.f32 v57, v15;
	v19 =	vadd.f32 v19, v58  }
0xe5: {  	v14 =	vsub.f32 v22, v14;
	v6 =	vmul.f32 v6, v31;
	v7 =	vmul.f32 v7, v50;
	v52 =	vld [tilespmem:$0x1FFE0]  }
0xe6: {  	v54 =	vld [tilespmem:$0x1FF90];
	v59 =	vmul.f32 v37, v28;
	v15 =	vadd.f32 v15, v26;
	v37 =	vperm.xlane v19, v48  }
0xe7: {  	v6 =	vsub.f32 v6, v35;
	v24 =	vmul.f32 v24, v50;
	v55 =	vmul.f32 v33, v60  }
0xe8: {  	v7 =	vsub.f32 v7, v43;
	v39 =	vperm.xlane v15, v0;
	v19 =	vadd.f32 v19, v37  }
0xe9: {  	v43 =	vmul.f32 v61, v31;
	v12 =	vsub.f32 v24, v12;
	v17 =	vsub.f32 v55, v17  }
0xea: {  	v58 =	vmul.f32 v34, v62;
	v15 =	vadd.f32 v15, v39;
	v26 =	vperm.xlane v19, v52  }
0xeb: {  	v11 =	vsub.f32 v43, v11;
	v17 =	vmul.f32 v17, v4;
	v8 =	vmul.f32 v8, v54;
	v37 =	vld [tilespmem:$0x1FFC0]  }
0xec: {  	v3 =	vmul.f32 v3, v28;
	v27 =	vperm.xlane v15, v30;
	v19 =	vadd.f32 v19, v26  }
0xed: {  	v33 =	vld [tilespmem:$0x1FF10];
	v54 =	vmul.f32 v25, v54;
	v18 =	vsub.f32 v58, v18;
	v11 =	vmul.f32 v11, v4  }
0xee: {  	v34 =	vld [tilespmem:$0x1FF20];
	v20 =	vsub.f32 v59, v20;
	v15 =	vadd.f32 v15, v27;
	v31 =	vmax.f32 v19, $1.000000020e-16  }
0xef: {  	v50 =	vld [tilespmem:$0x1FEC0];
	v8 =	vsub.f32 v8, v36;
	v61 =	vshra.s32 v31, $0x1;
	v62 =	vmul.f32 $5.000000000e-01, v31  }
0xf0: {  	v1 =	vmul.f32 v23, v37;
	v60 =	vperm.xlane v15, v48;
	v22 =	vsub.s32 $0x5F3759DF, v61  }
0xf1: {  	v3 =	vsub.f32 v3, v10;
	v59 =	vmul.f32 v32, v37;
	v32 =	vmul.f32 v22, v62  }
0xf2: {  	v13 =	vsub.f32 v54, v13;
	v18 =	vmul.f32 v18, v4;
	v39 =	vld [tilespmem:$0x1FDC0];
	v15 =	vadd.f32 v15, v60  }
0xf3: {  	v10 =	vmul.f32 v34, v33;
	v1 =	vsub.f32 v1, v45;
	v45 =	vld [tilespmem:$0x1FEB0];
	v19 =	vmul.f32 v22, v32  }
0xf4: {  	v11 =	vadd.f32 v11, v50;
	v3 =	vmul.f32 v3, v4;
	v35 =	vperm.xlane v15, v52  }
0xf5: {  	v20 =	vmul.f32 v20, v10;
	v6 =	vmul.f32 v6, v10;
	v61 =	vld [tilespmem:$0x1FED0];
	v19 =	vsub.f32 $1.500000000e+00, v19  }
0xf6: {  	v7 =	vmul.f32 v7, v10;
	v8 =	vmul.f32 v8, v10;
	v15 =	vadd.f32 v15, v35  }
0xf7: {  	v33 =	vld [tilespmem:$0x1FDE0];
	v6 =	vadd.f32 v6, v50;
	v2 =	vmul.f32 v2, v39;
	v36 =	vmul.f32 v22, v19  }
0xf8: {  	v58 =	vld [tilespmem:$0x1FEF0];
	v21 =	vsub.f32 v59, v21;
	v20 =	vadd.f32 v20, v45;
	v23 =	vmax.f32 v15, $1.000000020e-16  }
0xf9: {  	v30 =	vld [tilespmem:$0x1FEE0];
	v37 =	vshra.s32 v23, $0x1;
	v39 =	vmul.f32 $5.000000000e-01, v23;
	v42 =	vmul.f32 v36, v62  }
0xfa: {  	[tilespmem:s26+$0xFFFFFF90] =	vst v6;
	v59 =	vld [tilespmem:$0x1FF00];
	v1 =	vmul.f32 v1, v10;
	v7 =	vadd.f32 v7, v61;
	v19 =	vsub.s32 $0x5F3759DF, v37  }
0xfb: {  	v50 =	vld [tilespmem:$0x1FE50];
	v2 =	vsub.f32 v2, v29;
	[tilespmem:s26+$0xFFFFFF80] =	vst v20;
	v43 =	vmul.f32 v19, v39;
	v48 =	vmul.f32 v42, v36  }
0xfc: {  	v5 =	vmul.f32 v5, v10;
	v14 =	vmul.f32 v14, v10;
	v35 =	vadd.f32 v1, v33;
	v1 =	vld [tilespmem:$0x1FDF0];
	[tilespmem:s26+$0xFFFFFFA0] =	vst v7  }
0xfd: {  	v2 =	vmul.f32 v2, v10;
	v57 =	vld [tilespmem:$0x10070];
	v60 =	vmul.f32 v19, v43;
	v10 =	vsub.f32 $1.500000000e+00, v48  }
0xfe: {  	v5 =	vadd.f32 v5, v58;
	v6 =	vmul.f32 v12, v4;
	v8 =	vadd.f32 v8, v30;
	v37 =	vld [tilespmem:$0x1FE00]  }
0xff: {  	v14 =	vadd.f32 v14, v59;
	v54 =	vld [tilespmem:$0x100F0];
	v29 =	vsub.f32 $1.500000000e+00, v60;
	v7 =	vmul.f32 v10, v36  }
0x100: {  	[tilespmem:s26+$0xFFFFFFB0] =	vst v8;
	v62 =	vmul.f32 v13, v4;
	v43 =	vadd.f32 v6, v61;
	v6 =	vld [tilespmem:$0x1FE30];
	v10 =	vmul.f32 v21, v4  }
0x101: {  	[tilespmem:s26+$0xFFFFFFC0] =	vst v5;
	v4 =	vld [tilespmem:$0x1FDD0];
	v13 =	vmul.f32 v19, v29;
	v15 =	vmul.f32 v7, v56  }
0x102: {  	[tilespmem:s26+$0xFFFFFFD0] =	vst v14;
	v1 =	vmul.f32 v7, v1  }
0x103: {  	v52 =	vld [tilespmem:$0x101A0];
	v20 =	vadd.f32 v2, v37;
	v36 =	vmul.f32 v13, v39;
	v5 =	vperm.xlane v15, v0  }
0x104: {  	[tilespmem:s26+$0xFFFFFFE0] =	vst v35;
	v2 =	vmul.f32 v7, v44;
	v8 =	vmul.f32 v7, v50;
	v39 =	vadd.f32 v3, v45;
	v3 =	vld [tilespmem:$0x1FE10]  }
0x105: {  	[tilespmem:s26+$0xFFFFFFF0] =	vst v20;
	v22 =	vmul.f32 v36, v13;
	v42 =	vmul.f32 v5, v54;
	v5 =	vld [tilespmem:$0x1FE20]  }
0x106: {  	v6 =	vmul.f32 v7, v6;
	v4 =	vmul.f32 v7, v4;
	[tilespmem:s26+$0x0] =	vst v39;
	v39 =	vld [tilespmem:$0x10090]  }
0x107: {  	[tilespmem:s26+$0x10] =	vst v11;
	v15 =	vmul.f32 v15, v57;
	v11 =	vperm.xlane v1, v0;
	v44 =	vsub.f32 $1.500000000e+00, v22  }
0x108: {  	v63 =	vimm.s32 $0x0;
	v37 =	vperm.xlane v6, v0;
	v14 =	vperm.xlane v4, v0  }
0x109: {  	v17 =	vadd.f32 v17, v58;
	v45 =	vld [tilespmem:$0x1FE40];
	v3 =	vmul.f32 v7, v3;
	v55 =	vmul.f32 v44, v13  }
0x10a: {  	v10 =	vadd.f32 v10, v33;
	v34 =	vld [tilespmem:$0x10180];
	v13 =	vperm.xlane v2, v0;
	v5 =	vmul.f32 v7, v5  }
0x10b: {  	v58 =	vld [tilespmem:$0x100A0];
	v15 =	vadd.f32 v15, v42;
	v19 =	vperm.xlane v3, v0;
	v11 =	vmul.f32 v11, v39  }
0x10c: {  	v44 =	vadd.f32 v62, v30;
	v20 =	vmul.f32 v55, v40;
	v21 =	vmul.f32 v55, v41  }
0x10d: {  	v42 =	vld [tilespmem:$0x1FE90];
	vm0 =	vgt.f32 v15, v52;
	v12 =	vmul.f32 v55, v16;
	v16 =	vmul.f32 v55, v49  }
0x10e: {  	[tilespmem:$0x1FF10] =	vst v23;
	v48 =	vmovc v45;
	v45 =	vld [tilespmem:$0x1FE60];
	v50 =	vsel vm0, $0x4, v63;
	v24 =	vmul.f32 v55, v51;
	v9 =	vmul.f32 v55, v9  }
0x10f: {  	[tilespmem:s26+$0x20] =	vst v43;
	v62 =	vmovc v38;
	v38 =	vld [tilespmem:$0x10080];
	v35 =	vor.u32 $0x1, v50;
	v25 =	vmul.f32 v55, v47;
	v26 =	vmul.f32 v55, v46  }
0x110: {  	v18 =	vadd.f32 v18, v59;
	v60 =	vld [tilespmem:$0x100C0];
	[tilespmem:s26+$0x60] =	vst v10;
	v13 =	vmul.f32 v13, v58;
	v23 =	vperm.xlane v34, v35  }
0x111: {  	v61 =	vmov v53;
	v59 =	vld [tilespmem:$0x100B0];
	[tilespmem:s26+$0x30] =	vst v44;
	v53 =	vperm.xlane v5, v0;
	v47 =	vperm.xlane v20, v0  }
0x112: {  	v44 =	vld [tilespmem:$0x1FEA0];
	[tilespmem:$0x1FF20] =	vst v55;
	v55 =	vperm.xlane v21, v0;
	v56 =	vperm.xlane v12, v0  }
0x113: {  	[tilespmem:$0x1FEB0] =	vst v48;
	v40 =	vld [tilespmem:$0x1FE80];
	v48 =	vmov v45;
	v46 =	vperm.xlane v24, v0;
	v51 =	vperm.xlane v26, v0  }
0x114: {  	v30 =	vld [tilespmem:$0x1FE70];
	v43 =	vmov v42;
	[tilespmem:$0x1FEC0] =	vst v48;
	v48 =	vperm.xlane v9, v0;
	v14 =	vmul.f32 v14, v38  }
0x115: {  	[tilespmem:$0x1FEF0] =	vst v43;
	v43 =	vld [tilespmem:$0x10000];
	v53 =	vmul.f32 v53, v60;
	v10 =	vmul.f32 v47, v38  }
0x116: {  	[tilespmem:s26+$0x40] =	vst v17;
	v42 =	vld [tilespmem:$0x100E0];
	vm14 =	vgt.f32 v15, v23;
	v17 =	vmul.f32 v55, v39;
	v23 =	vmul.f32 v56, v58  }
0x117: {  	[tilespmem:$0x1FF30] =	vst v38;
	v27 =	vmul.f32 v46, v60;
	v38 =	vld [tilespmem:$0x10030];
	v56 =	vmul.f32 v7, v31;
	v45 =	vmov v44  }
0x118: {  	v46 =	vld [tilespmem:$0x10040];
	v7 =	vmul.f32 v19, v59;
	v41 =	vmovc v40;
	v44 =	vsel vm14, $0x2, v63;
	[tilespmem:$0x1FF00] =	vst v45;
	v45 =	vperm.xlane v16, v0  }
0x119: {  	v40 =	vld [tilespmem:$0x100D0];
	[tilespmem:$0x1FEE0] =	vst v41;
	v22 =	vor.u32 v44, v50;
	v50 =	vperm.xlane v25, v0;
	v41 =	vmul.f32 v51, v54  }
0x11a: {  	v44 =	vld [tilespmem:$0x10010];
	v49 =	vperm.xlane v34, v22;
	v20 =	vmul.f32 v20, v43  }
0x11b: {  	[tilespmem:s26+$0x50] =	vst v18;
	v51 =	vld [tilespmem:$0x10060];
	v18 =	vmul.f32 v45, v59;
	v29 =	vmul.f32 v50, v42  }
0x11c: {  	vm15 =	vgt.f32 v15, v49;
	v15 =	vperm.xlane v8, v0;
	v16 =	vmul.f32 v16, v38  }
0x11d: {  	v32 =	vmov v30;
	v24 =	vmul.f32 v24, v46;
	v3 =	vmul.f32 v3, v38  }
0x11e: {  	[tilespmem:$0x1FED0] =	vst v32;
	v32 =	vld [tilespmem:$0x10190];
	v33 =	vadd.f32 v10, v20;
	v5 =	vmul.f32 v5, v46;
	v28 =	vmul.f32 v48, v40  }
0x11f: {  	[tilespmem:$0x1FF50] =	vst v42;
	v45 =	vld [tilespmem:$0x10020];
	v47 =	vsel vm15, $0x1, v63;
	v55 =	vmul.f32 v37, v40;
	v15 =	vmul.f32 v15, v42  }
0x120: {  	[tilespmem:$0x1FF90] =	vst v38;
	v22 =	vor.u32 v47, v22;
	v21 =	vmul.f32 v21, v44;
	v42 =	vmul.f32 v25, v51  }
0x121: {  	[tilespmem:$0x1FFA0] =	vst v46;
	v47 =	vmul.f32 v26, v57;
	v1 =	vmul.f32 v1, v44;
	v37 =	vadd.f32 v18, v16  }
0x122: {  	v50 =	vmovc v39;
	v38 =	vadd.f32 v27, v24;
	v8 =	vmul.f32 v8, v51;
	vm0 =	vgt.f32 v33, v52  }
0x123: {  	v39 =	vld [tilespmem:$0x10050];
	[tilespmem:$0x1FF40] =	vst v40;
	v46 =	vadd.f32 v5, v53;
	v22 =	vperm.xlane v32, v22;
	v35 =	vadd.f32 v17, v21  }
0x124: {  	[tilespmem:$0x1FF70] =	vst v44;
	v12 =	vmul.f32 v12, v45;
	v40 =	vadd.f32 v29, v42;
	v41 =	vadd.f32 v41, v47  }
0x125: {  	[tilespmem:$0x1FF80] =	vst v45;
	v2 =	vmul.f32 v2, v45;
	v44 =	vadd.f32 v1, v11;
	v45 =	vadd.f32 v3, v7  }
0x126: {  	vm3 =	vgt.f32 v37, v52;
	vm4 =	vgt.f32 v38, v52;
	vm12 =	vgt.f32 v46, v52  }
0x127: {  	v1 =	vsel vm0, $0x4, v63;
	v48 =	vperm.xlane v22, v0;
	v22 =	vmul.f32 v22, v57  }
0x128: {  	v5 =	vsel vm3, $0x4, v63;
	v9 =	vmul.f32 v9, v39;
	v36 =	vadd.f32 v23, v12  }
0x129: {  	v6 =	vmul.f32 v6, v39;
	vm1 =	vgt.f32 v35, v52;
	vm6 =	vgt.f32 v40, v52  }
0x12a: {  	vm7 =	vgt.f32 v41, v52;
	vm9 =	vgt.f32 v44, v52;
	vm11 =	vgt.f32 v45, v52  }
0x12b: {  	v20 =	vor.u32 $0x1, v5;
	v30 =	vmul.f32 v48, v54;
	v48 =	vmul.f32 v4, v43  }
0x12c: {  	[tilespmem:$0x1FF60] =	vst v43;
	v43 =	vadd.f32 v2, v13;
	v2 =	vsel vm1, $0x4, v63;
	v11 =	vsel vm9, $0x4, v63  }
0x12d: {  	[tilespmem:$0x1FFB0] =	vst v39;
	v13 =	vsel vm11, $0x4, v63;
	v20 =	vperm.xlane v34, v20;
	v39 =	vadd.f32 v28, v9  }
0x12e: {  	vm2 =	vgt.f32 v36, v52;
	v47 =	vadd.f32 v6, v55;
	v6 =	vsel vm4, $0x4, v63  }
0x12f: {  	v9 =	vsel vm7, $0x4, v63;
	v18 =	vor.u32 $0x1, v2;
	v53 =	vor.u32 $0x1, v11  }
0x130: {  	v28 =	vor.u32 $0x1, v13;
	v49 =	vsub.f32 v22, v30;
	v42 =	vadd.f32 v48, v14  }
0x131: {  	v48 =	vadd.f32 v8, v15;
	vm10 =	vgt.f32 v43, v52;
	v3 =	vsel vm2, $0x4, v63  }
0x132: {  	v8 =	vsel vm6, $0x4, v63;
	v14 =	vsel vm12, $0x4, v63;
	v15 =	vor.u32 $0x1, v1  }
0x133: {  	[tilespmem:$0x1FFC0] =	vst v51;
	v21 =	vor.u32 $0x1, v6;
	v51 =	vor.u32 $0x1, v9;
	v18 =	vperm.xlane v34, v18  }
0x134: {  	vm3 =	vgt.f32 v37, v20;
	v53 =	vperm.xlane v34, v53;
	v28 =	vperm.xlane v34, v28  }
0x135: {  	vm5 =	vgt.f32 v39, v52;
	vm0 =	vgt.f32 v47, v52;
	v12 =	vsel vm10, $0x4, v63  }
0x136: {  	v29 =	vor.u32 $0x1, v14;
	v15 =	vperm.xlane v34, v15;
	v21 =	vperm.xlane v34, v21  }
0x137: {  	v51 =	vperm.xlane v34, v51;
	v20 =	vsel vm3, $0x2, v63;
	v19 =	vmul.f32 v49, v56  }
0x138: {  	vm8 =	vgt.f32 v42, v52;
	vm13 =	vgt.f32 v48, v52;
	v7 =	vsel vm5, $0x4, v63  }
0x139: {  	v16 =	vsel vm0, $0x4, v63;
	v49 =	vor.u32 $0x1, v8;
	v55 =	vor.u32 $0x1, v12  }
0x13a: {  	vm1 =	vgt.f32 v35, v18;
	v29 =	vperm.xlane v34, v29;
	vm9 =	vgt.f32 v44, v53  }
0x13b: {  	vm11 =	vgt.f32 v45, v28;
	v5 =	vor.u32 v5, v20;
	v10 =	vsel vm8, $0x4, v63  }
0x13c: {  	v17 =	vsel vm13, $0x4, v63;
	v22 =	vor.u32 $0x1, v7;
	v30 =	vor.u32 $0x1, v16  }
0x13d: {  	vm0 =	vgt.f32 v33, v15;
	v49 =	vperm.xlane v34, v49;
	v55 =	vperm.xlane v34, v55  }
0x13e: {  	vm4 =	vgt.f32 v38, v21;
	vm7 =	vgt.f32 v41, v51;
	v18 =	vsel vm1, $0x2, v63  }
0x13f: {  	v26 =	vsel vm9, $0x2, v63;
	v51 =	vsel vm11, $0x2, v63;
	v20 =	vperm.xlane v34, v5  }
0x140: {  	v19 =	vadd.f32 v19, v62;
	v52 =	vor.u32 $0x1, v10;
	v31 =	vor.u32 $0x1, v17  }
0x141: {  	v15 =	vperm.xlane v34, v22;
	v30 =	vperm.xlane v34, v30;
	vm12 =	vgt.f32 v46, v29  }
0x142: {  	v21 =	vsel vm4, $0x2, v63;
	v24 =	vsel vm7, $0x2, v63;
	v2 =	vor.u32 v2, v18  }
0x143: {  	v11 =	vor.u32 v26, v11;
	v13 =	vor.u32 v51, v13;
	v52 =	vperm.xlane v34, v52  }
0x144: {  	v31 =	vperm.xlane v34, v31;
	vm6 =	vgt.f32 v40, v49;
	vm10 =	vgt.f32 v43, v55  }
0x145: {  	s26 =	sadd.s32 $0x100, s26;
	v6 =	vor.u32 v6, v21;
	v9 =	vor.u32 v9, v24;
	v18 =	vperm.xlane v34, v2  }
0x146: {  	vm3 =	vgt.f32 v37, v20;
	[tilespmem:s26+$0x70] =	vst v19;
	v19 =	vor.u32 $0x1, v3;
	vm5 =	vgt.f32 v39, v15  }
0x147: {  	vm13 =	vgt.f32 v47, v30;
	v15 =	vsel vm0, $0x2, v63;
	v23 =	vsel vm6, $0x2, v63  }
0x148: {  	v49 =	vsel vm10, $0x2, v63;
	v21 =	vperm.xlane v34, v6;
	v30 =	vperm.xlane v34, v9  }
0x149: {  	v19 =	vperm.xlane v34, v19;
	vm8 =	vgt.f32 v42, v52;
	vm14 =	vgt.f32 v48, v31  }
0x14a: {  	v22 =	vsel vm5, $0x2, v63;
	v52 =	vsel vm12, $0x2, v63;
	v53 =	vsel vm13, $0x2, v63  }
0x14b: {  	v1 =	vor.u32 v1, v15;
	v8 =	vor.u32 v8, v23;
	v12 =	vor.u32 v49, v12  }
0x14c: {  	vm1 =	vgt.f32 v35, v18;
	v25 =	vsel vm8, $0x2, v63;
	v55 =	vsel vm14, $0x2, v63  }
0x14d: {  	v7 =	vor.u32 v7, v22;
	v14 =	vor.u32 v52, v14;
	v28 =	vperm.xlane v34, v1  }
0x14e: {  	v15 =	vor.u32 v53, v16;
	v29 =	vperm.xlane v34, v8;
	v35 =	vperm.xlane v34, v12  }
0x14f: {  	vm4 =	vgt.f32 v38, v21;
	vm7 =	vgt.f32 v41, v30;
	v41 =	vsel vm1, $0x1, v63  }
0x150: {  	vm2 =	vgt.f32 v36, v19;
	v10 =	vor.u32 v25, v10;
	v22 =	vperm.xlane v34, v7  }
0x151: {  	v16 =	vor.u32 v55, v17;
	v37 =	vperm.xlane v34, v14;
	v38 =	vperm.xlane v34, v15  }
0x152: {  	v19 =	vsel vm2, $0x2, v63;
	vm0 =	vgt.f32 v33, v28;
	v31 =	vperm.xlane v34, v10  }
0x153: {  	v33 =	vperm.xlane v34, v11;
	vm6 =	vgt.f32 v40, v29;
	vm10 =	vgt.f32 v43, v35  }
0x154: {  	v43 =	vsel vm3, $0x1, v63;
	v3 =	vor.u32 v3, v19;
	vm5 =	vgt.f32 v39, v22  }
0x155: {  	v39 =	vperm.xlane v34, v16;
	vm12 =	vgt.f32 v46, v37;
	v40 =	vsel vm0, $0x1, v63  }
0x156: {  	vm0 =	vgt.f32 v47, v38;
	v46 =	vsel vm7, $0x1, v63;
	v49 =	vsel vm10, $0x1, v63  }
0x157: {  	v19 =	vperm.xlane v34, v3;
	vm8 =	vgt.f32 v42, v31;
	vm9 =	vgt.f32 v44, v33  }
0x158: {  	v44 =	vsel vm4, $0x1, v63;
	v22 =	vsel vm5, $0x1, v63;
	v52 =	vsel vm12, $0x1, v63  }
0x159: {  	v18 =	vor.u32 v40, v1;
	v53 =	vsel vm0, $0x1, v63;
	v1 =	vor.u32 v41, v2  }
0x15a: {  	v2 =	vor.u32 v43, v5;
	v43 =	vor.u32 v49, v12;
	vm13 =	vgt.f32 v48, v39  }
0x15b: {  	s28 =	sadd.s32 $0x2, s28;
	v47 =	vsel vm8, $0x1, v63;
	v48 =	vsel vm9, $0x1, v63;
	v5 =	vor.u32 v44, v6  }
0x15c: {  	p1 =	slt.u32 s28, $0x7E;
	v33 =	vor.u32 v22, v7;
	v44 =	vor.u32 v52, v14;
	v37 =	vperm.xlane v32, v18  }
.Ltmp2:
0x15d: {  	vm2 =	vgt.f32 v36, v19;
	v36 =	vperm.xlane v34, v13;
	v55 =	vsel vm13, $0x1, v63;
	(pc) =	sbr.rel @p1 .LBB2_3-.Ltmp2, $4  }
0x15e: {  	v41 =	vor.u32 v47, v10;
	v40 =	vor.u32 v48, v11;
	v42 =	vsel vm2, $0x1, v63  }
0x15f: {  	vm11 =	vgt.f32 v45, v36;
	v45 =	vsel vm6, $0x1, v63;
	v3 =	vor.u32 v42, v3  }
0x160: {  	v36 =	vor.u32 v46, v9;
	v46 =	vor.u32 v55, v16;
	v51 =	vsel vm11, $0x1, v63  }
0x161: {  	v35 =	vor.u32 v45, v8;
	v45 =	vor.u32 v53, v15;
	v42 =	vor.u32 v51, v13  }
0x162: {  	v1 =	vperm.xlane v32, v1  }
0x163: {  	v3 =	vperm.xlane v32, v3;
	v2 =	vperm.xlane v32, v2  }
0x164: {  	v5 =	vperm.xlane v32, v5;
	v6 =	vperm.xlane v32, v33  }
0x165: {  	v7 =	vperm.xlane v32, v35;
	v8 =	vperm.xlane v32, v36  }
0x166: {  	v9 =	vperm.xlane v32, v41;
	v10 =	vperm.xlane v32, v40  }
0x167: {  	v11 =	vperm.xlane v32, v43;
	v12 =	vperm.xlane v32, v42  }
0x168: {  	v13 =	vperm.xlane v32, v44;
	v14 =	vperm.xlane v32, v45  }
0x169: {  	v15 =	vperm.xlane v32, v46;
	v16 =	vperm.xlane v37, v0  }
0x16a: {  	v17 =	vperm.xlane v1, v0;
	v18 =	vperm.xlane v3, v0  }
0x16b: {  	v4 =	vld [tilespmem:$0x1FF30];
	v19 =	vperm.xlane v2, v0;
	v20 =	vperm.xlane v5, v0  }
0x16c: {  	v31 =	vld [tilespmem:$0x1FF40];
	v21 =	vperm.xlane v6, v0;
	v22 =	vperm.xlane v7, v0  }
0x16d: {  	v41 =	vld [tilespmem:$0x1FF50];
	v23 =	vperm.xlane v8, v0;
	v24 =	vperm.xlane v9, v0  }
0x16e: {  	v42 =	vld [tilespmem:$0x1FF60];
	v25 =	vperm.xlane v10, v0;
	v26 =	vperm.xlane v11, v0  }
0x16f: {  	v44 =	vld [tilespmem:$0x1FF70];
	v27 =	vperm.xlane v12, v0;
	v28 =	vperm.xlane v13, v0  }
0x170: {  	v45 =	vld [tilespmem:$0x1FF80];
	v29 =	vperm.xlane v14, v0;
	v30 =	vperm.xlane v15, v0  }
0x171: {  	v49 =	vld [tilespmem:$0x1FF10];
	v8 =	vmul.f32 v8, v57;
	v17 =	vmul.f32 v17, v50  }
0x172: {  	v18 =	vmul.f32 v18, v58;
	v25 =	vmul.f32 v25, v50;
	v50 =	vld [tilespmem:$0x1FF20]  }
0x173: {  	v34 =	vld [tilespmem:$0x1FF90];
	v19 =	vmul.f32 v19, v59;
	v20 =	vmul.f32 v20, v60  }
0x174: {  	v46 =	vld [tilespmem:$0x1FFA0];
	v23 =	vmul.f32 v23, v54;
	v16 =	vmul.f32 v16, v4  }
0x175: {  	v48 =	vld [tilespmem:$0x1FFC0];
	v21 =	vmul.f32 v21, v31;
	v43 =	vmul.f32 v37, v42  }
0x176: {  	v51 =	vld [tilespmem:$0x1FEB0];
	v29 =	vmul.f32 v29, v31;
	v1 =	vmul.f32 v1, v44  }
0x177: {  	v52 =	vld [tilespmem:$0x1FEC0];
	v3 =	vmul.f32 v3, v45;
	v16 =	vsub.f32 v43, v16;
	v31 =	vmul.f32 v50, v49  }
0x178: {  	v53 =	vld [tilespmem:$0x1FED0];
	v26 =	vmul.f32 v26, v58;
	v27 =	vmul.f32 v27, v59;
	v1 =	vsub.f32 v1, v17  }
0x179: {  	v47 =	vld [tilespmem:$0x1FFB0];
	v28 =	vmul.f32 v28, v60;
	v3 =	vsub.f32 v3, v18;
	v16 =	vmul.f32 v16, v31  }
0x17a: {  	v22 =	vmul.f32 v22, v41;
	v1 =	vmul.f32 v1, v31  }
0x17b: {  	v24 =	vmul.f32 v24, v4;
	v3 =	vmul.f32 v3, v31;
	v16 =	vadd.f32 v16, v51  }
0x17c: {  	v30 =	vmul.f32 v30, v41;
	v2 =	vmul.f32 v2, v34;
	v1 =	vadd.f32 v1, v52  }
0x17d: {  	v5 =	vmul.f32 v5, v46;
	v7 =	vmul.f32 v7, v48;
	v3 =	vadd.f32 v3, v53;
	[tilespmem:s26+$0xFFFFFF80] =	vst v16  }
0x17e: {  	v6 =	vmul.f32 v6, v47;
	v9 =	vmul.f32 v9, v42;
	[tilespmem:s26+$0xFFFFFF90] =	vst v1  }
0x17f: {  	v10 =	vmul.f32 v10, v44;
	v11 =	vmul.f32 v11, v45;
	v7 =	vsub.f32 v7, v22;
	v54 =	vld [tilespmem:$0x1FEE0];
	[tilespmem:s26+$0xFFFFFFA0] =	vst v3  }
0x180: {  	v12 =	vmul.f32 v12, v34;
	v13 =	vmul.f32 v13, v46;
	v2 =	vsub.f32 v2, v19;
	v16 =	vld [tilespmem:$0x1FEF0]  }
0x181: {  	v14 =	vmul.f32 v14, v47;
	v5 =	vsub.f32 v5, v20;
	v7 =	vmul.f32 v7, v31  }
0x182: {  	v15 =	vmul.f32 v15, v48;
	v8 =	vsub.f32 v8, v23;
	v2 =	vmul.f32 v2, v31;
	v57 =	vld [tilespmem:$0x1FF00]  }
0x183: {  	v6 =	vsub.f32 v6, v21;
	v5 =	vmul.f32 v5, v31;
	v7 =	vadd.f32 v7, v61  }
0x184: {  	v55 =	vsub.f32 v10, v25;
	v8 =	vmul.f32 v8, v31;
	v1 =	vadd.f32 v2, v54  }
0x185: {  	v6 =	vmul.f32 v6, v31;
	[tilespmem:s26+$0xFFFFFFE0] =	vst v7;
	v2 =	vsub.f32 v9, v24;
	v3 =	vadd.f32 v5, v16  }
0x186: {  	v8 =	vadd.f32 v8, v62;
	v5 =	vmul.f32 v55, v56;
	[tilespmem:s26+$0xFFFFFFB0] =	vst v1;
	v1 =	vsub.f32 v11, v26  }
0x187: {  	v6 =	vadd.f32 v6, v57;
	v2 =	vmul.f32 v2, v56;
	[tilespmem:s26+$0xFFFFFFC0] =	vst v3;
	v3 =	vsub.f32 v12, v27  }
0x188: {  	v58 =	vsub.f32 v13, v28;
	[tilespmem:s26+$0xFFFFFFF0] =	vst v8;
	v5 =	vadd.f32 v5, v52;
	v1 =	vmul.f32 v1, v56  }
0x189: {  	v59 =	vsub.f32 v14, v29;
	[tilespmem:s26+$0xFFFFFFD0] =	vst v6;
	v2 =	vadd.f32 v2, v51;
	v3 =	vmul.f32 v3, v56  }
0x18a: {  	v60 =	vsub.f32 v15, v30;
	v6 =	vmul.f32 v58, v56;
	[tilespmem:s26+$0x10] =	vst v5;
	v1 =	vadd.f32 v1, v53  }
0x18b: {  	[tilespmem:s26+$0x0] =	vst v2;
	v2 =	vmul.f32 v59, v56;
	v3 =	vadd.f32 v3, v54  }
0x18c: {  	p1 =	sne.s32 s23, $0x7;
	v62 =	vmul.f32 v60, v56;
	[tilespmem:s26+$0x20] =	vst v1;
	v1 =	vadd.f32 v6, v16  }
.Ltmp3:
0x18d: {  	v2 =	vadd.f32 v2, v57;
	[tilespmem:s26+$0x30] =	vst v3;
	(pc) =	sbr.rel @p1 .LBB2_6-.Ltmp3, $4  }
0x18e: {  	[tilespmem:s26+$0x40] =	vst v1;
	v1 =	vadd.f32 v62, v61  }
0x18f: {  	s25 =	sshll.u32 s23, $0xC;
	[tilespmem:s26+$0x50] =	vst v2  }
0x190: {  	s25 =	sadd.s32 s25, s9;
	[tilespmem:s26+$0x60] =	vst v1  }
0x191: {  	[hbm4b:s25+s4] =	stream.linear.scatter [tilespmem:s17], [sflag:$0x3], $0x4000, $0x38;
	[tilespmem:$0x10200] =	vst v63  }
.Ltmp4:
0x192: {  	(pc) =	sbr.rel .LBB2_7-.Ltmp4, $4  }
0x193: {  	_ = 	snop  }
0x194: {  	_ =	swait.ge [sflag:s18], $0x4000  }
0x195: {  	[sflag:s18] =	ssyncset.done $0x0  }
0x196: {  	v9 =	vld [tilespmem:$0x1FFF0];
	[sflag:s18] =	ssyncadd.s32 $0xFFFFC000  }
.LBB2_6:
0x197: {  	s25 =	sadd.s32 s24, s10  }
0x198: {  	s25 =	sshll.u32 s25, $0x4  }
.Ltmp5:
0x199: {  	s25 =	sadd.s32 s0, s25;
	(pc) =	sbr.rel @p0 .LBB2_8-.Ltmp5, $4  }
0x19a: {  	[tilespmem:s4], [sflag:$0x1] =	stream.linear.gather [hbm4b:s25+s4], $0x4000, $0x38;
	[tilespmem:$0x10200] =	vst v63  }
0x19b: {  	_ =	swait.ge [sflag:s18], $0x4000  }
0x19c: {  	[sflag:s18] =	ssyncset.done $0x0  }
0x19d: {  	v9 =	vld [tilespmem:$0x1FFF0];
	[sflag:s18] =	ssyncadd.s32 $0xFFFFC000  }
.LBB2_7:
0x19e: {  	_ =	swait.ge [sflag:s19], $0x4000  }
0x19f: {  	[sflag:s19] =	ssyncset.done $0x0  }
0x1a0: {  	[sflag:s19] =	ssyncadd.s32 $0xFFFFC000  }
.LBB2_8:
0x1a1: {  	v23 =	vld [tilespmem:$0x10100]  }
0x1a2: {  	v26 =	vld [tilespmem:$0x10110]  }
0x1a3: {  	v29 =	vld [tilespmem:$0x10120]  }
0x1a4: {  	v12 =	vld [tilespmem:$0x10130]  }
0x1a5: {  	v11 =	vld [tilespmem:$0x10140]  }
0x1a6: {  	v10 =	vld [tilespmem:$0x10150]  }
0x1a7: {  	v61 =	vld [tilespmem:$0x10160]  }
0x1a8: {  	s25 =	simm.s32 $0x4080;
	v62 =	vld [tilespmem:$0x10170]  }
0x1a9: {  	v1 =	vld [tilespmem:s25+$0x0]  }
0x1aa: {  	v2 =	vld [tilespmem:s25+$0x10]  }
0x1ab: {  	v3 =	vld [tilespmem:s25+$0x20]  }
0x1ac: {  	v5 =	vld [tilespmem:s25+$0x30]  }
0x1ad: {  	v6 =	vld [tilespmem:s25+$0x40]  }
0x1ae: {  	v7 =	vld [tilespmem:s25+$0x50]  }
0x1af: {  	v8 =	vld [tilespmem:s25+$0x60]  }
0x1b0: {  	v13 =	vld [tilespmem:s25+$0x70]  }
0x1b1: {  	v14 =	vld [tilespmem:s25+$0xFFFFFF80]  }
0x1b2: {  	v15 =	vld [tilespmem:s25+$0xFFFFFF90];
	v1 =	vsub.f32 v1, v23  }
0x1b3: {  	v16 =	vld [tilespmem:s25+$0xFFFFFFA0];
	v2 =	vsub.f32 v2, v26;
	v3 =	vsub.f32 v3, v29  }
0x1b4: {  	v19 =	vld [tilespmem:s25+$0xFFFFFFB0];
	v5 =	vsub.f32 v5, v12;
	v6 =	vsub.f32 v6, v11  }
0x1b5: {  	v22 =	vld [tilespmem:s25+$0xFFFFFFC0];
	v7 =	vsub.f32 v7, v10;
	v8 =	vsub.f32 v8, v61  }
0x1b6: {  	[tilespmem:$0x1FCA0] =	vst v23;
	v20 =	vsub.f32 v13, v62;
	v23 =	vsub.f32 v14, v23  }
0x1b7: {  	v25 =	vld [tilespmem:s25+$0xFFFFFFD0];
	[tilespmem:$0x1FCB0] =	vst v26;
	v26 =	vsub.f32 v15, v26;
	v17 =	vmul.f32 v1, v1;
	v18 =	vmul.f32 v2, v2  }
0x1b8: {  	v16 =	vsub.f32 v16, v29;
	v53 =	vmul.f32 v3, v3;
	v21 =	vmul.f32 v5, v5  }
0x1b9: {  	v19 =	vsub.f32 v19, v12;
	v28 =	vld [tilespmem:s25+$0xFFFFFFE0];
	v54 =	vmul.f32 v6, v6;
	v24 =	vmul.f32 v7, v7  }
0x1ba: {  	v22 =	vsub.f32 v22, v11;
	v56 =	vld [tilespmem:s25+$0xFFFFFFF0];
	v55 =	vmul.f32 v8, v8;
	v27 =	vmul.f32 v20, v20  }
0x1bb: {  	v17 =	vadd.f32 v18, v17;
	v13 =	vadd.f32 v21, v53  }
0x1bc: {  	v14 =	vadd.f32 v24, v54;
	v15 =	vadd.f32 v27, v55  }
0x1bd: {  	v57 =	vmul.f32 v26, v26;
	v58 =	vmul.f32 v16, v16;
	v24 =	vsub.f32 v25, v10  }
0x1be: {  	v59 =	vmul.f32 v19, v19;
	v13 =	vadd.f32 v13, v17;
	v14 =	vadd.f32 v15, v14  }
0x1bf: {  	v21 =	vmul.f32 v23, v23;
	v25 =	vsub.f32 v28, v61;
	v27 =	vsub.f32 v56, v62  }
0x1c0: {  	[tilespmem:$0x1FCF0] =	vst v10;
	v60 =	vmul.f32 v22, v22;
	v10 =	vmul.f32 v24, v24;
	v13 =	vadd.f32 v14, v13  }
0x1c1: {  	v4 =	vld [tilespmem:$0x1FFD0];
	v15 =	vadd.f32 v57, v21;
	v30 =	vmul.f32 v25, v25;
	v21 =	vmul.f32 v27, v27  }
0x1c2: {  	[tilespmem:$0x1FCE0] =	vst v11;
	v14 =	vadd.f32 v59, v58;
	v11 =	vperm.xlane v13, v0  }
0x1c3: {  	v31 =	vadd.f32 v10, v60;
	v32 =	vadd.f32 v21, v30  }
0x1c4: {  	v13 =	vadd.f32 v13, v11  }
0x1c5: {  	v14 =	vadd.f32 v14, v15;
	v33 =	vadd.f32 v32, v31  }
0x1c6: {  	v21 =	vperm.xlane v13, v4  }
0x1c7: {  	v14 =	vadd.f32 v33, v14  }
0x1c8: {  	v13 =	vadd.f32 v13, v21  }
0x1c9: {  	v36 =	vld [tilespmem:$0x1FFE0];
	v35 =	vperm.xlane v14, v0  }
0x1ca: {  	v34 =	vperm.xlane v13, v9  }
0x1cb: {  	v14 =	vadd.f32 v14, v35  }
0x1cc: {  	v13 =	vadd.f32 v13, v34  }
0x1cd: {  	v17 =	vperm.xlane v14, v4  }
0x1ce: {  	v15 =	vperm.xlane v13, v36  }
0x1cf: {  	v14 =	vadd.f32 v14, v17  }
0x1d0: {  	v13 =	vadd.f32 v13, v15  }
0x1d1: {  	v37 =	vperm.xlane v14, v9  }
0x1d2: {  	v31 =	vmax.f32 v13, $1.000000020e-16  }
0x1d3: {  	v13 =	vadd.f32 v14, v37;
	v38 =	vshra.s32 v31, $0x1;
	v39 =	vmul.f32 $5.000000000e-01, v31  }
0x1d4: {  	v15 =	vsub.s32 $0x5F3759DF, v38  }
0x1d5: {  	v41 =	vperm.xlane v13, v36;
	v40 =	vmul.f32 v15, v39;
	_ =	sdelay $0x1  }
0x1d6: {  	v13 =	vadd.f32 v13, v41;
	v14 =	vmul.f32 v15, v40;
	_ =	sdelay $0x1  }
0x1d7: {  	v42 =	vmax.f32 v13, $1.000000020e-16;
	v14 =	vsub.f32 $1.500000000e+00, v14  }
0x1d8: {  	v43 =	vshra.s32 v42, $0x1;
	v44 =	vmul.f32 $5.000000000e-01, v42  }
0x1d9: {  	v21 =	vsub.s32 $0x5F3759DF, v43;
	v15 =	vmul.f32 v15, v14  }
0x1da: {  	v46 =	vmul.f32 v21, v44  }
0x1db: {  	v45 =	vmul.f32 v15, v39  }
0x1dc: {  	v17 =	vmul.f32 v21, v46  }
0x1dd: {  	v14 =	vmul.f32 v45, v15  }
0x1de: {  	v17 =	vsub.f32 $1.500000000e+00, v17  }
0x1df: {  	v47 =	vsub.f32 $1.500000000e+00, v14  }
0x1e0: {  	[tilespmem:$0x1FCC0] =	vst v29;
	v51 =	vmul.f32 v21, v17  }
0x1e1: {  	[tilespmem:$0x1FCD0] =	vst v12;
	v34 =	vmul.f32 v47, v15  }
0x1e2: {  	[tilespmem:$0x1FD00] =	vst v42;
	v18 =	vmul.f32 v51, v44  }
0x1e3: {  	v50 =	vld [tilespmem:$0x10070];
	v35 =	vmul.f32 v34, v1;
	v1 =	vmul.f32 v34, v20  }
0x1e4: {  	v2 =	vmul.f32 v34, v2;
	v3 =	vmul.f32 v34, v3  }
0x1e5: {  	v18 =	vmul.f32 v18, v51;
	v5 =	vmul.f32 v34, v5  }
0x1e6: {  	v54 =	vld [tilespmem:$0x100F0];
	v6 =	vmul.f32 v34, v6;
	v7 =	vmul.f32 v34, v7  }
0x1e7: {  	v59 =	vld [tilespmem:$0x100A0];
	v8 =	vmul.f32 v34, v8;
	v20 =	vperm.xlane v1, v0  }
0x1e8: {  	v1 =	vmul.f32 v1, v50;
	v18 =	vsub.f32 $1.500000000e+00, v18;
	v28 =	vperm.xlane v35, v0  }
0x1e9: {  	v30 =	vperm.xlane v2, v0;
	v37 =	vperm.xlane v3, v0  }
0x1ea: {  	v36 =	vld [tilespmem:$0x101A0];
	v38 =	vperm.xlane v5, v0;
	v53 =	vmul.f32 v18, v51  }
0x1eb: {  	v33 =	vld [tilespmem:$0x10180];
	v52 =	vperm.xlane v6, v0;
	v20 =	vmul.f32 v20, v54  }
0x1ec: {  	v57 =	vld [tilespmem:$0x10080];
	v37 =	vmul.f32 v37, v59;
	v39 =	vmul.f32 v53, v23  }
0x1ed: {  	v58 =	vld [tilespmem:$0x10090];
	v40 =	vmul.f32 v53, v26;
	v41 =	vmul.f32 v53, v16;
	[tilespmem:$0x1FD10] =	vst v53  }
0x1ee: {  	v42 =	vmul.f32 v53, v19;
	v43 =	vmul.f32 v53, v22;
	v60 =	vld [tilespmem:$0x100B0]  }
0x1ef: {  	v44 =	vmul.f32 v53, v24;
	v45 =	vmul.f32 v53, v25;
	v17 =	vld [tilespmem:$0x100C0]  }
0x1f0: {  	v1 =	vadd.f32 v1, v20;
	v46 =	vmul.f32 v53, v27;
	v53 =	vperm.xlane v7, v0;
	v18 =	vld [tilespmem:$0x100D0]  }
0x1f1: {  	v19 =	vld [tilespmem:$0x100E0];
	v25 =	vperm.xlane v39, v0;
	v56 =	vperm.xlane v41, v0  }
0x1f2: {  	v20 =	vld [tilespmem:$0x10000];
	vm0 =	vgt.f32 v1, v36;
	v12 =	vperm.xlane v42, v0;
	v51 =	vperm.xlane v46, v0  }
0x1f3: {  	v21 =	vld [tilespmem:$0x10010];
	v13 =	vperm.xlane v43, v0;
	v48 =	vperm.xlane v44, v0;
	v23 =	vsel vm0, $0x4, v63  }
0x1f4: {  	v22 =	vld [tilespmem:$0x10020];
	v14 =	vperm.xlane v45, v0;
	v55 =	vor.u32 $0x1, v23;
	v51 =	vmul.f32 v51, v54  }
0x1f5: {  	v24 =	vld [tilespmem:$0x10040];
	v16 =	vperm.xlane v33, v55;
	v55 =	vmul.f32 v56, v59  }
0x1f6: {  	v56 =	vmul.f32 v13, v17;
	v48 =	vmul.f32 v48, v18  }
0x1f7: {  	v9 =	vmul.f32 v14, v19;
	v38 =	vmul.f32 v38, v60  }
0x1f8: {  	v52 =	vmul.f32 v52, v17;
	v53 =	vmul.f32 v53, v18;
	vm11 =	vgt.f32 v1, v16  }
0x1f9: {  	v27 =	vmul.f32 v40, v21;
	v35 =	vmul.f32 v35, v20;
	v11 =	vsel vm11, $0x2, v63  }
0x1fa: {  	v3 =	vmul.f32 v3, v22;
	v13 =	vmul.f32 v6, v24;
	v47 =	vor.u32 v11, v23  }
0x1fb: {  	v32 =	vld [tilespmem:$0x10190];
	v16 =	vperm.xlane v40, v0;
	v49 =	vperm.xlane v33, v47  }
0x1fc: {  	v2 =	vmul.f32 v2, v21;
	v6 =	vadd.f32 v3, v37;
	v3 =	vadd.f32 v13, v52;
	v23 =	vld [tilespmem:$0x10030]  }
0x1fd: {  	v4 =	vmul.f32 v16, v58;
	v11 =	vmul.f32 v28, v57;
	vm12 =	vgt.f32 v1, v49  }
0x1fe: {  	v49 =	vmul.f32 v25, v57;
	v1 =	vperm.xlane v8, v0;
	v15 =	vsel vm12, $0x1, v63  }
0x1ff: {  	v25 =	vor.u32 v15, v47;
	v47 =	vmul.f32 v12, v60;
	v15 =	vmul.f32 v30, v58  }
0x200: {  	vm0 =	vgt.f32 v6, v36;
	v12 =	vmul.f32 v34, v31;
	v16 =	vperm.xlane v32, v25  }
0x201: {  	v29 =	vmul.f32 v42, v23;
	v30 =	vmul.f32 v43, v24;
	v34 =	vadd.f32 v35, v11;
	v25 =	vld [tilespmem:$0x10050]  }
0x202: {  	vm2 =	vgt.f32 v3, v36;
	v5 =	vmul.f32 v5, v23;
	v26 =	vperm.xlane v16, v0  }
0x203: {  	v42 =	vadd.f32 v56, v30;
	vm12 =	vgt.f32 v34, v36;
	v28 =	vmul.f32 v16, v50  }
0x204: {  	v16 =	vmul.f32 v1, v19;
	v52 =	vsel vm12, $0x4, v63;
	v10 =	vmul.f32 v26, v54  }
0x205: {  	vm8 =	vgt.f32 v42, v36;
	v26 =	vld [tilespmem:$0x10060];
	[tilespmem:$0x1FD40] =	vst v19;
	v19 =	vmul.f32 v39, v20;
	v39 =	vadd.f32 v4, v27  }
0x206: {  	v31 =	vmul.f32 v44, v25;
	v7 =	vmul.f32 v7, v25;
	v1 =	vsub.f32 v28, v10  }
0x207: {  	v28 =	vmul.f32 v41, v22;
	v41 =	vadd.f32 v49, v19;
	v10 =	vmul.f32 v46, v50  }
0x208: {  	v46 =	vadd.f32 v47, v29;
	vm5 =	vgt.f32 v39, v36;
	v47 =	vsel vm8, $0x4, v63  }
0x209: {  	v43 =	vadd.f32 v48, v31;
	v7 =	vadd.f32 v7, v53;
	v27 =	vor.u32 $0x1, v47  }
0x20a: {  	v40 =	vadd.f32 v55, v28;
	vm3 =	vgt.f32 v41, v36;
	vm7 =	vgt.f32 v46, v36  }
0x20b: {  	v1 =	vmul.f32 v1, v12;
	v49 =	vmul.f32 v45, v26;
	v45 =	vadd.f32 v51, v10  }
0x20c: {  	v14 =	vmul.f32 v8, v26;
	v8 =	vadd.f32 v2, v15;
	v2 =	vadd.f32 v5, v38  }
0x20d: {  	vm9 =	vgt.f32 v43, v36;
	v15 =	vsel vm3, $0x4, v63;
	vm3 =	vgt.f32 v7, v36  }
0x20e: {  	[tilespmem:$0x1FD30] =	vst v18;
	v18 =	vsel vm7, $0x4, v63;
	vm6 =	vgt.f32 v40, v36;
	v48 =	vsel vm9, $0x4, v63  }
0x20f: {  	[tilespmem:$0x1FDB0] =	vst v26;
	v19 =	vor.u32 $0x1, v15;
	v26 =	vor.u32 $0x1, v18;
	v44 =	vadd.f32 v9, v49  }
0x210: {  	v5 =	vadd.f32 v14, v16;
	vm11 =	vgt.f32 v45, v36;
	vm13 =	vgt.f32 v8, v36  }
0x211: {  	[tilespmem:$0x1FD20] =	vst v17;
	vm1 =	vgt.f32 v2, v36;
	v16 =	vsel vm5, $0x4, v63;
	v17 =	vsel vm6, $0x4, v63  }
0x212: {  	[tilespmem:$0x1FD90] =	vst v24;
	v51 =	vperm.xlane v33, v19;
	v28 =	vor.u32 $0x1, v48;
	v9 =	vsel vm11, $0x4, v63  }
0x213: {  	[tilespmem:$0x1FDA0] =	vst v25;
	v24 =	vor.u32 $0x1, v16;
	v4 =	vsel vm13, $0x4, v63;
	v25 =	vor.u32 $0x1, v17  }
0x214: {  	vm10 =	vgt.f32 v44, v36;
	vm4 =	vgt.f32 v5, v36;
	v53 =	vperm.xlane v33, v24  }
0x215: {  	vm13 =	vgt.f32 v41, v51;
	v55 =	vperm.xlane v33, v25;
	v51 =	vperm.xlane v33, v26  }
0x216: {  	v26 =	vor.u32 $0x1, v9;
	v49 =	vsel vm10, $0x4, v63;
	v29 =	vsel vm13, $0x2, v63  }
0x217: {  	vm6 =	vgt.f32 v39, v53;
	vm14 =	vgt.f32 v40, v55;
	v53 =	vperm.xlane v33, v27  }
0x218: {  	v55 =	vperm.xlane v33, v28;
	vm15 =	vgt.f32 v46, v51;
	v30 =	vor.u32 $0x1, v49  }
0x219: {  	v35 =	vor.u32 v15, v29;
	v51 =	vsel vm0, $0x4, v63;
	v28 =	vor.u32 $0x1, v52  }
0x21a: {  	v29 =	vor.u32 $0x1, v4;
	v31 =	vsel vm6, $0x2, v63;
	v10 =	vperm.xlane v33, v35  }
0x21b: {  	v11 =	vsel vm14, $0x2, v63;
	v14 =	vsel vm15, $0x2, v63;
	vm12 =	vgt.f32 v42, v53  }
0x21c: {  	vm13 =	vgt.f32 v43, v55;
	v36 =	vor.u32 v16, v31;
	v53 =	vperm.xlane v33, v30  }
0x21d: {  	v37 =	vor.u32 v17, v11;
	v38 =	vor.u32 v18, v14;
	v30 =	vor.u32 $0x1, v51  }
0x21e: {  	vm0 =	vgt.f32 v41, v10;
	v13 =	vperm.xlane v33, v36;
	v15 =	vperm.xlane v33, v37  }
0x21f: {  	v10 =	vsel vm2, $0x4, v63;
	v16 =	vsel vm12, $0x2, v63;
	v17 =	vsel vm13, $0x2, v63  }
0x220: {  	v18 =	vperm.xlane v33, v38;
	vm14 =	vgt.f32 v44, v53;
	v53 =	vsel vm1, $0x4, v63  }
0x221: {  	v41 =	vor.u32 v47, v16;
	v47 =	vsel vm3, $0x4, v63;
	v55 =	vor.u32 $0x1, v10  }
0x222: {  	vm1 =	vgt.f32 v39, v13;
	vm2 =	vgt.f32 v40, v15;
	v39 =	vor.u32 v48, v17  }
0x223: {  	v19 =	vsel vm14, $0x2, v63;
	vm3 =	vgt.f32 v46, v18;
	v24 =	vperm.xlane v33, v41  }
0x224: {  	v46 =	vsel vm4, $0x4, v63;
	v40 =	vperm.xlane v33, v26;
	v31 =	vor.u32 $0x1, v53  }
0x225: {  	v13 =	vor.u32 $0x1, v47;
	v48 =	vor.u32 v49, v19;
	v25 =	vperm.xlane v33, v39  }
0x226: {  	v49 =	vperm.xlane v33, v29;
	v15 =	vor.u32 $0x1, v46;
	vm4 =	vgt.f32 v42, v24  }
0x227: {  	v27 =	vperm.xlane v33, v48;
	vm15 =	vgt.f32 v45, v40;
	v42 =	vperm.xlane v33, v30  }
0x228: {  	v40 =	vperm.xlane v33, v55;
	vm5 =	vgt.f32 v43, v25;
	v43 =	vperm.xlane v33, v28  }
0x229: {  	vm9 =	vgt.f32 v8, v49;
	v14 =	vsel vm15, $0x2, v63;
	vm6 =	vgt.f32 v44, v27  }
0x22a: {  	v44 =	vperm.xlane v33, v31;
	v49 =	vor.u32 v9, v14;
	v9 =	vperm.xlane v33, v15  }
0x22b: {  	vm10 =	vgt.f32 v6, v42;
	vm12 =	vgt.f32 v3, v40;
	v18 =	vsel vm9, $0x2, v63  }
0x22c: {  	vm8 =	vgt.f32 v34, v43;
	v43 =	vperm.xlane v33, v13;
	v16 =	vperm.xlane v33, v49  }
0x22d: {  	v19 =	vsel vm10, $0x2, v63;
	v42 =	vor.u32 v18, v4;
	v24 =	vsel vm12, $0x2, v63  }
0x22e: {  	vm11 =	vgt.f32 v2, v44;
	vm14 =	vgt.f32 v5, v9;
	v17 =	vsel vm8, $0x2, v63  }
0x22f: {  	v27 =	vperm.xlane v33, v42;
	vm13 =	vgt.f32 v7, v43;
	vm7 =	vgt.f32 v45, v16  }
0x230: {  	v40 =	vor.u32 v17, v52;
	v44 =	vsel vm11, $0x2, v63;
	v43 =	vor.u32 v19, v51  }
0x231: {  	v26 =	vsel vm14, $0x2, v63;
	v45 =	vor.u32 v24, v10;
	v25 =	vsel vm13, $0x2, v63  }
0x232: {  	v44 =	vor.u32 v44, v53;
	v52 =	vperm.xlane v33, v40;
	v46 =	vor.u32 v26, v46  }
0x233: {  	v28 =	vperm.xlane v33, v43;
	vm9 =	vgt.f32 v8, v27;
	v30 =	vperm.xlane v33, v45  }
0x234: {  	v47 =	vor.u32 v25, v47;
	v29 =	vperm.xlane v33, v44;
	vm8 =	vgt.f32 v34, v52  }
0x235: {  	v31 =	vperm.xlane v33, v47;
	vm10 =	vgt.f32 v6, v28;
	v6 =	vperm.xlane v33, v46  }
0x236: {  	vm12 =	vgt.f32 v3, v30;
	v3 =	vsel vm2, $0x1, v63;
	vm11 =	vgt.f32 v2, v29  }
0x237: {  	v2 =	vsel vm1, $0x1, v63;
	v3 =	vor.u32 v3, v37;
	v37 =	vsel vm5, $0x1, v63  }
0x238: {  	v52 =	vsel vm12, $0x1, v63;
	vm13 =	vgt.f32 v7, v31;
	v7 =	vadd.f32 v1, v62  }
0x239: {  	vm14 =	vgt.f32 v5, v6;
	v1 =	vsel vm0, $0x1, v63;
	v5 =	vsel vm4, $0x1, v63  }
0x23a: {  	v33 =	vor.u32 v37, v39;
	v39 =	vsel vm7, $0x1, v63;
	v51 =	vsel vm11, $0x1, v63  }
0x23b: {  	v6 =	vor.u32 v1, v35;
	v1 =	vor.u32 v2, v36;
	v2 =	vsel vm3, $0x1, v63  }
0x23c: {  	v5 =	vor.u32 v5, v41;
	v41 =	vsel vm8, $0x1, v63;
	v36 =	vor.u32 v39, v49  }
0x23d: {  	[tilespmem:$0x1FD50] =	vst v20;
	v53 =	vmovc v62;
	v49 =	vsel vm10, $0x1, v63;
	v55 =	vsel vm13, $0x1, v63;
	v62 =	vsel vm14, $0x1, v63  }
0x23e: {  	[tilespmem:$0x1FD60] =	vst v21;
	v2 =	vor.u32 v2, v38;
	v38 =	vsel vm6, $0x1, v63;
	v41 =	vor.u32 v41, v40  }
0x23f: {  	v56 =	vmovc v12;
	[tilespmem:$0x1FD70] =	vst v22;
	v43 =	vor.u32 v49, v43;
	v35 =	vor.u32 v38, v48;
	v48 =	vsel vm9, $0x1, v63  }
0x240: {  	s26 =	simm.s32 $0xC080;
	[tilespmem:$0x1FD80] =	vst v23;
	v46 =	vor.u32 v62, v46;
	v22 =	vperm.xlane v32, v6;
	v40 =	vor.u32 v48, v42  }
0x241: {  	s28 =	simm.s32 $0x0;
	[tilespmem:s26+$0x70] =	vst v7;
	v42 =	vor.u32 v51, v44;
	v44 =	vor.u32 v52, v45;
	v45 =	vor.u32 v55, v47  }
.LBB2_9:
0x242: {  	v16 =	vld [tilespmem:$0x10100]  }
0x243: {  	v15 =	vld [tilespmem:$0x10110]  }
0x244: {  	v37 =	vld [tilespmem:$0x10120]  }
0x245: {  	v39 =	vld [tilespmem:$0x10130]  }
0x246: {  	v6 =	vperm.xlane v32, v1;
	v7 =	vperm.xlane v32, v3;
	v38 =	vld [tilespmem:$0x10140]  }
0x247: {  	[tilespmem:$0x1FBE0] =	vst v53;
	v8 =	vperm.xlane v32, v2;
	v5 =	vperm.xlane v32, v5;
	v53 =	vld [tilespmem:$0x10150]  }
0x248: {  	v4 =	vperm.xlane v32, v33;
	v2 =	vperm.xlane v32, v35;
	v52 =	vld [tilespmem:$0x10160]  }
0x249: {  	v3 =	vperm.xlane v32, v36;
	v62 =	vperm.xlane v32, v41;
	v20 =	vld [tilespmem:$0x10170]  }
0x24a: {  	v23 =	vperm.xlane v32, v40;
	v24 =	vperm.xlane v32, v43;
	s25 =	sadd.s32 $0x100, s25;
	v55 =	vld [tilespmem:$0x1FD30]  }
0x24b: {  	v25 =	vperm.xlane v32, v42;
	v33 =	vperm.xlane v32, v44;
	v30 =	vld [tilespmem:s25+$0x0]  }
0x24c: {  	v34 =	vperm.xlane v32, v45;
	v32 =	vperm.xlane v32, v46;
	v26 =	vld [tilespmem:s25+$0x10]  }
0x24d: {  	v28 =	vperm.xlane v22, v0;
	v48 =	vld [tilespmem:s25+$0x20];
	v29 =	vperm.xlane v6, v0  }
0x24e: {  	[tilespmem:$0x1FBC0] =	vst v61;
	v49 =	vld [tilespmem:s25+$0x30];
	v31 =	vperm.xlane v7, v0;
	v61 =	vperm.xlane v8, v0  }
0x24f: {  	[tilespmem:$0x1FBA0] =	vst v50;
	v50 =	vld [tilespmem:s25+$0x40];
	v46 =	vperm.xlane v5, v0;
	v47 =	vperm.xlane v4, v0  }
0x250: {  	v14 =	vld [tilespmem:s25+$0x50];
	v51 =	vperm.xlane v2, v0;
	v9 =	vperm.xlane v3, v0  }
0x251: {  	v19 =	vld [tilespmem:s25+$0x60];
	v10 =	vperm.xlane v62, v0;
	v11 =	vperm.xlane v23, v0  }
0x252: {  	v40 =	vld [tilespmem:s25+$0x70];
	v12 =	vperm.xlane v24, v0;
	v13 =	vperm.xlane v25, v0  }
0x253: {  	v41 =	vld [tilespmem:s25+$0xFFFFFF80];
	v17 =	vperm.xlane v33, v0;
	v18 =	vperm.xlane v34, v0  }
0x254: {  	v1 =	vmovc v54;
	v45 =	vld [tilespmem:s25+$0xFFFFFF90];
	v36 =	vmul.f32 v28, v57;
	v35 =	vmul.f32 v29, v58;
	v29 =	vsub.f32 v30, v16  }
0x255: {  	v54 =	vmovc v56;
	v43 =	vmul.f32 v31, v59;
	v26 =	vsub.f32 v26, v15;
	v27 =	vsub.f32 v48, v37  }
0x256: {  	v42 =	vmul.f32 v61, v60;
	[tilespmem:$0x1FC50] =	vst v15;
	v28 =	vsub.f32 v49, v39;
	v30 =	vsub.f32 v50, v38  }
0x257: {  	v61 =	vld [tilespmem:$0x1FD20];
	v31 =	vsub.f32 v14, v53;
	v14 =	vmul.f32 v47, v55;
	v50 =	vsub.f32 v19, v52;
	[tilespmem:$0x1FBB0] =	vst v29  }
0x258: {  	v47 =	vld [tilespmem:s25+$0xFFFFFFB0];
	v56 =	vsub.f32 v40, v20;
	v40 =	vsub.f32 v41, v16;
	[tilespmem:$0x1FBF0] =	vst v27;
	v19 =	vmul.f32 v29, v29  }
0x259: {  	v41 =	vsub.f32 v45, v15;
	v15 =	vld [tilespmem:s25+$0xFFFFFFF0];
	[tilespmem:$0x1FC00] =	vst v28;
	v48 =	vmul.f32 v26, v26;
	v49 =	vmul.f32 v27, v27  }
0x25a: {  	[tilespmem:$0x1FC10] =	vst v30;
	v27 =	vmul.f32 v28, v28;
	v28 =	vld [tilespmem:s25+$0xFFFFFFD0];
	v29 =	vmul.f32 v30, v30  }
0x25b: {  	[tilespmem:$0x1FC20] =	vst v31;
	v30 =	vmul.f32 v31, v31;
	v31 =	vld [tilespmem:s25+$0xFFFFFFE0];
	v45 =	vmul.f32 v50, v50  }
0x25c: {  	[tilespmem:$0x1FC30] =	vst v16;
	v16 =	vmul.f32 v56, v56;
	v44 =	vmul.f32 v46, v61;
	v46 =	vld [tilespmem:s25+$0xFFFFFFA0];
	v19 =	vadd.f32 v48, v19  }
0x25d: {  	v21 =	vperm.xlane v32, v0;
	[tilespmem:$0x1FBD0] =	vst v26;
	v26 =	vld [tilespmem:s25+$0xFFFFFFC0];
	v27 =	vadd.f32 v27, v49;
	v29 =	vadd.f32 v30, v29  }
0x25e: {  	v12 =	vmul.f32 v12, v59;
	[tilespmem:$0x1FC70] =	vst v39;
	v30 =	vadd.f32 v16, v45;
	v49 =	vsub.f32 v47, v39;
	v39 =	vld [tilespmem:$0x1FD40]  }
0x25f: {  	[tilespmem:$0x1FC40] =	vst v50;
	v50 =	vmul.f32 v40, v40;
	v48 =	vmul.f32 v41, v41;
	v19 =	vadd.f32 v27, v19  }
0x260: {  	v27 =	vadd.f32 v30, v29;
	v29 =	vmul.f32 v9, v1;
	v47 =	vsub.f32 v31, v52  }
0x261: {  	v9 =	vsub.f32 v28, v53;
	v28 =	vmul.f32 v49, v49;
	v16 =	vsub.f32 v46, v37  }
0x262: {  	v59 =	vld [tilespmem:$0x1FD80];
	v19 =	vadd.f32 v27, v19;
	v46 =	vsub.f32 v15, v20;
	v30 =	vmul.f32 v47, v47  }
0x263: {  	[tilespmem:$0x1FC80] =	vst v38;
	v45 =	vmul.f32 v51, v39;
	v51 =	vsub.f32 v26, v38;
	v26 =	vmul.f32 v16, v16  }
0x264: {  	[tilespmem:$0x1FC90] =	vst v52;
	v38 =	vmov v53;
	v52 =	vperm.xlane v19, v0;
	v53 =	vmul.f32 v46, v46  }
0x265: {  	v17 =	vmul.f32 v17, v61;
	v61 =	vld [tilespmem:$0x1FD90];
	v31 =	vadd.f32 v48, v50;
	v26 =	vadd.f32 v28, v26  }
0x266: {  	v10 =	vmul.f32 v10, v57;
	v19 =	vadd.f32 v19, v52;
	v52 =	vadd.f32 v53, v30;
	v30 =	vld [tilespmem:$0x1FFD0]  }
0x267: {  	v11 =	vmul.f32 v11, v58;
	v8 =	vmul.f32 v8, v59;
	v28 =	vld [tilespmem:$0x1FD50]  }
0x268: {  	v27 =	vmul.f32 v9, v9;
	v15 =	vmul.f32 v51, v51;
	v26 =	vadd.f32 v26, v31;
	v31 =	vld [tilespmem:$0x1FD60]  }
0x269: {  	v13 =	vmul.f32 v13, v60;
	v21 =	vmul.f32 v21, v39;
	v39 =	vld [tilespmem:$0x1FD70]  }
0x26a: {  	v57 =	vld [tilespmem:$0x1FFF0];
	v8 =	vsub.f32 v8, v42;
	v42 =	vmul.f32 v25, v59;
	v15 =	vadd.f32 v27, v15  }
0x26b: {  	v18 =	vmul.f32 v18, v55;
	v53 =	vperm.xlane v19, v30  }
0x26c: {  	v13 =	vsub.f32 v42, v13;
	v15 =	vadd.f32 v52, v15;
	v55 =	vmul.f32 v22, v28;
	v22 =	vld [tilespmem:$0x1FBA0]  }
0x26d: {  	[tilespmem:$0x1FC60] =	vst v37;
	v5 =	vmul.f32 v5, v61;
	v19 =	vadd.f32 v19, v53;
	v6 =	vmul.f32 v6, v31  }
0x26e: {  	v37 =	vmovc v20;
	v7 =	vmul.f32 v7, v39;
	v15 =	vadd.f32 v15, v26;
	v20 =	vsub.f32 v55, v36;
	v36 =	vld [tilespmem:$0x1FFE0]  }
0x26f: {  	v5 =	vsub.f32 v5, v44;
	v58 =	vperm.xlane v19, v57;
	v6 =	vsub.f32 v6, v35;
	v35 =	vld [tilespmem:$0x1FDA0]  }
0x270: {  	v7 =	vsub.f32 v7, v43;
	v43 =	vmul.f32 v33, v61;
	v60 =	vperm.xlane v15, v0  }
0x271: {  	v3 =	vmul.f32 v3, v22;
	v22 =	vmul.f32 v62, v28;
	v19 =	vadd.f32 v19, v58  }
0x272: {  	v59 =	vld [tilespmem:$0x1FD10];
	v24 =	vmul.f32 v24, v39;
	v23 =	vmul.f32 v23, v31;
	v15 =	vadd.f32 v15, v60  }
0x273: {  	v17 =	vsub.f32 v43, v17;
	v10 =	vsub.f32 v22, v10;
	v22 =	vld [tilespmem:$0x1FD00];
	v26 =	vperm.xlane v19, v36  }
0x274: {  	v11 =	vsub.f32 v23, v11;
	v27 =	vperm.xlane v15, v30;
	v1 =	vmul.f32 v4, v35;
	v4 =	vld [tilespmem:$0x1FDB0]  }
0x275: {  	v12 =	vsub.f32 v24, v12;
	v43 =	vmul.f32 v13, v54;
	v19 =	vadd.f32 v19, v26  }
0x276: {  	v17 =	vmul.f32 v17, v54;
	v11 =	vmul.f32 v11, v54;
	v15 =	vadd.f32 v15, v27  }
0x277: {  	v50 =	vmul.f32 v34, v35;
	v1 =	vsub.f32 v1, v14;
	v31 =	vmax.f32 v19, $1.000000020e-16  }
0x278: {  	v55 =	vperm.xlane v15, v57;
	v19 =	vshra.s32 v31, $0x1;
	v57 =	vmul.f32 $5.000000000e-01, v31  }
0x279: {  	v22 =	vmul.f32 v59, v22;
	v2 =	vmul.f32 v2, v4;
	v19 =	vsub.s32 $0x5F3759DF, v19  }
0x27a: {  	v39 =	vld [tilespmem:$0x1FCB0];
	v14 =	vadd.f32 v15, v55;
	v52 =	vmul.f32 v32, v4;
	v58 =	vmul.f32 v19, v57  }
0x27b: {  	v42 =	vld [tilespmem:$0x1FCC0];
	v3 =	vsub.f32 v3, v29;
	v20 =	vmul.f32 v20, v22;
	v6 =	vmul.f32 v6, v22  }
0x27c: {  	v18 =	vsub.f32 v50, v18;
	v23 =	vperm.xlane v14, v36;
	v15 =	vmul.f32 v19, v58  }
0x27d: {  	v7 =	vmul.f32 v7, v22;
	v8 =	vmul.f32 v8, v22;
	v36 =	vld [tilespmem:$0x1FCA0];
	v2 =	vsub.f32 v2, v45  }
0x27e: {  	v48 =	vld [tilespmem:$0x1FCF0];
	v5 =	vmul.f32 v5, v22;
	v14 =	vadd.f32 v14, v23;
	v15 =	vsub.f32 $1.500000000e+00, v15  }
0x27f: {  	v33 =	vld [tilespmem:$0x1FBC0];
	v1 =	vmul.f32 v1, v22;
	v21 =	vsub.f32 v52, v21;
	v6 =	vadd.f32 v6, v39  }
0x280: {  	v7 =	vadd.f32 v7, v42;
	v23 =	vmax.f32 v14, $1.000000020e-16;
	v60 =	vmul.f32 v19, v15  }
0x281: {  	v2 =	vmul.f32 v2, v22;
	[tilespmem:s26+$0xFFFFFF90] =	vst v6;
	v61 =	vshra.s32 v23, $0x1;
	v62 =	vmul.f32 $5.000000000e-01, v23  }
0x282: {  	v45 =	vld [tilespmem:$0x1FCE0];
	[tilespmem:$0x1FD00] =	vst v23;
	v20 =	vadd.f32 v20, v36;
	v15 =	vsub.s32 $0x5F3759DF, v61;
	v23 =	vmul.f32 v60, v57  }
0x283: {  	v3 =	vmul.f32 v3, v22;
	v58 =	vadd.f32 v1, v48;
	v1 =	vld [tilespmem:$0x1FBB0];
	[tilespmem:s26+$0xFFFFFFA0] =	vst v7;
	v35 =	vmul.f32 v15, v62  }
0x284: {  	v14 =	vmul.f32 v21, v54;
	v21 =	vadd.f32 v2, v33;
	v2 =	vld [tilespmem:$0x1FBE0];
	[tilespmem:s26+$0xFFFFFF80] =	vst v20;
	v22 =	vmul.f32 v23, v60  }
0x285: {  	v10 =	vmul.f32 v10, v54;
	v50 =	vld [tilespmem:$0x10070];
	v23 =	vmul.f32 v15, v35  }
0x286: {  	v18 =	vmul.f32 v18, v54;
	v6 =	vmul.f32 v12, v54;
	v54 =	vld [tilespmem:$0x100F0];
	v20 =	vsub.f32 $1.500000000e+00, v22  }
0x287: {  	v35 =	vld [tilespmem:$0x1FC40];
	v44 =	vsub.f32 $1.500000000e+00, v23  }
0x288: {  	v22 =	vld [tilespmem:$0x1FCD0];
	v7 =	vmul.f32 v20, v60  }
0x289: {  	v13 =	vmul.f32 v15, v44;
	v60 =	vadd.f32 v3, v2;
	v2 =	vld [tilespmem:$0x1FBF0]  }
0x28a: {  	v10 =	vadd.f32 v10, v36;
	v3 =	vld [tilespmem:$0x1FC00];
	v4 =	vmul.f32 v7, v1  }
0x28b: {  	v5 =	vadd.f32 v5, v45;
	v20 =	vmul.f32 v7, v56;
	v59 =	vmul.f32 v13, v62;
	v1 =	vld [tilespmem:$0x1FBD0]  }
0x28c: {  	[tilespmem:s26+$0x0] =	vst v10;
	v62 =	vadd.f32 v6, v42;
	v6 =	vld [tilespmem:$0x1FC20]  }
0x28d: {  	v32 =	vld [tilespmem:$0x1FC30];
	[tilespmem:s26+$0xFFFFFFC0] =	vst v5;
	v8 =	vadd.f32 v8, v22;
	v5 =	vperm.xlane v20, v0;
	v23 =	vmul.f32 v59, v13  }
0x28e: {  	[tilespmem:s26+$0xFFFFFFD0] =	vst v58;
	v44 =	vld [tilespmem:$0x1FC80];
	v61 =	vmul.f32 v20, v50;
	v10 =	vperm.xlane v4, v0  }
0x28f: {  	v42 =	vld [tilespmem:$0x1FC70];
	[tilespmem:s26+$0xFFFFFFB0] =	vst v8;
	v2 =	vmul.f32 v7, v2;
	v3 =	vmul.f32 v7, v3  }
0x290: {  	v8 =	vmul.f32 v7, v35;
	v52 =	vld [tilespmem:$0x101A0];
	[tilespmem:s26+$0xFFFFFFE0] =	vst v21;
	v20 =	vmul.f32 v5, v54;
	v21 =	vsub.f32 $1.500000000e+00, v23  }
0x291: {  	v11 =	vadd.f32 v11, v39;
	v5 =	vld [tilespmem:$0x1FC10];
	v1 =	vmul.f32 v7, v1;
	v6 =	vmul.f32 v7, v6  }
0x292: {  	[tilespmem:s26+$0xFFFFFFF0] =	vst v60;
	v23 =	vld [tilespmem:$0x1FC60];
	v19 =	vperm.xlane v3, v0;
	v36 =	vmul.f32 v21, v13  }
0x293: {  	[tilespmem:s26+$0x10] =	vst v11;
	v34 =	vmov v32;
	v57 =	vld [tilespmem:$0x10080];
	v13 =	vperm.xlane v2, v0;
	v11 =	vperm.xlane v1, v0  }
0x294: {  	v39 =	vadd.f32 v43, v22;
	[tilespmem:s26+$0x20] =	vst v62;
	v58 =	vld [tilespmem:$0x10090];
	v62 =	vperm.xlane v6, v0;
	v12 =	vmul.f32 v36, v16  }
0x295: {  	[tilespmem:$0x1FCA0] =	vst v34;
	v17 =	vadd.f32 v17, v45;
	v59 =	vld [tilespmem:$0x100A0];
	v16 =	vmul.f32 v36, v49;
	v24 =	vmul.f32 v36, v51  }
0x296: {  	[tilespmem:s26+$0x30] =	vst v39;
	v45 =	vmov v44;
	v39 =	vld [tilespmem:$0x100D0];
	v9 =	vmul.f32 v36, v9;
	v25 =	vmul.f32 v36, v47  }
0x297: {  	[tilespmem:$0x1FCE0] =	vst v45;
	v43 =	vmov v42;
	v21 =	vld [tilespmem:$0x1FC50];
	v26 =	vmul.f32 v36, v46;
	v5 =	vmul.f32 v7, v5  }
0x298: {  	[tilespmem:$0x1FCD0] =	vst v43;
	v43 =	vld [tilespmem:$0x10010];
	v47 =	vmov v38;
	v45 =	vperm.xlane v16, v0;
	v46 =	vperm.xlane v24, v0  }
0x299: {  	v34 =	vld [tilespmem:$0x10180];
	v15 =	vadd.f32 v61, v20;
	[tilespmem:$0x1FCF0] =	vst v47;
	v47 =	vperm.xlane v9, v0;
	v55 =	vperm.xlane v25, v0  }
0x29a: {  	v18 =	vadd.f32 v18, v48;
	v60 =	vld [tilespmem:$0x100B0];
	v56 =	vperm.xlane v26, v0;
	v10 =	vmul.f32 v10, v57  }
0x29b: {  	vm0 =	vgt.f32 v15, v52;
	v11 =	vmul.f32 v11, v58;
	v13 =	vmul.f32 v13, v59  }
0x29c: {  	v22 =	vsel vm0, $0x4, v63;
	v62 =	vmul.f32 v62, v39;
	v20 =	vmovc v21;
	v21 =	vmul.f32 v36, v41  }
0x29d: {  	v38 =	vld [tilespmem:$0x100C0];
	v41 =	vmovc v23;
	v23 =	vor.u32 $0x1, v22;
	v1 =	vmul.f32 v1, v43;
	[tilespmem:$0x1FCB0] =	vst v20;
	v20 =	vmul.f32 v36, v40  }
0x29e: {  	[tilespmem:$0x1FD10] =	vst v36;
	v23 =	vperm.xlane v34, v23;
	v36 =	vperm.xlane v5, v0  }
0x29f: {  	[tilespmem:s26+$0x50] =	vst v18;
	v42 =	vld [tilespmem:$0x10000];
	v18 =	vmul.f32 v45, v60;
	v28 =	vmul.f32 v47, v39  }
0x2a0: {  	[tilespmem:$0x1FCC0] =	vst v41;
	v40 =	vld [tilespmem:$0x100E0];
	v41 =	vmul.f32 v56, v54;
	v56 =	vmul.f32 v7, v31  }
0x2a1: {  	[tilespmem:s26+$0x40] =	vst v17;
	v45 =	vld [tilespmem:$0x10030];
	v7 =	vmul.f32 v19, v60;
	v17 =	vperm.xlane v21, v0  }
0x2a2: {  	v14 =	vadd.f32 v14, v33;
	v47 =	vld [tilespmem:$0x10050];
	v27 =	vmul.f32 v46, v38;
	v21 =	vmul.f32 v21, v43  }
0x2a3: {  	v48 =	vperm.xlane v20, v0;
	vm14 =	vgt.f32 v15, v23;
	v23 =	vperm.xlane v12, v0  }
0x2a4: {  	v46 =	vld [tilespmem:$0x10040];
	v20 =	vmul.f32 v20, v42;
	v44 =	vsel vm14, $0x2, v63;
	v17 =	vmul.f32 v17, v58  }
0x2a5: {  	[tilespmem:s26+$0x60] =	vst v14;
	v22 =	vor.u32 v44, v22;
	v14 =	vmul.f32 v48, v57;
	v23 =	vmul.f32 v23, v59  }
0x2a6: {  	v49 =	vperm.xlane v34, v22;
	v29 =	vmul.f32 v55, v40  }
0x2a7: {  	v16 =	vmul.f32 v16, v45;
	v9 =	vmul.f32 v9, v47  }
0x2a8: {  	v35 =	vadd.f32 v17, v21;
	v3 =	vmul.f32 v3, v45;
	v6 =	vmul.f32 v6, v47  }
0x2a9: {  	v53 =	vmovc v37;
	v44 =	vld [tilespmem:$0x10020];
	v24 =	vmul.f32 v24, v46;
	v33 =	vadd.f32 v14, v20;
	v20 =	vmul.f32 v26, v50  }
0x2aa: {  	[tilespmem:$0x1FD30] =	vst v39;
	v5 =	vmul.f32 v5, v46;
	vm15 =	vgt.f32 v15, v49;
	v15 =	vperm.xlane v8, v0  }
0x2ab: {  	v32 =	vld [tilespmem:$0x10190];
	[tilespmem:$0x1FD80] =	vst v45;
	v37 =	vadd.f32 v18, v16;
	v39 =	vadd.f32 v28, v9;
	vm1 =	vgt.f32 v35, v52  }
0x2ac: {  	v55 =	vld [tilespmem:$0x10060];
	[tilespmem:$0x1FDA0] =	vst v47;
	v45 =	vadd.f32 v3, v7;
	v47 =	vadd.f32 v6, v62;
	v48 =	vsel vm15, $0x1, v63  }
0x2ad: {  	v41 =	vadd.f32 v41, v20;
	vm0 =	vgt.f32 v33, v52;
	v15 =	vmul.f32 v15, v40  }
0x2ae: {  	v22 =	vor.u32 v48, v22;
	v12 =	vmul.f32 v12, v44;
	v2 =	vmul.f32 v2, v44  }
0x2af: {  	[tilespmem:$0x1FD70] =	vst v44;
	v44 =	vadd.f32 v1, v11;
	vm3 =	vgt.f32 v37, v52;
	vm5 =	vgt.f32 v39, v52  }
0x2b0: {  	vm11 =	vgt.f32 v45, v52;
	v1 =	vsel vm0, $0x4, v63;
	v22 =	vperm.xlane v32, v22  }
0x2b1: {  	vm0 =	vgt.f32 v47, v52;
	v48 =	vmul.f32 v25, v55;
	v8 =	vmul.f32 v8, v55  }
0x2b2: {  	vm7 =	vgt.f32 v41, v52;
	v7 =	vsel vm5, $0x4, v63;
	v16 =	vsel vm0, $0x4, v63  }
0x2b3: {  	[tilespmem:$0x1FD60] =	vst v43;
	v43 =	vadd.f32 v2, v13;
	vm9 =	vgt.f32 v44, v52;
	v2 =	vsel vm1, $0x4, v63  }
0x2b4: {  	v9 =	vsel vm7, $0x4, v63;
	v13 =	vsel vm11, $0x4, v63;
	v49 =	vperm.xlane v22, v0  }
0x2b5: {  	[tilespmem:$0x1FD40] =	vst v40;
	v22 =	vmul.f32 v22, v50;
	v40 =	vadd.f32 v29, v48;
	v48 =	vadd.f32 v8, v15  }
0x2b6: {  	v51 =	vld [tilespmem:$0x1FC90];
	[tilespmem:$0x1FDB0] =	vst v55;
	v11 =	vsel vm9, $0x4, v63;
	v18 =	vor.u32 $0x1, v2;
	v55 =	vor.u32 $0x1, v9  }
0x2b7: {  	v28 =	vor.u32 $0x1, v13;
	vm10 =	vgt.f32 v43, v52;
	v18 =	vperm.xlane v34, v18  }
0x2b8: {  	v26 =	vor.u32 $0x1, v11;
	v55 =	vperm.xlane v34, v55;
	v30 =	vmul.f32 v49, v54  }
0x2b9: {  	v49 =	vmul.f32 v4, v42;
	vm6 =	vgt.f32 v40, v52;
	vm13 =	vgt.f32 v48, v52  }
0x2ba: {  	[tilespmem:$0x1FD50] =	vst v42;
	v8 =	vsel vm6, $0x4, v63;
	v17 =	vsel vm13, $0x4, v63;
	vm1 =	vgt.f32 v35, v18  }
0x2bb: {  	v61 =	vmovc v51;
	v51 =	vsub.f32 v22, v30;
	v22 =	vmul.f32 v36, v38;
	v36 =	vadd.f32 v23, v12  }
0x2bc: {  	[tilespmem:$0x1FD20] =	vst v38;
	vm7 =	vgt.f32 v41, v55;
	v38 =	vadd.f32 v27, v24;
	v42 =	vadd.f32 v49, v10  }
0x2bd: {  	v12 =	vsel vm10, $0x4, v63;
	v23 =	vor.u32 $0x1, v8;
	v49 =	vor.u32 $0x1, v16  }
0x2be: {  	v18 =	vsel vm1, $0x2, v63;
	v24 =	vsel vm7, $0x2, v63;
	v27 =	vor.u32 $0x1, v12  }
0x2bf: {  	v30 =	vperm.xlane v34, v49;
	v2 =	vor.u32 v2, v18;
	v9 =	vor.u32 v9, v24  }
0x2c0: {  	[tilespmem:$0x1FD90] =	vst v46;
	v19 =	vmul.f32 v51, v56;
	vm2 =	vgt.f32 v36, v52;
	v46 =	vadd.f32 v5, v22  }
0x2c1: {  	vm4 =	vgt.f32 v38, v52;
	vm8 =	vgt.f32 v42, v52;
	v5 =	vsel vm3, $0x4, v63  }
0x2c2: {  	v51 =	vor.u32 $0x1, v1;
	v22 =	vor.u32 $0x1, v7;
	v18 =	vperm.xlane v34, v2  }
0x2c3: {  	v3 =	vsel vm2, $0x4, v63;
	v6 =	vsel vm4, $0x4, v63;
	v10 =	vsel vm8, $0x4, v63  }
0x2c4: {  	v20 =	vor.u32 $0x1, v5;
	v15 =	vperm.xlane v34, v51;
	v51 =	vor.u32 $0x1, v17  }
0x2c5: {  	vm13 =	vgt.f32 v47, v30;
	v19 =	vadd.f32 v19, v53;
	vm12 =	vgt.f32 v46, v52  }
0x2c6: {  	v52 =	vor.u32 $0x1, v3;
	v21 =	vor.u32 $0x1, v6;
	v62 =	vor.u32 $0x1, v10  }
0x2c7: {  	v20 =	vperm.xlane v34, v20;
	v31 =	vperm.xlane v34, v51;
	v55 =	vsel vm13, $0x2, v63  }
0x2c8: {  	s26 =	sadd.s32 $0x100, s26;
	vm1 =	vgt.f32 v35, v18;
	v14 =	vsel vm12, $0x4, v63;
	v21 =	vperm.xlane v34, v21  }
0x2c9: {  	vm0 =	vgt.f32 v33, v15;
	v62 =	vperm.xlane v34, v62;
	[tilespmem:s26+$0x70] =	vst v19;
	v19 =	vperm.xlane v34, v52  }
0x2ca: {  	v29 =	vor.u32 $0x1, v14;
	v52 =	vperm.xlane v34, v22;
	v22 =	vperm.xlane v34, v23  }
0x2cb: {  	vm3 =	vgt.f32 v37, v20;
	v20 =	vperm.xlane v34, v26;
	v23 =	vperm.xlane v34, v27  }
0x2cc: {  	vm14 =	vgt.f32 v48, v31;
	v15 =	vsel vm0, $0x2, v63;
	vm4 =	vgt.f32 v38, v21  }
0x2cd: {  	v21 =	vperm.xlane v34, v28;
	v29 =	vperm.xlane v34, v29;
	vm8 =	vgt.f32 v42, v62  }
0x2ce: {  	v62 =	vsel vm14, $0x2, v63;
	v1 =	vor.u32 v1, v15;
	v15 =	vor.u32 v55, v16  }
0x2cf: {  	vm2 =	vgt.f32 v36, v19;
	vm5 =	vgt.f32 v39, v52;
	vm6 =	vgt.f32 v40, v22  }
0x2d0: {  	vm9 =	vgt.f32 v44, v20;
	vm10 =	vgt.f32 v43, v23;
	v20 =	vsel vm3, $0x2, v63  }
0x2d1: {  	v25 =	vsel vm8, $0x2, v63;
	v16 =	vor.u32 v62, v17;
	v31 =	vperm.xlane v34, v1  }
0x2d2: {  	vm11 =	vgt.f32 v45, v21;
	vm12 =	vgt.f32 v46, v29;
	v19 =	vsel vm2, $0x2, v63  }
0x2d3: {  	v21 =	vsel vm4, $0x2, v63;
	v22 =	vsel vm5, $0x2, v63;
	v23 =	vsel vm6, $0x2, v63  }
0x2d4: {  	v26 =	vsel vm9, $0x2, v63;
	v49 =	vsel vm10, $0x2, v63;
	v5 =	vor.u32 v5, v20  }
0x2d5: {  	v10 =	vor.u32 v25, v10;
	v51 =	vsel vm11, $0x2, v63;
	v52 =	vsel vm12, $0x2, v63  }
0x2d6: {  	v3 =	vor.u32 v3, v19;
	v6 =	vor.u32 v6, v21;
	v7 =	vor.u32 v7, v22  }
0x2d7: {  	v8 =	vor.u32 v8, v23;
	v11 =	vor.u32 v26, v11;
	v12 =	vor.u32 v49, v12  }
0x2d8: {  	v20 =	vperm.xlane v34, v5;
	vm0 =	vgt.f32 v33, v31;
	v23 =	vperm.xlane v34, v9  }
0x2d9: {  	v35 =	vperm.xlane v34, v10;
	v13 =	vor.u32 v51, v13;
	v19 =	vperm.xlane v34, v3  }
0x2da: {  	v14 =	vor.u32 v52, v14;
	v21 =	vperm.xlane v34, v6;
	v22 =	vperm.xlane v34, v7  }
0x2db: {  	v33 =	vperm.xlane v34, v8;
	vm3 =	vgt.f32 v37, v20;
	v20 =	vperm.xlane v34, v12  }
0x2dc: {  	v37 =	vperm.xlane v34, v13;
	vm7 =	vgt.f32 v41, v23;
	vm8 =	vgt.f32 v42, v35  }
0x2dd: {  	vm2 =	vgt.f32 v36, v19;
	v36 =	vperm.xlane v34, v11;
	vm4 =	vgt.f32 v38, v21  }
0x2de: {  	v21 =	vperm.xlane v34, v14;
	v38 =	vperm.xlane v34, v15;
	vm5 =	vgt.f32 v39, v22  }
0x2df: {  	vm6 =	vgt.f32 v40, v33;
	v40 =	vperm.xlane v34, v16;
	vm10 =	vgt.f32 v43, v20  }
0x2e0: {  	vm11 =	vgt.f32 v45, v37;
	v43 =	vsel vm0, $0x1, v63;
	v45 =	vsel vm2, $0x1, v63  }
0x2e1: {  	v20 =	vsel vm3, $0x1, v63;
	v22 =	vsel vm5, $0x1, v63;
	v23 =	vsel vm6, $0x1, v63  }
0x2e2: {  	vm9 =	vgt.f32 v44, v36;
	vm12 =	vgt.f32 v46, v21;
	vm0 =	vgt.f32 v47, v38  }
0x2e3: {  	vm13 =	vgt.f32 v48, v40;
	v44 =	vsel vm1, $0x1, v63;
	v21 =	vsel vm4, $0x1, v63  }
0x2e4: {  	v46 =	vsel vm7, $0x1, v63;
	v47 =	vsel vm8, $0x1, v63;
	v49 =	vsel vm10, $0x1, v63  }
0x2e5: {  	s28 =	sadd.s32 $0x2, s28;
	v51 =	vsel vm11, $0x1, v63;
	v18 =	vor.u32 v43, v1;
	v3 =	vor.u32 v45, v3  }
0x2e6: {  	p0 =	slt.u32 s28, $0x7E;
	v33 =	vor.u32 v22, v7;
	v35 =	vor.u32 v23, v8;
	v48 =	vsel vm9, $0x1, v63  }
.Ltmp6:
0x2e7: {  	v52 =	vsel vm12, $0x1, v63;
	v55 =	vsel vm0, $0x1, v63;
	v62 =	vsel vm13, $0x1, v63;
	(pc) =	sbr.rel @p0 .LBB2_9-.Ltmp6, $4  }
0x2e8: {  	v1 =	vor.u32 v44, v2;
	v2 =	vor.u32 v20, v5;
	v5 =	vor.u32 v21, v6  }
0x2e9: {  	v36 =	vor.u32 v46, v9;
	v41 =	vor.u32 v47, v10;
	v43 =	vor.u32 v49, v12  }
0x2ea: {  	v42 =	vor.u32 v51, v13;
	v22 =	vperm.xlane v32, v18;
	v40 =	vor.u32 v48, v11  }
0x2eb: {  	v44 =	vor.u32 v52, v14;
	v45 =	vor.u32 v55, v15;
	v46 =	vor.u32 v62, v16  }
0x2ec: {  	v1 =	vperm.xlane v32, v1  }
0x2ed: {  	v3 =	vperm.xlane v32, v3;
	v2 =	vperm.xlane v32, v2  }
0x2ee: {  	v5 =	vperm.xlane v32, v5;
	v6 =	vperm.xlane v32, v33  }
0x2ef: {  	v7 =	vperm.xlane v32, v35;
	v8 =	vperm.xlane v32, v36  }
0x2f0: {  	v9 =	vperm.xlane v32, v41;
	v10 =	vperm.xlane v32, v40  }
0x2f1: {  	v11 =	vperm.xlane v32, v43;
	v12 =	vperm.xlane v32, v42  }
0x2f2: {  	v13 =	vperm.xlane v32, v44;
	v14 =	vperm.xlane v32, v45  }
0x2f3: {  	v15 =	vperm.xlane v32, v46;
	v16 =	vperm.xlane v22, v0  }
0x2f4: {  	v17 =	vperm.xlane v1, v0;
	v18 =	vperm.xlane v3, v0  }
0x2f5: {  	v4 =	vld [tilespmem:$0x1FD20];
	v19 =	vperm.xlane v2, v0;
	v31 =	vperm.xlane v5, v0  }
0x2f6: {  	v55 =	vld [tilespmem:$0x1FD30];
	v21 =	vperm.xlane v6, v0;
	v20 =	vperm.xlane v7, v0  }
0x2f7: {  	v62 =	vld [tilespmem:$0x1FD40];
	v23 =	vperm.xlane v8, v0;
	v24 =	vperm.xlane v9, v0  }
0x2f8: {  	v42 =	vld [tilespmem:$0x1FD50];
	v25 =	vperm.xlane v10, v0;
	v26 =	vperm.xlane v11, v0  }
0x2f9: {  	v44 =	vld [tilespmem:$0x1FD60];
	v27 =	vperm.xlane v12, v0;
	v28 =	vperm.xlane v13, v0  }
0x2fa: {  	v45 =	vld [tilespmem:$0x1FD70];
	v29 =	vperm.xlane v14, v0;
	v16 =	vmul.f32 v16, v57  }
0x2fb: {  	v48 =	vld [tilespmem:$0x1FD00];
	v30 =	vperm.xlane v15, v0;
	v8 =	vmul.f32 v8, v50  }
0x2fc: {  	v49 =	vld [tilespmem:$0x1FD10];
	v17 =	vmul.f32 v17, v58;
	v18 =	vmul.f32 v18, v59  }
0x2fd: {  	v34 =	vld [tilespmem:$0x1FD80];
	v19 =	vmul.f32 v19, v60;
	v23 =	vmul.f32 v23, v54  }
0x2fe: {  	v46 =	vld [tilespmem:$0x1FD90];
	v24 =	vmul.f32 v24, v57;
	v25 =	vmul.f32 v25, v58  }
0x2ff: {  	v37 =	vld [tilespmem:$0x1FDB0];
	v26 =	vmul.f32 v26, v59;
	v43 =	vmul.f32 v22, v42  }
0x300: {  	v50 =	vld [tilespmem:$0x1FCA0];
	v38 =	vmul.f32 v31, v4;
	v1 =	vmul.f32 v1, v44  }
0x301: {  	v51 =	vld [tilespmem:$0x1FCB0];
	v3 =	vmul.f32 v3, v45;
	v31 =	vmul.f32 v49, v48;
	v16 =	vsub.f32 v43, v16  }
0x302: {  	v52 =	vld [tilespmem:$0x1FCC0];
	v27 =	vmul.f32 v27, v60;
	v21 =	vmul.f32 v21, v55;
	v1 =	vsub.f32 v1, v17  }
0x303: {  	v47 =	vld [tilespmem:$0x1FDA0];
	v39 =	vmul.f32 v20, v62;
	v3 =	vsub.f32 v3, v18;
	v16 =	vmul.f32 v16, v31  }
0x304: {  	v28 =	vmul.f32 v28, v4;
	v1 =	vmul.f32 v1, v31  }
0x305: {  	v29 =	vmul.f32 v29, v55;
	v3 =	vmul.f32 v3, v31;
	v16 =	vadd.f32 v16, v50  }
0x306: {  	v30 =	vmul.f32 v30, v62;
	v2 =	vmul.f32 v2, v34;
	v1 =	vadd.f32 v1, v51  }
0x307: {  	v5 =	vmul.f32 v5, v46;
	v7 =	vmul.f32 v7, v37;
	v3 =	vadd.f32 v3, v52;
	[tilespmem:s26+$0xFFFFFF80] =	vst v16  }
0x308: {  	v6 =	vmul.f32 v6, v47;
	v9 =	vmul.f32 v9, v42;
	[tilespmem:s26+$0xFFFFFF90] =	vst v1  }
0x309: {  	v10 =	vmul.f32 v10, v44;
	v11 =	vmul.f32 v11, v45;
	v7 =	vsub.f32 v7, v39;
	v54 =	vld [tilespmem:$0x1FCD0];
	[tilespmem:s26+$0xFFFFFFA0] =	vst v3  }
0x30a: {  	v12 =	vmul.f32 v12, v34;
	v13 =	vmul.f32 v13, v46;
	v2 =	vsub.f32 v2, v19;
	v16 =	vld [tilespmem:$0x1FCE0]  }
0x30b: {  	v14 =	vmul.f32 v14, v47;
	v5 =	vsub.f32 v5, v38;
	v7 =	vmul.f32 v7, v31  }
0x30c: {  	v15 =	vmul.f32 v15, v37;
	v8 =	vsub.f32 v8, v23;
	v2 =	vmul.f32 v2, v31;
	v57 =	vld [tilespmem:$0x1FCF0]  }
0x30d: {  	v6 =	vsub.f32 v6, v21;
	v5 =	vmul.f32 v5, v31;
	v7 =	vadd.f32 v7, v61  }
0x30e: {  	v55 =	vsub.f32 v10, v25;
	v8 =	vmul.f32 v8, v31;
	v1 =	vadd.f32 v2, v54  }
0x30f: {  	v6 =	vmul.f32 v6, v31;
	[tilespmem:s26+$0xFFFFFFE0] =	vst v7;
	v2 =	vsub.f32 v9, v24;
	v3 =	vadd.f32 v5, v16  }
0x310: {  	v8 =	vadd.f32 v8, v53;
	v5 =	vmul.f32 v55, v56;
	[tilespmem:s26+$0xFFFFFFB0] =	vst v1;
	v1 =	vsub.f32 v11, v26  }
0x311: {  	v6 =	vadd.f32 v6, v57;
	v2 =	vmul.f32 v2, v56;
	[tilespmem:s26+$0xFFFFFFC0] =	vst v3;
	v3 =	vsub.f32 v12, v27  }
0x312: {  	v58 =	vsub.f32 v13, v28;
	[tilespmem:s26+$0xFFFFFFF0] =	vst v8;
	v5 =	vadd.f32 v5, v51;
	v1 =	vmul.f32 v1, v56  }
0x313: {  	v59 =	vsub.f32 v14, v29;
	[tilespmem:s26+$0xFFFFFFD0] =	vst v6;
	v2 =	vadd.f32 v2, v50;
	v3 =	vmul.f32 v3, v56  }
0x314: {  	v60 =	vsub.f32 v15, v30;
	v6 =	vmul.f32 v58, v56;
	[tilespmem:s26+$0x10] =	vst v5;
	v1 =	vadd.f32 v1, v52  }
0x315: {  	[tilespmem:s26+$0x0] =	vst v2;
	v2 =	vmul.f32 v59, v56;
	v3 =	vadd.f32 v3, v54  }
0x316: {  	p0 =	seq.s32 s23, $0x7;
	v62 =	vmul.f32 v60, v56;
	[tilespmem:s26+$0x20] =	vst v1;
	v1 =	vadd.f32 v6, v16  }
.Ltmp7:
0x317: {  	s25 =	sadd.s32 s24, s5;
	v2 =	vadd.f32 v2, v57;
	[tilespmem:s26+$0x30] =	vst v3;
	(pc) =	sbr.rel @p0 .LBB2_12-.Ltmp7, $4  }
0x318: {  	s25 =	sshll.u32 s25, $0x4;
	[tilespmem:s26+$0x40] =	vst v1;
	v1 =	vadd.f32 v62, v61  }
0x319: {  	s25 =	sadd.s32 s2, s25;
	[tilespmem:s26+$0x50] =	vst v2  }
0x31a: {  	s25 =	sadd.s32 $0x800, s25;
	[tilespmem:s26+$0x60] =	vst v1  }
0x31b: {  	[hbm4b:s25+s4] =	stream.linear.scatter [tilespmem:s20], [sflag:$0x4], $0x4000, $0x38;
	[tilespmem:$0x10200] =	vst v63  }
.Ltmp8:
0x31c: {  	(pc) =	sbr.rel .LBB2_2-.Ltmp8, $4  }
0x31d: {  	s24 =	sadd.s32 s24, s11  }
0x31e: {  	s24 =	sshll.u32 s24, $0x4  }
0x31f: {  	s23 =	sadd.s32 $0x1, s23;
	s24 =	sadd.s32 s0, s24  }
0x320: {  	v9 =	vld [tilespmem:$0x1FFF0];
	[tilespmem:s15], [sflag:$0x2] =	stream.linear.gather [hbm4b:s24+s4], $0x4000, $0x38  }
.LBB2_13:
0x321: {  	_ =	sfence.sel $0x180000  }
0x322: {  	[bflag:$0x0] =	sbarrier.arrive $0xFFFF  }
0x323: {  	p0 =	sne.s32 s3, $0x0;
	_ =	strace $0x90000047  }
0x324: {  	s0 =	sadd.s32 @!p0 $0x100000, s1;
	[bflag:$0x2] =	sbarrier.arrive $0xFFFF  }
0x325: {  	[sflag:s0] =	ssyncadd.tile.s32 @!p0 $0x1;
	_ =	shalt  }
.Lfunc_end2:
_tile_overlayer_lowered:
.L_overlay_start_2:
0x326: {  	(tag) =	ssettag $0x2  }
0x327: {  	s0 =	rddreg [dreg:$0x0];
	s2 =	stileid.u32  }
0x328: {  	s1 =	rddreg [dreg:$0x1];
	p0 =	sne.s32 s2, $0x0  }
0x329: {  	s3 =	rddreg [dreg:$0x2];
	[bflag:$0x3] =	sbarrier.arrive $0xFFFF;
	s2 =	simm.s32 @!p0 $0x1C05  }
0x32a: {  	[timem:s3], [sflag:s2] =	dma.local @!p0 [hbm:s0], s1  }
0x32b: {  	s0 =	simm.s32 @!p0 $0x5  }
0x32c: {  	_ =	swait.ge @!p0 [sflag:s0], s1  }
0x32d: {  	s1 =	ssub.s32 @!p0 $0x0, s1;
	[sflag:s0] =	ssyncset.done @!p0 $0x0  }
0x32e: {  	[sflag:s0] =	ssyncadd.s32 @!p0 s1  }
0x32f: {  	[bflag:$0x3] =	sbarrier.arrive $0xFFFF  }
0x330: {  	_ =	shalt  }

</sc_bundles>
